<compile_context>
chip_gen: v7x
topology: tpu7x:2x2x1
jax: 0.10.2.dev20260603
libtpu: 0.0.44.dev20260713+nightly
codegen_flags: <defaults>
</compile_context>

<pallas_src>
import functools

import jax
import jax.numpy as jnp
from jax import lax
from jax.experimental import pallas as pl
from jax.experimental.pallas import tpu as pltpu
from jax.experimental.pallas import tpu_sc as plsc

_SLOPE = 0.01
_NUM_SC = 2
_NUM_TILES = 16
_NW = _NUM_SC * _NUM_TILES


def _leaky(v):
    return jnp.maximum(v, _SLOPE * v)



def _node_body(x_ref, w1a_ref, attr_ref, p_ref, sr_ref):
    xb = x_ref[...]
    p_ref[...] = jnp.dot(xb, w1a_ref[...], preferred_element_type=jnp.float32)
    sr_ref[0, 0, :] = jnp.sum(xb * attr_ref[...], axis=1)


def _edge_body(pj_ref, ea_ref, srd_ref, w1b_ref, attl_ref, mw_ref, ex_ref):
    q = jax.lax.dot_general(
        ea_ref[...], w1b_ref[...], (((0,), (0,)), ((), ())),
        preferred_element_type=jnp.float32,
    )
    m = _leaky(pj_ref[...] + q)
    aj = jax.lax.dot_general(
        attl_ref[...], m, (((1,), (1,)), ((), ())),
        preferred_element_type=jnp.float32,
    )
    alpha = _leaky(aj[0, :] + srd_ref[0, 0, :])
    ex = jnp.exp(alpha)
    ex_ref[0, 0, :] = ex
    mw_ref[...] = m * ex[:, None]


def _final_body(acc_ref, den_ref, w2_ref, b_ref, out_ref):
    acc = acc_ref[0] + acc_ref[1]
    den = den_ref[0, 0, 0, :] + den_ref[1, 0, 0, :]
    s = acc / (den + 1e-16)[:, None]
    out_ref[...] = (
        jnp.dot(s, w2_ref[...], preferred_element_type=jnp.float32) + b_ref[...]
    )



def _tc_node(x, w1a, att_r, nb):
    n, d = x.shape
    g = n // nb
    return pl.pallas_call(
        _node_body,
        grid=(g,),
        in_specs=[
            pl.BlockSpec((nb, d), lambda i: (i, 0)),
            pl.BlockSpec((d, d), lambda i: (0, 0)),
            pl.BlockSpec((1, d), lambda i: (0, 0)),
        ],
        out_specs=[
            pl.BlockSpec((nb, d), lambda i: (i, 0)),
            pl.BlockSpec((1, 1, nb), lambda i: (i, 0, 0)),
        ],
        out_shape=[
            jax.ShapeDtypeStruct((n, d), jnp.float32),
            jax.ShapeDtypeStruct((g, 1, nb), jnp.float32),
        ],
    )(x, w1a, att_r)


def _tc_edge(pj, ea_t, srd3, w1b, attl, eb):
    e, d = pj.shape
    de = ea_t.shape[0]
    g = e // eb
    return pl.pallas_call(
        _edge_body,
        grid=(g,),
        in_specs=[
            pl.BlockSpec((eb, d), lambda i: (i, 0)),
            pl.BlockSpec((de, eb), lambda i: (0, i)),
            pl.BlockSpec((1, 1, eb), lambda i: (i, 0, 0)),
            pl.BlockSpec((de, d), lambda i: (0, 0)),
            pl.BlockSpec((1, d), lambda i: (0, 0)),
        ],
        out_specs=[
            pl.BlockSpec((eb, d), lambda i: (i, 0)),
            pl.BlockSpec((1, 1, eb), lambda i: (i, 0, 0)),
        ],
        out_shape=[
            jax.ShapeDtypeStruct((e, d), jnp.float32),
            jax.ShapeDtypeStruct((g, 1, eb), jnp.float32),
        ],
    )(pj, ea_t, srd3, w1b, attl)


def _tc_final(accp, denp4, w2, bias2, nb):
    _, n, d = accp.shape
    g = n // nb
    return pl.pallas_call(
        _final_body,
        grid=(g,),
        in_specs=[
            pl.BlockSpec((2, nb, d), lambda i: (0, i, 0)),
            pl.BlockSpec((2, 1, 1, nb), lambda i: (0, i, 0, 0)),
            pl.BlockSpec((d, d), lambda i: (0, 0)),
            pl.BlockSpec((1, d), lambda i: (0, 0)),
        ],
        out_specs=pl.BlockSpec((nb, d), lambda i: (i, 0)),
        out_shape=jax.ShapeDtypeStruct((n, d), jnp.float32),
    )(accp, denp4, w2, bias2)



def _sc_mesh():
    return plsc.VectorSubcoreMesh(
        core_axis_name="c", subcore_axis_name="s",
        num_cores=_NUM_SC, num_subcores=_NUM_TILES,
    )


_NBUF = 4


@functools.lru_cache(maxsize=None)
def _make_sc_gather(n, e, d, c):
    epw = e // _NW
    nf = epw // c
    rem = epw - nf * c
    ngrp = nf // _NBUF
    nleft = nf - ngrp * _NBUF
    assert rem % 8 == 0

    @functools.partial(
        pl.kernel,
        out_type=[
            jax.ShapeDtypeStruct((e, d), jnp.float32),
            jax.ShapeDtypeStruct((e,), jnp.float32),
        ],
        mesh=_sc_mesh(),
        scratch_types=[
            pltpu.VMEM((epw,), jnp.int32),
            pltpu.VMEM((epw,), jnp.int32),
            pltpu.VMEM((epw,), jnp.float32),
        ] + [pltpu.VMEM((c, d), jnp.float32)] * _NBUF
          + [pltpu.SemaphoreType.DMA] * (2 * _NBUF + 1),
    )
    def sc_gather(p_hbm, sr_hbm, src_hbm, dst_hbm, pj_hbm, srd_hbm,
                  sidx_all, didx_all, srv_all, *bufsem):
        rows = bufsem[:_NBUF]
        gsem = bufsem[_NBUF:2 * _NBUF]
        wsem = bufsem[2 * _NBUF:3 * _NBUF]
        ssem = bufsem[3 * _NBUF]
        wid = lax.axis_index("s") * _NUM_SC + lax.axis_index("c")
        base0 = wid * epw

        pltpu.sync_copy(src_hbm.at[pl.ds(base0, epw)], sidx_all)
        pltpu.sync_copy(dst_hbm.at[pl.ds(base0, epw)], didx_all)

        def sr_fire(j, carry):
            sl = pl.ds(j * c, c)
            pltpu.async_copy(sr_hbm.at[didx_all.at[sl]], srv_all.at[sl], ssem)
            return carry

        lax.fori_loop(0, nf, sr_fire, 0)
        if rem:
            sl = pl.ds(nf * c, rem)
            pltpu.async_copy(sr_hbm.at[didx_all.at[sl]], srv_all.at[sl], ssem)

        def group(g, carry):
            for b in range(_NBUF):
                j = g * _NBUF + b

                @pl.when(g > 0)
                def _(b=b, j=j):
                    pltpu.make_async_copy(
                        rows[b],
                        pj_hbm.at[pl.ds(base0 + (j - _NBUF) * c, c)],
                        wsem[b],
                    ).wait()

                pltpu.async_copy(
                    p_hbm.at[sidx_all.at[pl.ds(j * c, c)]], rows[b], gsem[b]
                )
            for b in range(_NBUF):
                j = g * _NBUF + b
                pltpu.make_async_copy(
                    p_hbm.at[sidx_all.at[pl.ds(j * c, c)]], rows[b], gsem[b]
                ).wait()
                pltpu.async_copy(
                    rows[b], pj_hbm.at[pl.ds(base0 + j * c, c)], wsem[b]
                )
            return carry

        lax.fori_loop(0, ngrp, group, 0)
        for b in range(_NBUF):
            j = (ngrp - 1) * _NBUF + b
            pltpu.make_async_copy(
                rows[b], pj_hbm.at[pl.ds(base0 + j * c, c)], wsem[b]
            ).wait()

        for b in range(nleft):
            j = ngrp * _NBUF + b
            pltpu.async_copy(
                p_hbm.at[sidx_all.at[pl.ds(j * c, c)]], rows[b], gsem[b]
            )
        for b in range(nleft):
            j = ngrp * _NBUF + b
            pltpu.make_async_copy(
                p_hbm.at[sidx_all.at[pl.ds(j * c, c)]], rows[b], gsem[b]
            ).wait()
            pltpu.sync_copy(rows[b], pj_hbm.at[pl.ds(base0 + j * c, c)])

        if rem:
            slr = sidx_all.at[pl.ds(nf * c, rem)]
            rr = rows[0].at[pl.ds(0, rem)]
            pltpu.async_copy(p_hbm.at[slr], rr, gsem[0]).wait()
            pltpu.sync_copy(rr, pj_hbm.at[pl.ds(base0 + nf * c, rem)])

        pltpu.make_async_copy(sr_hbm.at[didx_all], srv_all, ssem).wait()
        pltpu.sync_copy(srv_all, srd_hbm.at[pl.ds(base0, epw)])

    return sc_gather


@functools.lru_cache(maxsize=None)
def _make_sc_scatter(npad, e, d, c):
    epw = e // _NW
    npt = npad // _NUM_TILES
    rc = 64
    nrc = npt // rc
    dc = 1280
    ndc = npad // dc

    nf = epw // c
    rem = epw - nf * c
    ngrp = nf // _NBUF
    nleft = nf - ngrp * _NBUF
    assert rem % 8 == 0

    @functools.partial(
        pl.kernel,
        out_type=[
            jax.ShapeDtypeStruct((_NUM_SC, npad, d), jnp.float32),
            jax.ShapeDtypeStruct((_NUM_SC, npad), jnp.float32),
        ],
        mesh=_sc_mesh(),
        scratch_types=[
            pltpu.VMEM((max(rem, 8),), jnp.int32),
            pltpu.VMEM((rc, d), jnp.float32),
            pltpu.VMEM((dc,), jnp.float32),
            pltpu.VMEM_SHARED((npad, d), jnp.float32),
            pltpu.VMEM_SHARED((npad,), jnp.float32),
        ] + [pltpu.VMEM((c, d), jnp.float32)] * _NBUF
          + [pltpu.VMEM((c,), jnp.int32)] * _NBUF
          + [pltpu.VMEM((c,), jnp.float32)] * _NBUF
          + [pltpu.SemaphoreType.DMA] * (3 * _NBUF),
    )
    def sc_scatter(mw_hbm, ex_hbm, dst_hbm, zrows_hbm, zvec_hbm,
                   acc_hbm, den_hbm,
                   didx_r, rbuf, dbuf, acc_sh, den_sh, *bufsem):
        mws = bufsem[:_NBUF]
        didxs = bufsem[_NBUF:2 * _NBUF]
        exs = bufsem[2 * _NBUF:3 * _NBUF]
        lsem = bufsem[3 * _NBUF:4 * _NBUF]
        isem = bufsem[4 * _NBUF:5 * _NBUF]
        ssem = bufsem[5 * _NBUF:6 * _NBUF]
        cid = lax.axis_index("c")
        sid = lax.axis_index("s")
        wid = sid * _NUM_SC + cid
        base0 = wid * epw

        pltpu.sync_copy(zrows_hbm, rbuf)

        def zbody(t, carry):
            pltpu.sync_copy(rbuf, acc_sh.at[pl.ds(sid * npt + t * rc, rc)])
            return carry

        lax.fori_loop(0, nrc, zbody, 0)

        @pl.when(sid == 0)
        def _():
            pltpu.sync_copy(zvec_hbm, dbuf)

            def zden(k, carry):
                pltpu.sync_copy(dbuf, den_sh.at[pl.ds(k * dc, dc)])
                return carry

            lax.fori_loop(0, ndc, zden, 0)

        plsc.subcore_barrier()

        def group(g, carry):
            for b in range(_NBUF):
                j = g * _NBUF + b
                sl = pl.ds(base0 + j * c, c)

                @pl.when(g > 0)
                def _(b=b):
                    pltpu.make_async_copy(mws[b], acc_sh.at[didxs[b]],
                                          ssem[b]).wait()
                    pltpu.make_async_copy(exs[b], den_sh.at[didxs[b]],
                                          ssem[b]).wait()

                pltpu.async_copy(dst_hbm.at[sl], didxs[b], isem[b])
                pltpu.async_copy(mw_hbm.at[sl], mws[b], lsem[b])
                pltpu.async_copy(ex_hbm.at[sl], exs[b], lsem[b])
            for b in range(_NBUF):
                j = g * _NBUF + b
                sl = pl.ds(base0 + j * c, c)
                pltpu.make_async_copy(dst_hbm.at[sl], didxs[b], isem[b]).wait()
                pltpu.make_async_copy(mw_hbm.at[sl], mws[b], lsem[b]).wait()
                pltpu.make_async_copy(ex_hbm.at[sl], exs[b], lsem[b]).wait()
                pltpu.async_copy(mws[b], acc_sh.at[didxs[b]], ssem[b],
                                 add=True)
                pltpu.async_copy(exs[b], den_sh.at[didxs[b]], ssem[b],
                                 add=True)
            return carry

        lax.fori_loop(0, ngrp, group, 0)
        for b in range(_NBUF):
            pltpu.make_async_copy(mws[b], acc_sh.at[didxs[b]], ssem[b]).wait()
            pltpu.make_async_copy(exs[b], den_sh.at[didxs[b]], ssem[b]).wait()

        for b in range(nleft):
            j = ngrp * _NBUF + b
            sl = pl.ds(base0 + j * c, c)
            pltpu.sync_copy(dst_hbm.at[sl], didxs[b])
            pltpu.sync_copy(mw_hbm.at[sl], mws[b])
            pltpu.sync_copy(ex_hbm.at[sl], exs[b])
            pltpu.sync_copy(mws[b], acc_sh.at[didxs[b]], add=True)
            pltpu.sync_copy(exs[b], den_sh.at[didxs[b]], add=True)

        if rem:
            slr = pl.ds(base0 + nf * c, rem)
            mr = mws[0].at[pl.ds(0, rem)]
            xr = exs[0].at[pl.ds(0, rem)]
            pltpu.sync_copy(dst_hbm.at[slr], didx_r)
            pltpu.sync_copy(mw_hbm.at[slr], mr)
            pltpu.sync_copy(ex_hbm.at[slr], xr)
            pltpu.sync_copy(mr, acc_sh.at[didx_r], add=True)
            pltpu.sync_copy(xr, den_sh.at[didx_r], add=True)

        plsc.subcore_barrier()

        def ebody(t, carry):
            off = sid * npt + t * rc
            pltpu.sync_copy(acc_sh.at[pl.ds(off, rc)], rbuf)
            pltpu.sync_copy(rbuf, acc_hbm.at[cid, pl.ds(off, rc)])
            return carry

        lax.fori_loop(0, nrc, ebody, 0)

        @pl.when(sid == 0)
        def _():
            def eden(k, carry):
                sl = pl.ds(k * dc, dc)
                pltpu.sync_copy(den_sh.at[sl], dbuf)
                pltpu.sync_copy(dbuf, den_hbm.at[cid, sl])
                return carry

            lax.fori_loop(0, ndc, eden, 0)

    return sc_scatter



def kernel(x, edge_index, edge_attr, W1, W2, att_l, att_r, bias):
    n, d_in = x.shape
    e = edge_index.shape[1]
    d_e = edge_attr.shape[1]
    d_out = W1.shape[1]

    src = edge_index[0]
    dst = edge_index[1]
    w1a = W1[:d_in]
    w1b = W1[d_in:]

    nb = 1000
    p, sr3 = _tc_node(x, w1a, att_r, nb)
    sr = sr3.reshape(n)

    c = 128
    pj, srd = _make_sc_gather(n, e, d_out, c)(p, sr, src, dst)

    eb = 6400
    g = e // eb
    mw, ex3 = _tc_edge(pj, edge_attr.T, srd.reshape(g, 1, eb), w1b, att_l, eb)
    ex = ex3.reshape(e)

    npad = 10240
    zrows = jnp.zeros((64, d_out), jnp.float32)
    zvec = jnp.zeros((1280,), jnp.float32)
    accp, denp = _make_sc_scatter(npad, e, d_out, 64)(mw, ex, dst, zrows, zvec)

    fb = 1280
    out = _tc_final(
        accp, denp.reshape(_NUM_SC, npad // fb, 1, fb), W2,
        bias.reshape(1, d_out), fb,
    )
    return out[:n]

# --- scband reference (transcript-rebuilt; emitter-appended) ---
"""Pipeline reference for scband-lex-components-61108794687737 (READ-ONLY COPY).

The authoritative reference and input builder live on the scoring server;
editing this copy changes nothing except your own understanding.
"""

import jax, jax.numpy as jnp
import numpy as np

N = 10000
E = 320000
D_IN = 128
D_OUT = 128
D_EDGE = 16


def _leaky(v, slope=0.01):
    return jnp.where(v >= 0, v, slope * v)


def setup_inputs(seed: int = 0) -> dict:
    key = jax.random.key(seed)
    ks = jax.random.split(key, 8)
    x = jax.random.normal(ks[0], (N, D_IN), dtype=jnp.float32)
    edge_index = jax.random.randint(ks[1], (2, E), 0, N, dtype=jnp.int32)
    edge_attr = jax.random.normal(ks[2], (E, D_EDGE), dtype=jnp.float32)
    # glorot-style init for learned params (lin1: in+edge -> out, lin2: out -> out)
    W1 = jax.random.normal(ks[3], (D_IN + D_EDGE, D_OUT), dtype=jnp.float32) * (2.0 / (D_IN + D_EDGE + D_OUT)) ** 0.5
    W2 = jax.random.normal(ks[4], (D_OUT, D_OUT), dtype=jnp.float32) * (2.0 / (2 * D_OUT)) ** 0.5
    att_l = jax.random.normal(ks[5], (1, D_OUT), dtype=jnp.float32) * (2.0 / (1 + D_OUT)) ** 0.5
    att_r = jax.random.normal(ks[6], (1, D_IN), dtype=jnp.float32) * (2.0 / (1 + D_IN)) ** 0.5
    bias = jnp.zeros((D_OUT,), dtype=jnp.float32)
    return {"x": x, "edge_index": edge_index, "edge_attr": edge_attr,
            "W1": W1, "W2": W2, "att_l": att_l, "att_r": att_r, "bias": bias}


def reference(x, edge_index, edge_attr, W1, W2, att_l, att_r, bias):
    # Edge2dConv.forward: propagate(edge_index, x=x, edge_attr=edge_attr) + bias
    # PyG convention: src = edge_index[0] (x_j), dst = edge_index[1] (x_i), aggr='add' at dst
    src = edge_index[0]
    dst = edge_index[1]
    n = x.shape[0]
    x_j = jnp.take(x, src, axis=0)
    x_i = jnp.take(x, dst, axis=0)
    # message: x_j = leaky_relu(lin1(cat([x_j, edge_attr])))
    m = jnp.concatenate([x_j, edge_attr], axis=-1) @ W1
    m = _leaky(m)
    alpha_j = (m * att_l).sum(axis=-1)
    alpha_i = (x_i * att_r).sum(axis=-1)
    alpha = _leaky(alpha_j + alpha_i)
    # segment softmax over destination index
    amax = jax.ops.segment_max(alpha, dst, num_segments=n)
    amax = jnp.where(jnp.isfinite(amax), amax, 0.0)
    ex = jnp.exp(alpha - jnp.take(amax, dst, axis=0))
    denom = jax.ops.segment_sum(ex, dst, num_segments=n)
    a = ex / (jnp.take(denom, dst, axis=0) + 1e-16)
    # dropout p=0.0 (eval) -> identity
    msg = (m @ W2) * a[:, None]
    out = jax.ops.segment_sum(msg, dst, num_segments=n)
    out = out + bias
    return out

if __name__ == "__main__":
    import jax
    _d = setup_inputs()
    print(jax.jit(kernel)(*tuple(_d.values())))

</pallas_src>

<mosaic_0001>
#map = affine_map<(d0, d1) -> (0, 0)>
#map1 = affine_map<(d0, d1) -> (0)>
#map2 = affine_map<(d0, d1) -> (0, 0, 0)>
module attributes {stable_mosaic.version = 14 : i64} {
  func.func @sc_scatter(%arg0: i32, %arg1: i32, %arg2: memref<320000x128xf32, #tpu.memory_space<hbm>>, %arg3: memref<320000xf32, #tpu.memory_space<hbm>>, %arg4: memref<320000xi32, #tpu.memory_space<hbm>>, %arg5: memref<64x128xf32, #tpu.memory_space<hbm>>, %arg6: memref<1280xf32, #tpu.memory_space<hbm>>, %arg7: memref<2x10240x128xf32, #tpu.memory_space<hbm>>, %arg8: memref<2x10240xf32, #tpu.memory_space<hbm>>, %arg9: memref<16xi32, #tpu.memory_space<vmem>>, %arg10: memref<64x128xf32, #tpu.memory_space<vmem>>, %arg11: memref<1280xf32, #tpu.memory_space<vmem>>, %arg12: memref<10240x128xf32, #tpu.memory_space<vmem_shared>>, %arg13: memref<10240xf32, #tpu.memory_space<vmem_shared>>, %arg14: memref<64x128xf32, #tpu.memory_space<vmem>>, %arg15: memref<64x128xf32, #tpu.memory_space<vmem>>, %arg16: memref<64x128xf32, #tpu.memory_space<vmem>>, %arg17: memref<64x128xf32, #tpu.memory_space<vmem>>, %arg18: memref<64xi32, #tpu.memory_space<vmem>>, %arg19: memref<64xi32, #tpu.memory_space<vmem>>, %arg20: memref<64xi32, #tpu.memory_space<vmem>>, %arg21: memref<64xi32, #tpu.memory_space<vmem>>, %arg22: memref<64xf32, #tpu.memory_space<vmem>>, %arg23: memref<64xf32, #tpu.memory_space<vmem>>, %arg24: memref<64xf32, #tpu.memory_space<vmem>>, %arg25: memref<64xf32, #tpu.memory_space<vmem>>, %arg26: memref<!tpu.dma_semaphore, #tpu.memory_space<semaphore_mem>>, %arg27: memref<!tpu.dma_semaphore, #tpu.memory_space<semaphore_mem>>, %arg28: memref<!tpu.dma_semaphore, #tpu.memory_space<semaphore_mem>>, %arg29: memref<!tpu.dma_semaphore, #tpu.memory_space<semaphore_mem>>, %arg30: memref<!tpu.dma_semaphore, #tpu.memory_space<semaphore_mem>>, %arg31: memref<!tpu.dma_semaphore, #tpu.memory_space<semaphore_mem>>, %arg32: memref<!tpu.dma_semaphore, #tpu.memory_space<semaphore_mem>>, %arg33: memref<!tpu.dma_semaphore, #tpu.memory_space<semaphore_mem>>, %arg34: memref<!tpu.dma_semaphore, #tpu.memory_space<semaphore_mem>>, %arg35: memref<!tpu.dma_semaphore, #tpu.memory_space<semaphore_mem>>, %arg36: memref<!tpu.dma_semaphore, #tpu.memory_space<semaphore_mem>>, %arg37: memref<!tpu.dma_semaphore, #tpu.memory_space<semaphore_mem>>) attributes {dimension_semantics = [#tpu.dimension_semantics<core_parallel>, #tpu.dimension_semantics<subcore_parallel>], iteration_bounds = array<i64: 2, 16>, scalar_prefetch = 0 : i64, scratch_operands = 29 : i64, tpu.core_type = #tpu.core_type<sc_vector_subcore>, window_params = [{transform_indices = #map}, {transform_indices = #map1}, {transform_indices = #map1}, {transform_indices = #map}, {transform_indices = #map1}, {transform_indices = #map2}, {transform_indices = #map}]} {
    %mul3A = arith.constant 2 : i32
    %mul3A_0 = arith.muli %arg1, %mul3A : i32
    %add3A = arith.addi %mul3A_0, %arg0 : i32
    %mul3A_1 = arith.constant 10000 : i32
    %mul3A_2 = arith.muli %add3A, %mul3A_1 : i32
    "tpu.region"() ({
      %run_scoped3A = tpu.sem_alloc : memref<!tpu.dma_semaphore, #tpu.memory_space<semaphore_mem>>
      tpu.enqueue_dma source(%arg5 : memref<64x128xf32, #tpu.memory_space<hbm>>) target(%arg10 : memref<64x128xf32, #tpu.memory_space<vmem>>) target_semaphore(%run_scoped3A : memref<!tpu.dma_semaphore, #tpu.memory_space<semaphore_mem>>)
      tpu.wait_dma2 semaphore(%run_scoped3A : memref<!tpu.dma_semaphore, #tpu.memory_space<semaphore_mem>>) src(%arg5 : memref<64x128xf32, #tpu.memory_space<hbm>>) dst(%arg10 : memref<64x128xf32, #tpu.memory_space<vmem>>)
      tpu.yield
    }) : () -> ()
    %scan3A = arith.constant 0 : i32
    %scan3A_3 = arith.constant 0 : i32
    %scan3A_4 = arith.constant 10 : i32
    %scan3A_5 = arith.addi %scan3A_3, %scan3A_4 : i32
    %scan3A_6 = arith.constant 1 : i32
    scf.for %scan3A_49 = %scan3A_3 to %scan3A_5 step %scan3A_6  : i32 {
      %mul3A_50 = arith.constant 640 : i32
      %mul3A_51 = arith.muli %arg1, %mul3A_50 : i32
      %mul3A_52 = arith.constant 64 : i32
      %mul3A_53 = arith.muli %scan3A_49, %mul3A_52 : i32
      %add3A_54 = arith.addi %mul3A_51, %mul3A_53 : i32
      "tpu.region"() ({
        %run_scoped3A = tpu.sem_alloc : memref<!tpu.dma_semaphore, #tpu.memory_space<semaphore_mem>>
        %dma_start3A = arith.constant 0 : i32
        %dma_start3A_55 = tpu.memref_slice %arg12[%add3A_54, %dma_start3A] : memref<10240x128xf32, #tpu.memory_space<vmem_shared>> -> memref<64x128xf32, #tpu.memory_space<vmem_shared>>
        %dma_start3A_56 = arith.constant 0 : i32
        %dma_start3A_57 = tpu.memref_slice %arg12[%add3A_54, %dma_start3A_56] : memref<10240x128xf32, #tpu.memory_space<vmem_shared>> -> memref<64x128xf32, #tpu.memory_space<vmem_shared>>
        tpu.enqueue_dma source(%arg10 : memref<64x128xf32, #tpu.memory_space<vmem>>) target(%dma_start3A_57 : memref<64x128xf32, #tpu.memory_space<vmem_shared>>) target_semaphore(%run_scoped3A : memref<!tpu.dma_semaphore, #tpu.memory_space<semaphore_mem>>)
        %dma_wait3A_58 = arith.constant 0 : i32
        %dma_wait3A_59 = tpu.memref_slice %arg12[%add3A_54, %dma_wait3A_58] : memref<10240x128xf32, #tpu.memory_space<vmem_shared>> -> memref<64x128xf32, #tpu.memory_space<vmem_shared>>
        %dma_wait3A_60 = arith.constant 0 : i32
        %dma_wait3A_61 = tpu.memref_slice %arg12[%add3A_54, %dma_wait3A_60] : memref<10240x128xf32, #tpu.memory_space<vmem_shared>> -> memref<64x128xf32, #tpu.memory_space<vmem_shared>>
        tpu.wait_dma2 semaphore(%run_scoped3A : memref<!tpu.dma_semaphore, #tpu.memory_space<semaphore_mem>>) src(%arg10 : memref<64x128xf32, #tpu.memory_space<vmem>>) dst(%dma_wait3A_61 : memref<64x128xf32, #tpu.memory_space<vmem_shared>>)
        tpu.yield
      }) : () -> ()
    }
    %scan3A_7 = arith.constant 10 : i32
    %eq3A = arith.constant 0 : i32
    %eq3A_8 = arith.cmpi eq, %arg1, %eq3A : i32
    %convert_element_type3A = arith.extui %eq3A_8 : i1 to i32
    %cond3A = arith.constant 0 : i32
    %cond3A_9 = arith.cmpi ne, %convert_element_type3A, %cond3A : i32
    scf.if %cond3A_9 {
      "tpu.region"() ({
        %run_scoped3A = tpu.sem_alloc : memref<!tpu.dma_semaphore, #tpu.memory_space<semaphore_mem>>
        tpu.enqueue_dma source(%arg6 : memref<1280xf32, #tpu.memory_space<hbm>>) target(%arg11 : memref<1280xf32, #tpu.memory_space<vmem>>) target_semaphore(%run_scoped3A : memref<!tpu.dma_semaphore, #tpu.memory_space<semaphore_mem>>)
        tpu.wait_dma2 semaphore(%run_scoped3A : memref<!tpu.dma_semaphore, #tpu.memory_space<semaphore_mem>>) src(%arg6 : memref<1280xf32, #tpu.memory_space<hbm>>) dst(%arg11 : memref<1280xf32, #tpu.memory_space<vmem>>)
        tpu.yield
      }) : () -> ()
      %scan3A_49 = arith.constant 0 : i32
      %scan3A_50 = arith.constant 0 : i32
      %scan3A_51 = arith.constant 8 : i32
      %scan3A_52 = arith.addi %scan3A_50, %scan3A_51 : i32
      %scan3A_53 = arith.constant 1 : i32
      scf.for %scan3A_55 = %scan3A_50 to %scan3A_52 step %scan3A_53  : i32 {
        %mul3A_56 = arith.constant 1280 : i32
        %mul3A_57 = arith.muli %scan3A_55, %mul3A_56 : i32
        "tpu.region"() ({
          %run_scoped3A = tpu.sem_alloc : memref<!tpu.dma_semaphore, #tpu.memory_space<semaphore_mem>>
          %dma_start3A = tpu.memref_slice %arg13[%mul3A_57] : memref<10240xf32, #tpu.memory_space<vmem_shared>> -> memref<1280xf32, #tpu.memory_space<vmem_shared>>
          %dma_start3A_58 = tpu.memref_slice %arg13[%mul3A_57] : memref<10240xf32, #tpu.memory_space<vmem_shared>> -> memref<1280xf32, #tpu.memory_space<vmem_shared>>
          tpu.enqueue_dma source(%arg11 : memref<1280xf32, #tpu.memory_space<vmem>>) target(%dma_start3A_58 : memref<1280xf32, #tpu.memory_space<vmem_shared>>) target_semaphore(%run_scoped3A : memref<!tpu.dma_semaphore, #tpu.memory_space<semaphore_mem>>)
          %dma_wait3A_59 = tpu.memref_slice %arg13[%mul3A_57] : memref<10240xf32, #tpu.memory_space<vmem_shared>> -> memref<1280xf32, #tpu.memory_space<vmem_shared>>
          %dma_wait3A_60 = tpu.memref_slice %arg13[%mul3A_57] : memref<10240xf32, #tpu.memory_space<vmem_shared>> -> memref<1280xf32, #tpu.memory_space<vmem_shared>>
          tpu.wait_dma2 semaphore(%run_scoped3A : memref<!tpu.dma_semaphore, #tpu.memory_space<semaphore_mem>>) src(%arg11 : memref<1280xf32, #tpu.memory_space<vmem>>) dst(%dma_wait3A_60 : memref<1280xf32, #tpu.memory_space<vmem_shared>>)
          tpu.yield
        }) : () -> ()
      }
      %scan3A_54 = arith.constant 8 : i32
    } else {
    }
    %barrier3A = arith.constant 0 : index
    tpu.barrier barrier_id(%barrier3A)
    %scan3A_10 = arith.constant 0 : i32
    %scan3A_11 = arith.constant 0 : i32
    %scan3A_12 = arith.constant 39 : i32
    %scan3A_13 = arith.addi %scan3A_11, %scan3A_12 : i32
    %scan3A_14 = arith.constant 1 : i32
    scf.for %scan3A_49 = %scan3A_11 to %scan3A_13 step %scan3A_14  : i32 {
      %mul3A_50 = arith.constant 4 : i32
      %mul3A_51 = arith.muli %scan3A_49, %mul3A_50 : i32
      %add3A_52 = arith.constant 0 : i32
      %add3A_53 = arith.addi %mul3A_51, %add3A_52 : i32
      %mul3A_54 = arith.constant 64 : i32
      %mul3A_55 = arith.muli %add3A_53, %mul3A_54 : i32
      %add3A_56 = arith.addi %mul3A_2, %mul3A_55 : i32
      %gt3A = arith.constant 0 : i32
      %gt3A_57 = arith.cmpi sgt, %scan3A_49, %gt3A : i32
      %convert_element_type3A_58 = arith.extui %gt3A_57 : i1 to i32
      %cond3A_59 = arith.constant 0 : i32
      %cond3A_60 = arith.cmpi ne, %convert_element_type3A_58, %cond3A_59 : i32
      scf.if %cond3A_60 {
        %dma_wait3A_208 = arith.constant 0 : i32
        %dma_wait3A_209 = arith.constant 0 : i32
        %dma_wait3A_210 = tpu.memref_slice %arg12[%dma_wait3A_208, %dma_wait3A_209] : memref<10240x128xf32, #tpu.memory_space<vmem_shared>> -> memref<10240x128xf32, #tpu.memory_space<vmem_shared>>
        tpu.wait_indirect_dma semaphore(%arg34 : memref<!tpu.dma_semaphore, #tpu.memory_space<semaphore_mem>>) src(%arg14 : memref<64x128xf32, #tpu.memory_space<vmem>>) dst(%dma_wait3A_210 : memref<10240x128xf32, #tpu.memory_space<vmem_shared>>)
        %dma_wait3A_211 = arith.constant 0 : i32
        %dma_wait3A_212 = tpu.memref_slice %arg13[%dma_wait3A_211] : memref<10240xf32, #tpu.memory_space<vmem_shared>> -> memref<10240xf32, #tpu.memory_space<vmem_shared>>
        tpu.wait_indirect_dma semaphore(%arg34 : memref<!tpu.dma_semaphore, #tpu.memory_space<semaphore_mem>>) src(%arg22 : memref<64xf32, #tpu.memory_space<vmem>>) dst(%dma_wait3A_212 : memref<10240xf32, #tpu.memory_space<vmem_shared>>)
      } else {
      }
      %dma_start3A = tpu.memref_slice %arg4[%add3A_56] : memref<320000xi32, #tpu.memory_space<hbm>> -> memref<64xi32, #tpu.memory_space<hbm>>
      %dma_start3A_61 = tpu.memref_slice %arg4[%add3A_56] : memref<320000xi32, #tpu.memory_space<hbm>> -> memref<64xi32, #tpu.memory_space<hbm>>
      tpu.enqueue_dma source(%dma_start3A_61 : memref<64xi32, #tpu.memory_space<hbm>>) target(%arg18 : memref<64xi32, #tpu.memory_space<vmem>>) target_semaphore(%arg30 : memref<!tpu.dma_semaphore, #tpu.memory_space<semaphore_mem>>)
      %dma_start3A_62 = arith.constant 0 : i32
      %dma_start3A_63 = tpu.memref_slice %arg2[%add3A_56, %dma_start3A_62] : memref<320000x128xf32, #tpu.memory_space<hbm>> -> memref<64x128xf32, #tpu.memory_space<hbm>>
      %dma_start3A_64 = arith.constant 0 : i32
      %dma_start3A_65 = tpu.memref_slice %arg2[%add3A_56, %dma_start3A_64] : memref<320000x128xf32, #tpu.memory_space<hbm>> -> memref<64x128xf32, #tpu.memory_space<hbm>>
      tpu.enqueue_dma source(%dma_start3A_65 : memref<64x128xf32, #tpu.memory_space<hbm>>) target(%arg14 : memref<64x128xf32, #tpu.memory_space<vmem>>) target_semaphore(%arg26 : memref<!tpu.dma_semaphore, #tpu.memory_space<semaphore_mem>>)
      %dma_start3A_66 = tpu.memref_slice %arg3[%add3A_56] : memref<320000xf32, #tpu.memory_space<hbm>> -> memref<64xf32, #tpu.memory_space<hbm>>
      %dma_start3A_67 = tpu.memref_slice %arg3[%add3A_56] : memref<320000xf32, #tpu.memory_space<hbm>> -> memref<64xf32, #tpu.memory_space<hbm>>
      tpu.enqueue_dma source(%dma_start3A_67 : memref<64xf32, #tpu.memory_space<hbm>>) target(%arg22 : memref<64xf32, #tpu.memory_space<vmem>>) target_semaphore(%arg26 : memref<!tpu.dma_semaphore, #tpu.memory_space<semaphore_mem>>)
      %mul3A_68 = arith.constant 4 : i32
      %mul3A_69 = arith.muli %scan3A_49, %mul3A_68 : i32
      %add3A_70 = arith.constant 1 : i32
      %add3A_71 = arith.addi %mul3A_69, %add3A_70 : i32
      %mul3A_72 = arith.constant 64 : i32
      %mul3A_73 = arith.muli %add3A_71, %mul3A_72 : i32
      %add3A_74 = arith.addi %mul3A_2, %mul3A_73 : i32
      %gt3A_75 = arith.constant 0 : i32
      %gt3A_76 = arith.cmpi sgt, %scan3A_49, %gt3A_75 : i32
      %convert_element_type3A_77 = arith.extui %gt3A_76 : i1 to i32
      %cond3A_78 = arith.constant 0 : i32
      %cond3A_79 = arith.cmpi ne, %convert_element_type3A_77, %cond3A_78 : i32
      scf.if %cond3A_79 {
        %dma_wait3A_208 = arith.constant 0 : i32
        %dma_wait3A_209 = arith.constant 0 : i32
        %dma_wait3A_210 = tpu.memref_slice %arg12[%dma_wait3A_208, %dma_wait3A_209] : memref<10240x128xf32, #tpu.memory_space<vmem_shared>> -> memref<10240x128xf32, #tpu.memory_space<vmem_shared>>
        tpu.wait_indirect_dma semaphore(%arg35 : memref<!tpu.dma_semaphore, #tpu.memory_space<semaphore_mem>>) src(%arg15 : memref<64x128xf32, #tpu.memory_space<vmem>>) dst(%dma_wait3A_210 : memref<10240x128xf32, #tpu.memory_space<vmem_shared>>)
        %dma_wait3A_211 = arith.constant 0 : i32
        %dma_wait3A_212 = tpu.memref_slice %arg13[%dma_wait3A_211] : memref<10240xf32, #tpu.memory_space<vmem_shared>> -> memref<10240xf32, #tpu.memory_space<vmem_shared>>
        tpu.wait_indirect_dma semaphore(%arg35 : memref<!tpu.dma_semaphore, #tpu.memory_space<semaphore_mem>>) src(%arg23 : memref<64xf32, #tpu.memory_space<vmem>>) dst(%dma_wait3A_212 : memref<10240xf32, #tpu.memory_space<vmem_shared>>)
      } else {
      }
      %dma_start3A_80 = tpu.memref_slice %arg4[%add3A_74] : memref<320000xi32, #tpu.memory_space<hbm>> -> memref<64xi32, #tpu.memory_space<hbm>>
      %dma_start3A_81 = tpu.memref_slice %arg4[%add3A_74] : memref<320000xi32, #tpu.memory_space<hbm>> -> memref<64xi32, #tpu.memory_space<hbm>>
      tpu.enqueue_dma source(%dma_start3A_81 : memref<64xi32, #tpu.memory_space<hbm>>) target(%arg19 : memref<64xi32, #tpu.memory_space<vmem>>) target_semaphore(%arg31 : memref<!tpu.dma_semaphore, #tpu.memory_space<semaphore_mem>>)
      %dma_start3A_82 = arith.constant 0 : i32
      %dma_start3A_83 = tpu.memref_slice %arg2[%add3A_74, %dma_start3A_82] : memref<320000x128xf32, #tpu.memory_space<hbm>> -> memref<64x128xf32, #tpu.memory_space<hbm>>
      %dma_start3A_84 = arith.constant 0 : i32
      %dma_start3A_85 = tpu.memref_slice %arg2[%add3A_74, %dma_start3A_84] : memref<320000x128xf32, #tpu.memory_space<hbm>> -> memref<64x128xf32, #tpu.memory_space<hbm>>
      tpu.enqueue_dma source(%dma_start3A_85 : memref<64x128xf32, #tpu.memory_space<hbm>>) target(%arg15 : memref<64x128xf32, #tpu.memory_space<vmem>>) target_semaphore(%arg27 : memref<!tpu.dma_semaphore, #tpu.memory_space<semaphore_mem>>)
      %dma_start3A_86 = tpu.memref_slice %arg3[%add3A_74] : memref<320000xf32, #tpu.memory_space<hbm>> -> memref<64xf32, #tpu.memory_space<hbm>>
      %dma_start3A_87 = tpu.memref_slice %arg3[%add3A_74] : memref<320000xf32, #tpu.memory_space<hbm>> -> memref<64xf32, #tpu.memory_space<hbm>>
      tpu.enqueue_dma source(%dma_start3A_87 : memref<64xf32, #tpu.memory_space<hbm>>) target(%arg23 : memref<64xf32, #tpu.memory_space<vmem>>) target_semaphore(%arg27 : memref<!tpu.dma_semaphore, #tpu.memory_space<semaphore_mem>>)
      %mul3A_88 = arith.constant 4 : i32
      %mul3A_89 = arith.muli %scan3A_49, %mul3A_88 : i32
      %add3A_90 = arith.constant 2 : i32
      %add3A_91 = arith.addi %mul3A_89, %add3A_90 : i32
      %mul3A_92 = arith.constant 64 : i32
      %mul3A_93 = arith.muli %add3A_91, %mul3A_92 : i32
      %add3A_94 = arith.addi %mul3A_2, %mul3A_93 : i32
      %gt3A_95 = arith.constant 0 : i32
      %gt3A_96 = arith.cmpi sgt, %scan3A_49, %gt3A_95 : i32
      %convert_element_type3A_97 = arith.extui %gt3A_96 : i1 to i32
      %cond3A_98 = arith.constant 0 : i32
      %cond3A_99 = arith.cmpi ne, %convert_element_type3A_97, %cond3A_98 : i32
      scf.if %cond3A_99 {
        %dma_wait3A_208 = arith.constant 0 : i32
        %dma_wait3A_209 = arith.constant 0 : i32
        %dma_wait3A_210 = tpu.memref_slice %arg12[%dma_wait3A_208, %dma_wait3A_209] : memref<10240x128xf32, #tpu.memory_space<vmem_shared>> -> memref<10240x128xf32, #tpu.memory_space<vmem_shared>>
        tpu.wait_indirect_dma semaphore(%arg36 : memref<!tpu.dma_semaphore, #tpu.memory_space<semaphore_mem>>) src(%arg16 : memref<64x128xf32, #tpu.memory_space<vmem>>) dst(%dma_wait3A_210 : memref<10240x128xf32, #tpu.memory_space<vmem_shared>>)
        %dma_wait3A_211 = arith.constant 0 : i32
        %dma_wait3A_212 = tpu.memref_slice %arg13[%dma_wait3A_211] : memref<10240xf32, #tpu.memory_space<vmem_shared>> -> memref<10240xf32, #tpu.memory_space<vmem_shared>>
        tpu.wait_indirect_dma semaphore(%arg36 : memref<!tpu.dma_semaphore, #tpu.memory_space<semaphore_mem>>) src(%arg24 : memref<64xf32, #tpu.memory_space<vmem>>) dst(%dma_wait3A_212 : memref<10240xf32, #tpu.memory_space<vmem_shared>>)
      } else {
      }
      %dma_start3A_100 = tpu.memref_slice %arg4[%add3A_94] : memref<320000xi32, #tpu.memory_space<hbm>> -> memref<64xi32, #tpu.memory_space<hbm>>
      %dma_start3A_101 = tpu.memref_slice %arg4[%add3A_94] : memref<320000xi32, #tpu.memory_space<hbm>> -> memref<64xi32, #tpu.memory_space<hbm>>
      tpu.enqueue_dma source(%dma_start3A_101 : memref<64xi32, #tpu.memory_space<hbm>>) target(%arg20 : memref<64xi32, #tpu.memory_space<vmem>>) target_semaphore(%arg32 : memref<!tpu.dma_semaphore, #tpu.memory_space<semaphore_mem>>)
      %dma_start3A_102 = arith.constant 0 : i32
      %dma_start3A_103 = tpu.memref_slice %arg2[%add3A_94, %dma_start3A_102] : memref<320000x128xf32, #tpu.memory_space<hbm>> -> memref<64x128xf32, #tpu.memory_space<hbm>>
      %dma_start3A_104 = arith.constant 0 : i32
      %dma_start3A_105 = tpu.memref_slice %arg2[%add3A_94, %dma_start3A_104] : memref<320000x128xf32, #tpu.memory_space<hbm>> -> memref<64x128xf32, #tpu.memory_space<hbm>>
      tpu.enqueue_dma source(%dma_start3A_105 : memref<64x128xf32, #tpu.memory_space<hbm>>) target(%arg16 : memref<64x128xf32, #tpu.memory_space<vmem>>) target_semaphore(%arg28 : memref<!tpu.dma_semaphore, #tpu.memory_space<semaphore_mem>>)
      %dma_start3A_106 = tpu.memref_slice %arg3[%add3A_94] : memref<320000xf32, #tpu.memory_space<hbm>> -> memref<64xf32, #tpu.memory_space<hbm>>
      %dma_start3A_107 = tpu.memref_slice %arg3[%add3A_94] : memref<320000xf32, #tpu.memory_space<hbm>> -> memref<64xf32, #tpu.memory_space<hbm>>
      tpu.enqueue_dma source(%dma_start3A_107 : memref<64xf32, #tpu.memory_space<hbm>>) target(%arg24 : memref<64xf32, #tpu.memory_space<vmem>>) target_semaphore(%arg28 : memref<!tpu.dma_semaphore, #tpu.memory_space<semaphore_mem>>)
      %mul3A_108 = arith.constant 4 : i32
      %mul3A_109 = arith.muli %scan3A_49, %mul3A_108 : i32
      %add3A_110 = arith.constant 3 : i32
      %add3A_111 = arith.addi %mul3A_109, %add3A_110 : i32
      %mul3A_112 = arith.constant 64 : i32
      %mul3A_113 = arith.muli %add3A_111, %mul3A_112 : i32
      %add3A_114 = arith.addi %mul3A_2, %mul3A_113 : i32
      %gt3A_115 = arith.constant 0 : i32
      %gt3A_116 = arith.cmpi sgt, %scan3A_49, %gt3A_115 : i32
      %convert_element_type3A_117 = arith.extui %gt3A_116 : i1 to i32
      %cond3A_118 = arith.constant 0 : i32
      %cond3A_119 = arith.cmpi ne, %convert_element_type3A_117, %cond3A_118 : i32
      scf.if %cond3A_119 {
        %dma_wait3A_208 = arith.constant 0 : i32
        %dma_wait3A_209 = arith.constant 0 : i32
        %dma_wait3A_210 = tpu.memref_slice %arg12[%dma_wait3A_208, %dma_wait3A_209] : memref<10240x128xf32, #tpu.memory_space<vmem_shared>> -> memref<10240x128xf32, #tpu.memory_space<vmem_shared>>
        tpu.wait_indirect_dma semaphore(%arg37 : memref<!tpu.dma_semaphore, #tpu.memory_space<semaphore_mem>>) src(%arg17 : memref<64x128xf32, #tpu.memory_space<vmem>>) dst(%dma_wait3A_210 : memref<10240x128xf32, #tpu.memory_space<vmem_shared>>)
        %dma_wait3A_211 = arith.constant 0 : i32
        %dma_wait3A_212 = tpu.memref_slice %arg13[%dma_wait3A_211] : memref<10240xf32, #tpu.memory_space<vmem_shared>> -> memref<10240xf32, #tpu.memory_space<vmem_shared>>
        tpu.wait_indirect_dma semaphore(%arg37 : memref<!tpu.dma_semaphore, #tpu.memory_space<semaphore_mem>>) src(%arg25 : memref<64xf32, #tpu.memory_space<vmem>>) dst(%dma_wait3A_212 : memref<10240xf32, #tpu.memory_space<vmem_shared>>)
      } else {
      }
      %dma_start3A_120 = tpu.memref_slice %arg4[%add3A_114] : memref<320000xi32, #tpu.memory_space<hbm>> -> memref<64xi32, #tpu.memory_space<hbm>>
      %dma_start3A_121 = tpu.memref_slice %arg4[%add3A_114] : memref<320000xi32, #tpu.memory_space<hbm>> -> memref<64xi32, #tpu.memory_space<hbm>>
      tpu.enqueue_dma source(%dma_start3A_121 : memref<64xi32, #tpu.memory_space<hbm>>) target(%arg21 : memref<64xi32, #tpu.memory_space<vmem>>) target_semaphore(%arg33 : memref<!tpu.dma_semaphore, #tpu.memory_space<semaphore_mem>>)
      %dma_start3A_122 = arith.constant 0 : i32
      %dma_start3A_123 = tpu.memref_slice %arg2[%add3A_114, %dma_start3A_122] : memref<320000x128xf32, #tpu.memory_space<hbm>> -> memref<64x128xf32, #tpu.memory_space<hbm>>
      %dma_start3A_124 = arith.constant 0 : i32
      %dma_start3A_125 = tpu.memref_slice %arg2[%add3A_114, %dma_start3A_124] : memref<320000x128xf32, #tpu.memory_space<hbm>> -> memref<64x128xf32, #tpu.memory_space<hbm>>
      tpu.enqueue_dma source(%dma_start3A_125 : memref<64x128xf32, #tpu.memory_space<hbm>>) target(%arg17 : memref<64x128xf32, #tpu.memory_space<vmem>>) target_semaphore(%arg29 : memref<!tpu.dma_semaphore, #tpu.memory_space<semaphore_mem>>)
      %dma_start3A_126 = tpu.memref_slice %arg3[%add3A_114] : memref<320000xf32, #tpu.memory_space<hbm>> -> memref<64xf32, #tpu.memory_space<hbm>>
      %dma_start3A_127 = tpu.memref_slice %arg3[%add3A_114] : memref<320000xf32, #tpu.memory_space<hbm>> -> memref<64xf32, #tpu.memory_space<hbm>>
      tpu.enqueue_dma source(%dma_start3A_127 : memref<64xf32, #tpu.memory_space<hbm>>) target(%arg25 : memref<64xf32, #tpu.memory_space<vmem>>) target_semaphore(%arg29 : memref<!tpu.dma_semaphore, #tpu.memory_space<semaphore_mem>>)
      %mul3A_128 = arith.constant 4 : i32
      %mul3A_129 = arith.muli %scan3A_49, %mul3A_128 : i32
      %add3A_130 = arith.constant 0 : i32
      %add3A_131 = arith.addi %mul3A_129, %add3A_130 : i32
      %mul3A_132 = arith.constant 64 : i32
      %mul3A_133 = arith.muli %add3A_131, %mul3A_132 : i32
      %add3A_134 = arith.addi %mul3A_2, %mul3A_133 : i32
      %dma_wait3A_135 = tpu.memref_slice %arg4[%add3A_134] : memref<320000xi32, #tpu.memory_space<hbm>> -> memref<64xi32, #tpu.memory_space<hbm>>
      %dma_wait3A_136 = tpu.memref_slice %arg4[%add3A_134] : memref<320000xi32, #tpu.memory_space<hbm>> -> memref<64xi32, #tpu.memory_space<hbm>>
      tpu.wait_dma2 semaphore(%arg30 : memref<!tpu.dma_semaphore, #tpu.memory_space<semaphore_mem>>) src(%dma_wait3A_136 : memref<64xi32, #tpu.memory_space<hbm>>) dst(%arg18 : memref<64xi32, #tpu.memory_space<vmem>>)
      %dma_wait3A_137 = arith.constant 0 : i32
      %dma_wait3A_138 = tpu.memref_slice %arg2[%add3A_134, %dma_wait3A_137] : memref<320000x128xf32, #tpu.memory_space<hbm>> -> memref<64x128xf32, #tpu.memory_space<hbm>>
      %dma_wait3A_139 = arith.constant 0 : i32
      %dma_wait3A_140 = tpu.memref_slice %arg2[%add3A_134, %dma_wait3A_139] : memref<320000x128xf32, #tpu.memory_space<hbm>> -> memref<64x128xf32, #tpu.memory_space<hbm>>
      tpu.wait_dma2 semaphore(%arg26 : memref<!tpu.dma_semaphore, #tpu.memory_space<semaphore_mem>>) src(%dma_wait3A_140 : memref<64x128xf32, #tpu.memory_space<hbm>>) dst(%arg14 : memref<64x128xf32, #tpu.memory_space<vmem>>)
      %dma_wait3A_141 = tpu.memref_slice %arg3[%add3A_134] : memref<320000xf32, #tpu.memory_space<hbm>> -> memref<64xf32, #tpu.memory_space<hbm>>
      %dma_wait3A_142 = tpu.memref_slice %arg3[%add3A_134] : memref<320000xf32, #tpu.memory_space<hbm>> -> memref<64xf32, #tpu.memory_space<hbm>>
      tpu.wait_dma2 semaphore(%arg26 : memref<!tpu.dma_semaphore, #tpu.memory_space<semaphore_mem>>) src(%dma_wait3A_142 : memref<64xf32, #tpu.memory_space<hbm>>) dst(%arg22 : memref<64xf32, #tpu.memory_space<vmem>>)
      %dma_start3A_143 = arith.constant 0 : i32
      %dma_start3A_144 = arith.constant 0 : i32
      %dma_start3A_145 = tpu.memref_slice %arg12[%dma_start3A_143, %dma_start3A_144] : memref<10240x128xf32, #tpu.memory_space<vmem_shared>> -> memref<10240x128xf32, #tpu.memory_space<vmem_shared>>
      tpu.enqueue_indirect_dma source(%arg14 : memref<64x128xf32, #tpu.memory_space<vmem>>) target(%dma_start3A_145 : memref<10240x128xf32, #tpu.memory_space<vmem_shared>>) offsets(%arg18 : memref<64xi32, #tpu.memory_space<vmem>>) semaphore(%arg34 : memref<!tpu.dma_semaphore, #tpu.memory_space<semaphore_mem>>) {add = true}
      %dma_start3A_146 = arith.constant 0 : i32
      %dma_start3A_147 = tpu.memref_slice %arg13[%dma_start3A_146] : memref<10240xf32, #tpu.memory_space<vmem_shared>> -> memref<10240xf32, #tpu.memory_space<vmem_shared>>
      tpu.enqueue_indirect_dma source(%arg22 : memref<64xf32, #tpu.memory_space<vmem>>) target(%dma_start3A_147 : memref<10240xf32, #tpu.memory_space<vmem_shared>>) offsets(%arg18 : memref<64xi32, #tpu.memory_space<vmem>>) semaphore(%arg34 : memref<!tpu.dma_semaphore, #tpu.memory_space<semaphore_mem>>) {add = true}
      %mul3A_148 = arith.constant 4 : i32
      %mul3A_149 = arith.muli %scan3A_49, %mul3A_148 : i32
      %add3A_150 = arith.constant 1 : i32
      %add3A_151 = arith.addi %mul3A_149, %add3A_150 : i32
      %mul3A_152 = arith.constant 64 : i32
      %mul3A_153 = arith.muli %add3A_151, %mul3A_152 : i32
      %add3A_154 = arith.addi %mul3A_2, %mul3A_153 : i32
      %dma_wait3A_155 = tpu.memref_slice %arg4[%add3A_154] : memref<320000xi32, #tpu.memory_space<hbm>> -> memref<64xi32, #tpu.memory_space<hbm>>
      %dma_wait3A_156 = tpu.memref_slice %arg4[%add3A_154] : memref<320000xi32, #tpu.memory_space<hbm>> -> memref<64xi32, #tpu.memory_space<hbm>>
      tpu.wait_dma2 semaphore(%arg31 : memref<!tpu.dma_semaphore, #tpu.memory_space<semaphore_mem>>) src(%dma_wait3A_156 : memref<64xi32, #tpu.memory_space<hbm>>) dst(%arg19 : memref<64xi32, #tpu.memory_space<vmem>>)
      %dma_wait3A_157 = arith.constant 0 : i32
      %dma_wait3A_158 = tpu.memref_slice %arg2[%add3A_154, %dma_wait3A_157] : memref<320000x128xf32, #tpu.memory_space<hbm>> -> memref<64x128xf32, #tpu.memory_space<hbm>>
      %dma_wait3A_159 = arith.constant 0 : i32
      %dma_wait3A_160 = tpu.memref_slice %arg2[%add3A_154, %dma_wait3A_159] : memref<320000x128xf32, #tpu.memory_space<hbm>> -> memref<64x128xf32, #tpu.memory_space<hbm>>
      tpu.wait_dma2 semaphore(%arg27 : memref<!tpu.dma_semaphore, #tpu.memory_space<semaphore_mem>>) src(%dma_wait3A_160 : memref<64x128xf32, #tpu.memory_space<hbm>>) dst(%arg15 : memref<64x128xf32, #tpu.memory_space<vmem>>)
      %dma_wait3A_161 = tpu.memref_slice %arg3[%add3A_154] : memref<320000xf32, #tpu.memory_space<hbm>> -> memref<64xf32, #tpu.memory_space<hbm>>
      %dma_wait3A_162 = tpu.memref_slice %arg3[%add3A_154] : memref<320000xf32, #tpu.memory_space<hbm>> -> memref<64xf32, #tpu.memory_space<hbm>>
      tpu.wait_dma2 semaphore(%arg27 : memref<!tpu.dma_semaphore, #tpu.memory_space<semaphore_mem>>) src(%dma_wait3A_162 : memref<64xf32, #tpu.memory_space<hbm>>) dst(%arg23 : memref<64xf32, #tpu.memory_space<vmem>>)
      %dma_start3A_163 = arith.constant 0 : i32
      %dma_start3A_164 = arith.constant 0 : i32
      %dma_start3A_165 = tpu.memref_slice %arg12[%dma_start3A_163, %dma_start3A_164] : memref<10240x128xf32, #tpu.memory_space<vmem_shared>> -> memref<10240x128xf32, #tpu.memory_space<vmem_shared>>
      tpu.enqueue_indirect_dma source(%arg15 : memref<64x128xf32, #tpu.memory_space<vmem>>) target(%dma_start3A_165 : memref<10240x128xf32, #tpu.memory_space<vmem_shared>>) offsets(%arg19 : memref<64xi32, #tpu.memory_space<vmem>>) semaphore(%arg35 : memref<!tpu.dma_semaphore, #tpu.memory_space<semaphore_mem>>) {add = true}
      %dma_start3A_166 = arith.constant 0 : i32
      %dma_start3A_167 = tpu.memref_slice %arg13[%dma_start3A_166] : memref<10240xf32, #tpu.memory_space<vmem_shared>> -> memref<10240xf32, #tpu.memory_space<vmem_shared>>
      tpu.enqueue_indirect_dma source(%arg23 : memref<64xf32, #tpu.memory_space<vmem>>) target(%dma_start3A_167 : memref<10240xf32, #tpu.memory_space<vmem_shared>>) offsets(%arg19 : memref<64xi32, #tpu.memory_space<vmem>>) semaphore(%arg35 : memref<!tpu.dma_semaphore, #tpu.memory_space<semaphore_mem>>) {add = true}
      %mul3A_168 = arith.constant 4 : i32
      %mul3A_169 = arith.muli %scan3A_49, %mul3A_168 : i32
      %add3A_170 = arith.constant 2 : i32
      %add3A_171 = arith.addi %mul3A_169, %add3A_170 : i32
      %mul3A_172 = arith.constant 64 : i32
      %mul3A_173 = arith.muli %add3A_171, %mul3A_172 : i32
      %add3A_174 = arith.addi %mul3A_2, %mul3A_173 : i32
      %dma_wait3A_175 = tpu.memref_slice %arg4[%add3A_174] : memref<320000xi32, #tpu.memory_space<hbm>> -> memref<64xi32, #tpu.memory_space<hbm>>
      %dma_wait3A_176 = tpu.memref_slice %arg4[%add3A_174] : memref<320000xi32, #tpu.memory_space<hbm>> -> memref<64xi32, #tpu.memory_space<hbm>>
      tpu.wait_dma2 semaphore(%arg32 : memref<!tpu.dma_semaphore, #tpu.memory_space<semaphore_mem>>) src(%dma_wait3A_176 : memref<64xi32, #tpu.memory_space<hbm>>) dst(%arg20 : memref<64xi32, #tpu.memory_space<vmem>>)
      %dma_wait3A_177 = arith.constant 0 : i32
      %dma_wait3A_178 = tpu.memref_slice %arg2[%add3A_174, %dma_wait3A_177] : memref<320000x128xf32, #tpu.memory_space<hbm>> -> memref<64x128xf32, #tpu.memory_space<hbm>>
      %dma_wait3A_179 = arith.constant 0 : i32
      %dma_wait3A_180 = tpu.memref_slice %arg2[%add3A_174, %dma_wait3A_179] : memref<320000x128xf32, #tpu.memory_space<hbm>> -> memref<64x128xf32, #tpu.memory_space<hbm>>
      tpu.wait_dma2 semaphore(%arg28 : memref<!tpu.dma_semaphore, #tpu.memory_space<semaphore_mem>>) src(%dma_wait3A_180 : memref<64x128xf32, #tpu.memory_space<hbm>>) dst(%arg16 : memref<64x128xf32, #tpu.memory_space<vmem>>)
      %dma_wait3A_181 = tpu.memref_slice %arg3[%add3A_174] : memref<320000xf32, #tpu.memory_space<hbm>> -> memref<64xf32, #tpu.memory_space<hbm>>
      %dma_wait3A_182 = tpu.memref_slice %arg3[%add3A_174] : memref<320000xf32, #tpu.memory_space<hbm>> -> memref<64xf32, #tpu.memory_space<hbm>>
      tpu.wait_dma2 semaphore(%arg28 : memref<!tpu.dma_semaphore, #tpu.memory_space<semaphore_mem>>) src(%dma_wait3A_182 : memref<64xf32, #tpu.memory_space<hbm>>) dst(%arg24 : memref<64xf32, #tpu.memory_space<vmem>>)
      %dma_start3A_183 = arith.constant 0 : i32
      %dma_start3A_184 = arith.constant 0 : i32
      %dma_start3A_185 = tpu.memref_slice %arg12[%dma_start3A_183, %dma_start3A_184] : memref<10240x128xf32, #tpu.memory_space<vmem_shared>> -> memref<10240x128xf32, #tpu.memory_space<vmem_shared>>
      tpu.enqueue_indirect_dma source(%arg16 : memref<64x128xf32, #tpu.memory_space<vmem>>) target(%dma_start3A_185 : memref<10240x128xf32, #tpu.memory_space<vmem_shared>>) offsets(%arg20 : memref<64xi32, #tpu.memory_space<vmem>>) semaphore(%arg36 : memref<!tpu.dma_semaphore, #tpu.memory_space<semaphore_mem>>) {add = true}
      %dma_start3A_186 = arith.constant 0 : i32
      %dma_start3A_187 = tpu.memref_slice %arg13[%dma_start3A_186] : memref<10240xf32, #tpu.memory_space<vmem_shared>> -> memref<10240xf32, #tpu.memory_space<vmem_shared>>
      tpu.enqueue_indirect_dma source(%arg24 : memref<64xf32, #tpu.memory_space<vmem>>) target(%dma_start3A_187 : memref<10240xf32, #tpu.memory_space<vmem_shared>>) offsets(%arg20 : memref<64xi32, #tpu.memory_space<vmem>>) semaphore(%arg36 : memref<!tpu.dma_semaphore, #tpu.memory_space<semaphore_mem>>) {add = true}
      %mul3A_188 = arith.constant 4 : i32
      %mul3A_189 = arith.muli %scan3A_49, %mul3A_188 : i32
      %add3A_190 = arith.constant 3 : i32
      %add3A_191 = arith.addi %mul3A_189, %add3A_190 : i32
      %mul3A_192 = arith.constant 64 : i32
      %mul3A_193 = arith.muli %add3A_191, %mul3A_192 : i32
      %add3A_194 = arith.addi %mul3A_2, %mul3A_193 : i32
      %dma_wait3A_195 = tpu.memref_slice %arg4[%add3A_194] : memref<320000xi32, #tpu.memory_space<hbm>> -> memref<64xi32, #tpu.memory_space<hbm>>
      %dma_wait3A_196 = tpu.memref_slice %arg4[%add3A_194] : memref<320000xi32, #tpu.memory_space<hbm>> -> memref<64xi32, #tpu.memory_space<hbm>>
      tpu.wait_dma2 semaphore(%arg33 : memref<!tpu.dma_semaphore, #tpu.memory_space<semaphore_mem>>) src(%dma_wait3A_196 : memref<64xi32, #tpu.memory_space<hbm>>) dst(%arg21 : memref<64xi32, #tpu.memory_space<vmem>>)
      %dma_wait3A_197 = arith.constant 0 : i32
      %dma_wait3A_198 = tpu.memref_slice %arg2[%add3A_194, %dma_wait3A_197] : memref<320000x128xf32, #tpu.memory_space<hbm>> -> memref<64x128xf32, #tpu.memory_space<hbm>>
      %dma_wait3A_199 = arith.constant 0 : i32
      %dma_wait3A_200 = tpu.memref_slice %arg2[%add3A_194, %dma_wait3A_199] : memref<320000x128xf32, #tpu.memory_space<hbm>> -> memref<64x128xf32, #tpu.memory_space<hbm>>
      tpu.wait_dma2 semaphore(%arg29 : memref<!tpu.dma_semaphore, #tpu.memory_space<semaphore_mem>>) src(%dma_wait3A_200 : memref<64x128xf32, #tpu.memory_space<hbm>>) dst(%arg17 : memref<64x128xf32, #tpu.memory_space<vmem>>)
      %dma_wait3A_201 = tpu.memref_slice %arg3[%add3A_194] : memref<320000xf32, #tpu.memory_space<hbm>> -> memref<64xf32, #tpu.memory_space<hbm>>
      %dma_wait3A_202 = tpu.memref_slice %arg3[%add3A_194] : memref<320000xf32, #tpu.memory_space<hbm>> -> memref<64xf32, #tpu.memory_space<hbm>>
      tpu.wait_dma2 semaphore(%arg29 : memref<!tpu.dma_semaphore, #tpu.memory_space<semaphore_mem>>) src(%dma_wait3A_202 : memref<64xf32, #tpu.memory_space<hbm>>) dst(%arg25 : memref<64xf32, #tpu.memory_space<vmem>>)
      %dma_start3A_203 = arith.constant 0 : i32
      %dma_start3A_204 = arith.constant 0 : i32
      %dma_start3A_205 = tpu.memref_slice %arg12[%dma_start3A_203, %dma_start3A_204] : memref<10240x128xf32, #tpu.memory_space<vmem_shared>> -> memref<10240x128xf32, #tpu.memory_space<vmem_shared>>
      tpu.enqueue_indirect_dma source(%arg17 : memref<64x128xf32, #tpu.memory_space<vmem>>) target(%dma_start3A_205 : memref<10240x128xf32, #tpu.memory_space<vmem_shared>>) offsets(%arg21 : memref<64xi32, #tpu.memory_space<vmem>>) semaphore(%arg37 : memref<!tpu.dma_semaphore, #tpu.memory_space<semaphore_mem>>) {add = true}
      %dma_start3A_206 = arith.constant 0 : i32
      %dma_start3A_207 = tpu.memref_slice %arg13[%dma_start3A_206] : memref<10240xf32, #tpu.memory_space<vmem_shared>> -> memref<10240xf32, #tpu.memory_space<vmem_shared>>
      tpu.enqueue_indirect_dma source(%arg25 : memref<64xf32, #tpu.memory_space<vmem>>) target(%dma_start3A_207 : memref<10240xf32, #tpu.memory_space<vmem_shared>>) offsets(%arg21 : memref<64xi32, #tpu.memory_space<vmem>>) semaphore(%arg37 : memref<!tpu.dma_semaphore, #tpu.memory_space<semaphore_mem>>) {add = true}
    }
    %scan3A_15 = arith.constant 39 : i32
    %dma_wait3A = arith.constant 0 : i32
    %dma_wait3A_16 = arith.constant 0 : i32
    %dma_wait3A_17 = tpu.memref_slice %arg12[%dma_wait3A, %dma_wait3A_16] : memref<10240x128xf32, #tpu.memory_space<vmem_shared>> -> memref<10240x128xf32, #tpu.memory_space<vmem_shared>>
    tpu.wait_indirect_dma semaphore(%arg34 : memref<!tpu.dma_semaphore, #tpu.memory_space<semaphore_mem>>) src(%arg14 : memref<64x128xf32, #tpu.memory_space<vmem>>) dst(%dma_wait3A_17 : memref<10240x128xf32, #tpu.memory_space<vmem_shared>>)
    %dma_wait3A_18 = arith.constant 0 : i32
    %dma_wait3A_19 = tpu.memref_slice %arg13[%dma_wait3A_18] : memref<10240xf32, #tpu.memory_space<vmem_shared>> -> memref<10240xf32, #tpu.memory_space<vmem_shared>>
    tpu.wait_indirect_dma semaphore(%arg34 : memref<!tpu.dma_semaphore, #tpu.memory_space<semaphore_mem>>) src(%arg22 : memref<64xf32, #tpu.memory_space<vmem>>) dst(%dma_wait3A_19 : memref<10240xf32, #tpu.memory_space<vmem_shared>>)
    %dma_wait3A_20 = arith.constant 0 : i32
    %dma_wait3A_21 = arith.constant 0 : i32
    %dma_wait3A_22 = tpu.memref_slice %arg12[%dma_wait3A_20, %dma_wait3A_21] : memref<10240x128xf32, #tpu.memory_space<vmem_shared>> -> memref<10240x128xf32, #tpu.memory_space<vmem_shared>>
    tpu.wait_indirect_dma semaphore(%arg35 : memref<!tpu.dma_semaphore, #tpu.memory_space<semaphore_mem>>) src(%arg15 : memref<64x128xf32, #tpu.memory_space<vmem>>) dst(%dma_wait3A_22 : memref<10240x128xf32, #tpu.memory_space<vmem_shared>>)
    %dma_wait3A_23 = arith.constant 0 : i32
    %dma_wait3A_24 = tpu.memref_slice %arg13[%dma_wait3A_23] : memref<10240xf32, #tpu.memory_space<vmem_shared>> -> memref<10240xf32, #tpu.memory_space<vmem_shared>>
    tpu.wait_indirect_dma semaphore(%arg35 : memref<!tpu.dma_semaphore, #tpu.memory_space<semaphore_mem>>) src(%arg23 : memref<64xf32, #tpu.memory_space<vmem>>) dst(%dma_wait3A_24 : memref<10240xf32, #tpu.memory_space<vmem_shared>>)
    %dma_wait3A_25 = arith.constant 0 : i32
    %dma_wait3A_26 = arith.constant 0 : i32
    %dma_wait3A_27 = tpu.memref_slice %arg12[%dma_wait3A_25, %dma_wait3A_26] : memref<10240x128xf32, #tpu.memory_space<vmem_shared>> -> memref<10240x128xf32, #tpu.memory_space<vmem_shared>>
    tpu.wait_indirect_dma semaphore(%arg36 : memref<!tpu.dma_semaphore, #tpu.memory_space<semaphore_mem>>) src(%arg16 : memref<64x128xf32, #tpu.memory_space<vmem>>) dst(%dma_wait3A_27 : memref<10240x128xf32, #tpu.memory_space<vmem_shared>>)
    %dma_wait3A_28 = arith.constant 0 : i32
    %dma_wait3A_29 = tpu.memref_slice %arg13[%dma_wait3A_28] : memref<10240xf32, #tpu.memory_space<vmem_shared>> -> memref<10240xf32, #tpu.memory_space<vmem_shared>>
    tpu.wait_indirect_dma semaphore(%arg36 : memref<!tpu.dma_semaphore, #tpu.memory_space<semaphore_mem>>) src(%arg24 : memref<64xf32, #tpu.memory_space<vmem>>) dst(%dma_wait3A_29 : memref<10240xf32, #tpu.memory_space<vmem_shared>>)
    %dma_wait3A_30 = arith.constant 0 : i32
    %dma_wait3A_31 = arith.constant 0 : i32
    %dma_wait3A_32 = tpu.memref_slice %arg12[%dma_wait3A_30, %dma_wait3A_31] : memref<10240x128xf32, #tpu.memory_space<vmem_shared>> -> memref<10240x128xf32, #tpu.memory_space<vmem_shared>>
    tpu.wait_indirect_dma semaphore(%arg37 : memref<!tpu.dma_semaphore, #tpu.memory_space<semaphore_mem>>) src(%arg17 : memref<64x128xf32, #tpu.memory_space<vmem>>) dst(%dma_wait3A_32 : memref<10240x128xf32, #tpu.memory_space<vmem_shared>>)
    %dma_wait3A_33 = arith.constant 0 : i32
    %dma_wait3A_34 = tpu.memref_slice %arg13[%dma_wait3A_33] : memref<10240xf32, #tpu.memory_space<vmem_shared>> -> memref<10240xf32, #tpu.memory_space<vmem_shared>>
    tpu.wait_indirect_dma semaphore(%arg37 : memref<!tpu.dma_semaphore, #tpu.memory_space<semaphore_mem>>) src(%arg25 : memref<64xf32, #tpu.memory_space<vmem>>) dst(%dma_wait3A_34 : memref<10240xf32, #tpu.memory_space<vmem_shared>>)
    %add3A_35 = arith.constant 9984 : i32
    %add3A_36 = arith.addi %mul3A_2, %add3A_35 : i32
    "tpu.region"() ({
      %run_scoped3A = tpu.sem_alloc : memref<!tpu.dma_semaphore, #tpu.memory_space<semaphore_mem>>
      %dma_start3A = tpu.memref_slice %arg4[%add3A_36] : memref<320000xi32, #tpu.memory_space<hbm>> -> memref<16xi32, #tpu.memory_space<hbm>>
      %dma_start3A_49 = tpu.memref_slice %arg4[%add3A_36] : memref<320000xi32, #tpu.memory_space<hbm>> -> memref<16xi32, #tpu.memory_space<hbm>>
      tpu.enqueue_dma source(%dma_start3A_49 : memref<16xi32, #tpu.memory_space<hbm>>) target(%arg9 : memref<16xi32, #tpu.memory_space<vmem>>) target_semaphore(%run_scoped3A : memref<!tpu.dma_semaphore, #tpu.memory_space<semaphore_mem>>)
      %dma_wait3A_50 = tpu.memref_slice %arg4[%add3A_36] : memref<320000xi32, #tpu.memory_space<hbm>> -> memref<16xi32, #tpu.memory_space<hbm>>
      %dma_wait3A_51 = tpu.memref_slice %arg4[%add3A_36] : memref<320000xi32, #tpu.memory_space<hbm>> -> memref<16xi32, #tpu.memory_space<hbm>>
      tpu.wait_dma2 semaphore(%run_scoped3A : memref<!tpu.dma_semaphore, #tpu.memory_space<semaphore_mem>>) src(%dma_wait3A_51 : memref<16xi32, #tpu.memory_space<hbm>>) dst(%arg9 : memref<16xi32, #tpu.memory_space<vmem>>)
      tpu.yield
    }) : () -> ()
    "tpu.region"() ({
      %run_scoped3A = tpu.sem_alloc : memref<!tpu.dma_semaphore, #tpu.memory_space<semaphore_mem>>
      %dma_start3A = arith.constant 0 : i32
      %dma_start3A_49 = arith.constant 0 : i32
      %dma_start3A_50 = tpu.memref_slice %arg14[%dma_start3A, %dma_start3A_49] : memref<64x128xf32, #tpu.memory_space<vmem>> -> memref<16x128xf32, #tpu.memory_space<vmem>>
      %dma_start3A_51 = arith.constant 0 : i32
      %dma_start3A_52 = tpu.memref_slice %arg2[%add3A_36, %dma_start3A_51] : memref<320000x128xf32, #tpu.memory_space<hbm>> -> memref<16x128xf32, #tpu.memory_space<hbm>>
      %dma_start3A_53 = arith.constant 0 : i32
      %dma_start3A_54 = arith.constant 0 : i32
      %dma_start3A_55 = tpu.memref_slice %arg14[%dma_start3A_53, %dma_start3A_54] : memref<64x128xf32, #tpu.memory_space<vmem>> -> memref<16x128xf32, #tpu.memory_space<vmem>>
      %dma_start3A_56 = arith.constant 0 : i32
      %dma_start3A_57 = tpu.memref_slice %arg2[%add3A_36, %dma_start3A_56] : memref<320000x128xf32, #tpu.memory_space<hbm>> -> memref<16x128xf32, #tpu.memory_space<hbm>>
      tpu.enqueue_dma source(%dma_start3A_57 : memref<16x128xf32, #tpu.memory_space<hbm>>) target(%dma_start3A_55 : memref<16x128xf32, #tpu.memory_space<vmem>>) target_semaphore(%run_scoped3A : memref<!tpu.dma_semaphore, #tpu.memory_space<semaphore_mem>>)
      %dma_wait3A_58 = arith.constant 0 : i32
      %dma_wait3A_59 = arith.constant 0 : i32
      %dma_wait3A_60 = tpu.memref_slice %arg14[%dma_wait3A_58, %dma_wait3A_59] : memref<64x128xf32, #tpu.memory_space<vmem>> -> memref<16x128xf32, #tpu.memory_space<vmem>>
      %dma_wait3A_61 = arith.constant 0 : i32
      %dma_wait3A_62 = tpu.memref_slice %arg2[%add3A_36, %dma_wait3A_61] : memref<320000x128xf32, #tpu.memory_space<hbm>> -> memref<16x128xf32, #tpu.memory_space<hbm>>
      %dma_wait3A_63 = arith.constant 0 : i32
      %dma_wait3A_64 = arith.constant 0 : i32
      %dma_wait3A_65 = tpu.memref_slice %arg14[%dma_wait3A_63, %dma_wait3A_64] : memref<64x128xf32, #tpu.memory_space<vmem>> -> memref<16x128xf32, #tpu.memory_space<vmem>>
      %dma_wait3A_66 = arith.constant 0 : i32
      %dma_wait3A_67 = tpu.memref_slice %arg2[%add3A_36, %dma_wait3A_66] : memref<320000x128xf32, #tpu.memory_space<hbm>> -> memref<16x128xf32, #tpu.memory_space<hbm>>
      tpu.wait_dma2 semaphore(%run_scoped3A : memref<!tpu.dma_semaphore, #tpu.memory_space<semaphore_mem>>) src(%dma_wait3A_67 : memref<16x128xf32, #tpu.memory_space<hbm>>) dst(%dma_wait3A_65 : memref<16x128xf32, #tpu.memory_space<vmem>>)
      tpu.yield
    }) : () -> ()
    "tpu.region"() ({
      %run_scoped3A = tpu.sem_alloc : memref<!tpu.dma_semaphore, #tpu.memory_space<semaphore_mem>>
      %dma_start3A = arith.constant 0 : i32
      %dma_start3A_49 = tpu.memref_slice %arg22[%dma_start3A] : memref<64xf32, #tpu.memory_space<vmem>> -> memref<16xf32, #tpu.memory_space<vmem>>
      %dma_start3A_50 = tpu.memref_slice %arg3[%add3A_36] : memref<320000xf32, #tpu.memory_space<hbm>> -> memref<16xf32, #tpu.memory_space<hbm>>
      %dma_start3A_51 = arith.constant 0 : i32
      %dma_start3A_52 = tpu.memref_slice %arg22[%dma_start3A_51] : memref<64xf32, #tpu.memory_space<vmem>> -> memref<16xf32, #tpu.memory_space<vmem>>
      %dma_start3A_53 = tpu.memref_slice %arg3[%add3A_36] : memref<320000xf32, #tpu.memory_space<hbm>> -> memref<16xf32, #tpu.memory_space<hbm>>
      tpu.enqueue_dma source(%dma_start3A_53 : memref<16xf32, #tpu.memory_space<hbm>>) target(%dma_start3A_52 : memref<16xf32, #tpu.memory_space<vmem>>) target_semaphore(%run_scoped3A : memref<!tpu.dma_semaphore, #tpu.memory_space<semaphore_mem>>)
      %dma_wait3A_54 = arith.constant 0 : i32
      %dma_wait3A_55 = tpu.memref_slice %arg22[%dma_wait3A_54] : memref<64xf32, #tpu.memory_space<vmem>> -> memref<16xf32, #tpu.memory_space<vmem>>
      %dma_wait3A_56 = tpu.memref_slice %arg3[%add3A_36] : memref<320000xf32, #tpu.memory_space<hbm>> -> memref<16xf32, #tpu.memory_space<hbm>>
      %dma_wait3A_57 = arith.constant 0 : i32
      %dma_wait3A_58 = tpu.memref_slice %arg22[%dma_wait3A_57] : memref<64xf32, #tpu.memory_space<vmem>> -> memref<16xf32, #tpu.memory_space<vmem>>
      %dma_wait3A_59 = tpu.memref_slice %arg3[%add3A_36] : memref<320000xf32, #tpu.memory_space<hbm>> -> memref<16xf32, #tpu.memory_space<hbm>>
      tpu.wait_dma2 semaphore(%run_scoped3A : memref<!tpu.dma_semaphore, #tpu.memory_space<semaphore_mem>>) src(%dma_wait3A_59 : memref<16xf32, #tpu.memory_space<hbm>>) dst(%dma_wait3A_58 : memref<16xf32, #tpu.memory_space<vmem>>)
      tpu.yield
    }) : () -> ()
    "tpu.region"() ({
      %run_scoped3A = tpu.sem_alloc : memref<!tpu.dma_semaphore, #tpu.memory_space<semaphore_mem>>
      %dma_start3A = arith.constant 0 : i32
      %dma_start3A_49 = arith.constant 0 : i32
      %dma_start3A_50 = tpu.memref_slice %arg14[%dma_start3A, %dma_start3A_49] : memref<64x128xf32, #tpu.memory_space<vmem>> -> memref<16x128xf32, #tpu.memory_space<vmem>>
      %dma_start3A_51 = arith.constant 0 : i32
      %dma_start3A_52 = arith.constant 0 : i32
      %dma_start3A_53 = tpu.memref_slice %arg12[%dma_start3A_51, %dma_start3A_52] : memref<10240x128xf32, #tpu.memory_space<vmem_shared>> -> memref<10240x128xf32, #tpu.memory_space<vmem_shared>>
      tpu.enqueue_indirect_dma source(%dma_start3A_50 : memref<16x128xf32, #tpu.memory_space<vmem>>) target(%dma_start3A_53 : memref<10240x128xf32, #tpu.memory_space<vmem_shared>>) offsets(%arg9 : memref<16xi32, #tpu.memory_space<vmem>>) semaphore(%run_scoped3A : memref<!tpu.dma_semaphore, #tpu.memory_space<semaphore_mem>>) {add = true}
      %dma_wait3A_54 = arith.constant 0 : i32
      %dma_wait3A_55 = arith.constant 0 : i32
      %dma_wait3A_56 = tpu.memref_slice %arg14[%dma_wait3A_54, %dma_wait3A_55] : memref<64x128xf32, #tpu.memory_space<vmem>> -> memref<16x128xf32, #tpu.memory_space<vmem>>
      %dma_wait3A_57 = arith.constant 0 : i32
      %dma_wait3A_58 = arith.constant 0 : i32
      %dma_wait3A_59 = tpu.memref_slice %arg12[%dma_wait3A_57, %dma_wait3A_58] : memref<10240x128xf32, #tpu.memory_space<vmem_shared>> -> memref<10240x128xf32, #tpu.memory_space<vmem_shared>>
      tpu.wait_indirect_dma semaphore(%run_scoped3A : memref<!tpu.dma_semaphore, #tpu.memory_space<semaphore_mem>>) src(%dma_wait3A_56 : memref<16x128xf32, #tpu.memory_space<vmem>>) dst(%dma_wait3A_59 : memref<10240x128xf32, #tpu.memory_space<vmem_shared>>)
      tpu.yield
    }) : () -> ()
    "tpu.region"() ({
      %run_scoped3A = tpu.sem_alloc : memref<!tpu.dma_semaphore, #tpu.memory_space<semaphore_mem>>
      %dma_start3A = arith.constant 0 : i32
      %dma_start3A_49 = tpu.memref_slice %arg22[%dma_start3A] : memref<64xf32, #tpu.memory_space<vmem>> -> memref<16xf32, #tpu.memory_space<vmem>>
      %dma_start3A_50 = arith.constant 0 : i32
      %dma_start3A_51 = tpu.memref_slice %arg13[%dma_start3A_50] : memref<10240xf32, #tpu.memory_space<vmem_shared>> -> memref<10240xf32, #tpu.memory_space<vmem_shared>>
      tpu.enqueue_indirect_dma source(%dma_start3A_49 : memref<16xf32, #tpu.memory_space<vmem>>) target(%dma_start3A_51 : memref<10240xf32, #tpu.memory_space<vmem_shared>>) offsets(%arg9 : memref<16xi32, #tpu.memory_space<vmem>>) semaphore(%run_scoped3A : memref<!tpu.dma_semaphore, #tpu.memory_space<semaphore_mem>>) {add = true}
      %dma_wait3A_52 = arith.constant 0 : i32
      %dma_wait3A_53 = tpu.memref_slice %arg22[%dma_wait3A_52] : memref<64xf32, #tpu.memory_space<vmem>> -> memref<16xf32, #tpu.memory_space<vmem>>
      %dma_wait3A_54 = arith.constant 0 : i32
      %dma_wait3A_55 = tpu.memref_slice %arg13[%dma_wait3A_54] : memref<10240xf32, #tpu.memory_space<vmem_shared>> -> memref<10240xf32, #tpu.memory_space<vmem_shared>>
      tpu.wait_indirect_dma semaphore(%run_scoped3A : memref<!tpu.dma_semaphore, #tpu.memory_space<semaphore_mem>>) src(%dma_wait3A_53 : memref<16xf32, #tpu.memory_space<vmem>>) dst(%dma_wait3A_55 : memref<10240xf32, #tpu.memory_space<vmem_shared>>)
      tpu.yield
    }) : () -> ()
    %barrier3A_37 = arith.constant 0 : index
    tpu.barrier barrier_id(%barrier3A_37)
    %scan3A_38 = arith.constant 0 : i32
    %scan3A_39 = arith.constant 0 : i32
    %scan3A_40 = arith.constant 10 : i32
    %scan3A_41 = arith.addi %scan3A_39, %scan3A_40 : i32
    %scan3A_42 = arith.constant 1 : i32
    scf.for %scan3A_49 = %scan3A_39 to %scan3A_41 step %scan3A_42  : i32 {
      %mul3A_50 = arith.constant 640 : i32
      %mul3A_51 = arith.muli %arg1, %mul3A_50 : i32
      %mul3A_52 = arith.constant 64 : i32
      %mul3A_53 = arith.muli %scan3A_49, %mul3A_52 : i32
      %add3A_54 = arith.addi %mul3A_51, %mul3A_53 : i32
      "tpu.region"() ({
        %run_scoped3A = tpu.sem_alloc : memref<!tpu.dma_semaphore, #tpu.memory_space<semaphore_mem>>
        %dma_start3A = arith.constant 0 : i32
        %dma_start3A_55 = tpu.memref_slice %arg12[%add3A_54, %dma_start3A] : memref<10240x128xf32, #tpu.memory_space<vmem_shared>> -> memref<64x128xf32, #tpu.memory_space<vmem_shared>>
        %dma_start3A_56 = arith.constant 0 : i32
        %dma_start3A_57 = tpu.memref_slice %arg12[%add3A_54, %dma_start3A_56] : memref<10240x128xf32, #tpu.memory_space<vmem_shared>> -> memref<64x128xf32, #tpu.memory_space<vmem_shared>>
        tpu.enqueue_dma source(%dma_start3A_57 : memref<64x128xf32, #tpu.memory_space<vmem_shared>>) target(%arg10 : memref<64x128xf32, #tpu.memory_space<vmem>>) target_semaphore(%run_scoped3A : memref<!tpu.dma_semaphore, #tpu.memory_space<semaphore_mem>>)
        %dma_wait3A_58 = arith.constant 0 : i32
        %dma_wait3A_59 = tpu.memref_slice %arg12[%add3A_54, %dma_wait3A_58] : memref<10240x128xf32, #tpu.memory_space<vmem_shared>> -> memref<64x128xf32, #tpu.memory_space<vmem_shared>>
        %dma_wait3A_60 = arith.constant 0 : i32
        %dma_wait3A_61 = tpu.memref_slice %arg12[%add3A_54, %dma_wait3A_60] : memref<10240x128xf32, #tpu.memory_space<vmem_shared>> -> memref<64x128xf32, #tpu.memory_space<vmem_shared>>
        tpu.wait_dma2 semaphore(%run_scoped3A : memref<!tpu.dma_semaphore, #tpu.memory_space<semaphore_mem>>) src(%dma_wait3A_61 : memref<64x128xf32, #tpu.memory_space<vmem_shared>>) dst(%arg10 : memref<64x128xf32, #tpu.memory_space<vmem>>)
        tpu.yield
      }) : () -> ()
      "tpu.region"() ({
        %run_scoped3A = tpu.sem_alloc : memref<!tpu.dma_semaphore, #tpu.memory_space<semaphore_mem>>
        %dma_start3A = arith.constant 0 : i32
        %dma_start3A_55 = tpu.memref_slice %arg7[%arg0, %add3A_54, %dma_start3A] : memref<2x10240x128xf32, #tpu.memory_space<hbm>> -> memref<1x64x128xf32, #tpu.memory_space<hbm>>
        %dma_start3A_56 = tpu.memref_squeeze %dma_start3A_55 : memref<1x64x128xf32, #tpu.memory_space<hbm>> -> memref<64x128xf32, #tpu.memory_space<hbm>>
        %dma_start3A_57 = arith.constant 0 : i32
        %dma_start3A_58 = tpu.memref_slice %arg7[%arg0, %add3A_54, %dma_start3A_57] : memref<2x10240x128xf32, #tpu.memory_space<hbm>> -> memref<1x64x128xf32, #tpu.memory_space<hbm>>
        %dma_start3A_59 = tpu.memref_squeeze %dma_start3A_58 : memref<1x64x128xf32, #tpu.memory_space<hbm>> -> memref<64x128xf32, #tpu.memory_space<hbm>>
        tpu.enqueue_dma source(%arg10 : memref<64x128xf32, #tpu.memory_space<vmem>>) target(%dma_start3A_59 : memref<64x128xf32, #tpu.memory_space<hbm>>) target_semaphore(%run_scoped3A : memref<!tpu.dma_semaphore, #tpu.memory_space<semaphore_mem>>)
        %dma_wait3A_60 = arith.constant 0 : i32
        %dma_wait3A_61 = tpu.memref_slice %arg7[%arg0, %add3A_54, %dma_wait3A_60] : memref<2x10240x128xf32, #tpu.memory_space<hbm>> -> memref<1x64x128xf32, #tpu.memory_space<hbm>>
        %dma_wait3A_62 = tpu.memref_squeeze %dma_wait3A_61 : memref<1x64x128xf32, #tpu.memory_space<hbm>> -> memref<64x128xf32, #tpu.memory_space<hbm>>
        %dma_wait3A_63 = arith.constant 0 : i32
        %dma_wait3A_64 = tpu.memref_slice %arg7[%arg0, %add3A_54, %dma_wait3A_63] : memref<2x10240x128xf32, #tpu.memory_space<hbm>> -> memref<1x64x128xf32, #tpu.memory_space<hbm>>
        %dma_wait3A_65 = tpu.memref_squeeze %dma_wait3A_64 : memref<1x64x128xf32, #tpu.memory_space<hbm>> -> memref<64x128xf32, #tpu.memory_space<hbm>>
        tpu.wait_dma2 semaphore(%run_scoped3A : memref<!tpu.dma_semaphore, #tpu.memory_space<semaphore_mem>>) src(%arg10 : memref<64x128xf32, #tpu.memory_space<vmem>>) dst(%dma_wait3A_65 : memref<64x128xf32, #tpu.memory_space<hbm>>)
        tpu.yield
      }) : () -> ()
    }
    %scan3A_43 = arith.constant 10 : i32
    %eq3A_44 = arith.constant 0 : i32
    %eq3A_45 = arith.cmpi eq, %arg1, %eq3A_44 : i32
    %convert_element_type3A_46 = arith.extui %eq3A_45 : i1 to i32
    %cond3A_47 = arith.constant 0 : i32
    %cond3A_48 = arith.cmpi ne, %convert_element_type3A_46, %cond3A_47 : i32
    scf.if %cond3A_48 {
      %scan3A_49 = arith.constant 0 : i32
      %scan3A_50 = arith.constant 0 : i32
      %scan3A_51 = arith.constant 8 : i32
      %scan3A_52 = arith.addi %scan3A_50, %scan3A_51 : i32
      %scan3A_53 = arith.constant 1 : i32
      scf.for %scan3A_55 = %scan3A_50 to %scan3A_52 step %scan3A_53  : i32 {
        %mul3A_56 = arith.constant 1280 : i32
        %mul3A_57 = arith.muli %scan3A_55, %mul3A_56 : i32
        "tpu.region"() ({
          %run_scoped3A = tpu.sem_alloc : memref<!tpu.dma_semaphore, #tpu.memory_space<semaphore_mem>>
          %dma_start3A = tpu.memref_slice %arg13[%mul3A_57] : memref<10240xf32, #tpu.memory_space<vmem_shared>> -> memref<1280xf32, #tpu.memory_space<vmem_shared>>
          %dma_start3A_58 = tpu.memref_slice %arg13[%mul3A_57] : memref<10240xf32, #tpu.memory_space<vmem_shared>> -> memref<1280xf32, #tpu.memory_space<vmem_shared>>
          tpu.enqueue_dma source(%dma_start3A_58 : memref<1280xf32, #tpu.memory_space<vmem_shared>>) target(%arg11 : memref<1280xf32, #tpu.memory_space<vmem>>) target_semaphore(%run_scoped3A : memref<!tpu.dma_semaphore, #tpu.memory_space<semaphore_mem>>)
          %dma_wait3A_59 = tpu.memref_slice %arg13[%mul3A_57] : memref<10240xf32, #tpu.memory_space<vmem_shared>> -> memref<1280xf32, #tpu.memory_space<vmem_shared>>
          %dma_wait3A_60 = tpu.memref_slice %arg13[%mul3A_57] : memref<10240xf32, #tpu.memory_space<vmem_shared>> -> memref<1280xf32, #tpu.memory_space<vmem_shared>>
          tpu.wait_dma2 semaphore(%run_scoped3A : memref<!tpu.dma_semaphore, #tpu.memory_space<semaphore_mem>>) src(%dma_wait3A_60 : memref<1280xf32, #tpu.memory_space<vmem_shared>>) dst(%arg11 : memref<1280xf32, #tpu.memory_space<vmem>>)
          tpu.yield
        }) : () -> ()
        "tpu.region"() ({
          %run_scoped3A = tpu.sem_alloc : memref<!tpu.dma_semaphore, #tpu.memory_space<semaphore_mem>>
          %dma_start3A = tpu.memref_slice %arg8[%arg0, %mul3A_57] : memref<2x10240xf32, #tpu.memory_space<hbm>> -> memref<1x1280xf32, #tpu.memory_space<hbm>>
          %dma_start3A_58 = tpu.memref_squeeze %dma_start3A : memref<1x1280xf32, #tpu.memory_space<hbm>> -> memref<1280xf32, #tpu.memory_space<hbm>>
          %dma_start3A_59 = tpu.memref_slice %arg8[%arg0, %mul3A_57] : memref<2x10240xf32, #tpu.memory_space<hbm>> -> memref<1x1280xf32, #tpu.memory_space<hbm>>
          %dma_start3A_60 = tpu.memref_squeeze %dma_start3A_59 : memref<1x1280xf32, #tpu.memory_space<hbm>> -> memref<1280xf32, #tpu.memory_space<hbm>>
          tpu.enqueue_dma source(%arg11 : memref<1280xf32, #tpu.memory_space<vmem>>) target(%dma_start3A_60 : memref<1280xf32, #tpu.memory_space<hbm>>) target_semaphore(%run_scoped3A : memref<!tpu.dma_semaphore, #tpu.memory_space<semaphore_mem>>)
          %dma_wait3A_61 = tpu.memref_slice %arg8[%arg0, %mul3A_57] : memref<2x10240xf32, #tpu.memory_space<hbm>> -> memref<1x1280xf32, #tpu.memory_space<hbm>>
          %dma_wait3A_62 = tpu.memref_squeeze %dma_wait3A_61 : memref<1x1280xf32, #tpu.memory_space<hbm>> -> memref<1280xf32, #tpu.memory_space<hbm>>
          %dma_wait3A_63 = tpu.memref_slice %arg8[%arg0, %mul3A_57] : memref<2x10240xf32, #tpu.memory_space<hbm>> -> memref<1x1280xf32, #tpu.memory_space<hbm>>
          %dma_wait3A_64 = tpu.memref_squeeze %dma_wait3A_63 : memref<1x1280xf32, #tpu.memory_space<hbm>> -> memref<1280xf32, #tpu.memory_space<hbm>>
          tpu.wait_dma2 semaphore(%run_scoped3A : memref<!tpu.dma_semaphore, #tpu.memory_space<semaphore_mem>>) src(%arg11 : memref<1280xf32, #tpu.memory_space<vmem>>) dst(%dma_wait3A_64 : memref<1280xf32, #tpu.memory_space<hbm>>)
          tpu.yield
        }) : () -> ()
      }
      %scan3A_54 = arith.constant 8 : i32
    } else {
    }
    return
  }
}

#map = affine_map<(d0, d1) -> (0, 0)>
#map1 = affine_map<(d0, d1) -> (0)>
module attributes {stable_mosaic.version = 14 : i64} {
  func.func @sc_gather(%arg0: i32, %arg1: i32, %arg2: memref<10000x128xf32, #tpu.memory_space<hbm>>, %arg3: memref<10000xf32, #tpu.memory_space<hbm>>, %arg4: memref<320000xi32, #tpu.memory_space<hbm>>, %arg5: memref<320000xi32, #tpu.memory_space<hbm>>, %arg6: memref<320000x128xf32, #tpu.memory_space<hbm>>, %arg7: memref<320000xf32, #tpu.memory_space<hbm>>, %arg8: memref<10000xi32, #tpu.memory_space<vmem>>, %arg9: memref<10000xi32, #tpu.memory_space<vmem>>, %arg10: memref<10000xf32, #tpu.memory_space<vmem>>, %arg11: memref<128x128xf32, #tpu.memory_space<vmem>>, %arg12: memref<128x128xf32, #tpu.memory_space<vmem>>, %arg13: memref<128x128xf32, #tpu.memory_space<vmem>>, %arg14: memref<128x128xf32, #tpu.memory_space<vmem>>, %arg15: memref<!tpu.dma_semaphore, #tpu.memory_space<semaphore_mem>>, %arg16: memref<!tpu.dma_semaphore, #tpu.memory_space<semaphore_mem>>, %arg17: memref<!tpu.dma_semaphore, #tpu.memory_space<semaphore_mem>>, %arg18: memref<!tpu.dma_semaphore, #tpu.memory_space<semaphore_mem>>, %arg19: memref<!tpu.dma_semaphore, #tpu.memory_space<semaphore_mem>>, %arg20: memref<!tpu.dma_semaphore, #tpu.memory_space<semaphore_mem>>, %arg21: memref<!tpu.dma_semaphore, #tpu.memory_space<semaphore_mem>>, %arg22: memref<!tpu.dma_semaphore, #tpu.memory_space<semaphore_mem>>, %arg23: memref<!tpu.dma_semaphore, #tpu.memory_space<semaphore_mem>>) attributes {dimension_semantics = [#tpu.dimension_semantics<core_parallel>, #tpu.dimension_semantics<subcore_parallel>], iteration_bounds = array<i64: 2, 16>, scalar_prefetch = 0 : i64, scratch_operands = 16 : i64, tpu.core_type = #tpu.core_type<sc_vector_subcore>, window_params = [{transform_indices = #map}, {transform_indices = #map1}, {transform_indices = #map1}, {transform_indices = #map1}, {transform_indices = #map}, {transform_indices = #map1}]} {
    %mul3A = arith.constant 2 : i32
    %mul3A_0 = arith.muli %arg1, %mul3A : i32
    %add3A = arith.addi %mul3A_0, %arg0 : i32
    %mul3A_1 = arith.constant 10000 : i32
    %mul3A_2 = arith.muli %add3A, %mul3A_1 : i32
    "tpu.region"() ({
      %run_scoped3A = tpu.sem_alloc : memref<!tpu.dma_semaphore, #tpu.memory_space<semaphore_mem>>
      %dma_start3A_86 = tpu.memref_slice %arg4[%mul3A_2] : memref<320000xi32, #tpu.memory_space<hbm>> -> memref<10000xi32, #tpu.memory_space<hbm>>
      %dma_start3A_87 = tpu.memref_slice %arg4[%mul3A_2] : memref<320000xi32, #tpu.memory_space<hbm>> -> memref<10000xi32, #tpu.memory_space<hbm>>
      tpu.enqueue_dma source(%dma_start3A_87 : memref<10000xi32, #tpu.memory_space<hbm>>) target(%arg8 : memref<10000xi32, #tpu.memory_space<vmem>>) target_semaphore(%run_scoped3A : memref<!tpu.dma_semaphore, #tpu.memory_space<semaphore_mem>>)
      %dma_wait3A_88 = tpu.memref_slice %arg4[%mul3A_2] : memref<320000xi32, #tpu.memory_space<hbm>> -> memref<10000xi32, #tpu.memory_space<hbm>>
      %dma_wait3A_89 = tpu.memref_slice %arg4[%mul3A_2] : memref<320000xi32, #tpu.memory_space<hbm>> -> memref<10000xi32, #tpu.memory_space<hbm>>
      tpu.wait_dma2 semaphore(%run_scoped3A : memref<!tpu.dma_semaphore, #tpu.memory_space<semaphore_mem>>) src(%dma_wait3A_89 : memref<10000xi32, #tpu.memory_space<hbm>>) dst(%arg8 : memref<10000xi32, #tpu.memory_space<vmem>>)
      tpu.yield
    }) : () -> ()
    "tpu.region"() ({
      %run_scoped3A = tpu.sem_alloc : memref<!tpu.dma_semaphore, #tpu.memory_space<semaphore_mem>>
      %dma_start3A_86 = tpu.memref_slice %arg5[%mul3A_2] : memref<320000xi32, #tpu.memory_space<hbm>> -> memref<10000xi32, #tpu.memory_space<hbm>>
      %dma_start3A_87 = tpu.memref_slice %arg5[%mul3A_2] : memref<320000xi32, #tpu.memory_space<hbm>> -> memref<10000xi32, #tpu.memory_space<hbm>>
      tpu.enqueue_dma source(%dma_start3A_87 : memref<10000xi32, #tpu.memory_space<hbm>>) target(%arg9 : memref<10000xi32, #tpu.memory_space<vmem>>) target_semaphore(%run_scoped3A : memref<!tpu.dma_semaphore, #tpu.memory_space<semaphore_mem>>)
      %dma_wait3A_88 = tpu.memref_slice %arg5[%mul3A_2] : memref<320000xi32, #tpu.memory_space<hbm>> -> memref<10000xi32, #tpu.memory_space<hbm>>
      %dma_wait3A_89 = tpu.memref_slice %arg5[%mul3A_2] : memref<320000xi32, #tpu.memory_space<hbm>> -> memref<10000xi32, #tpu.memory_space<hbm>>
      tpu.wait_dma2 semaphore(%run_scoped3A : memref<!tpu.dma_semaphore, #tpu.memory_space<semaphore_mem>>) src(%dma_wait3A_89 : memref<10000xi32, #tpu.memory_space<hbm>>) dst(%arg9 : memref<10000xi32, #tpu.memory_space<vmem>>)
      tpu.yield
    }) : () -> ()
    %scan3A = arith.constant 0 : i32
    %scan3A_3 = arith.constant 0 : i32
    %scan3A_4 = arith.constant 78 : i32
    %scan3A_5 = arith.addi %scan3A_3, %scan3A_4 : i32
    %scan3A_6 = arith.constant 1 : i32
    scf.for %scan3A_86 = %scan3A_3 to %scan3A_5 step %scan3A_6  : i32 {
      %mul3A_87 = arith.constant 128 : i32
      %mul3A_88 = arith.muli %scan3A_86, %mul3A_87 : i32
      %dma_start3A_89 = tpu.memref_slice %arg10[%mul3A_88] : memref<10000xf32, #tpu.memory_space<vmem>> -> memref<128xf32, #tpu.memory_space<vmem>>
      %dma_start3A_90 = tpu.memref_slice %arg9[%mul3A_88] : memref<10000xi32, #tpu.memory_space<vmem>> -> memref<128xi32, #tpu.memory_space<vmem>>
      %dma_start3A_91 = arith.constant 0 : i32
      %dma_start3A_92 = tpu.memref_slice %arg3[%dma_start3A_91] : memref<10000xf32, #tpu.memory_space<hbm>> -> memref<10000xf32, #tpu.memory_space<hbm>>
      tpu.enqueue_indirect_dma source(%dma_start3A_92 : memref<10000xf32, #tpu.memory_space<hbm>>) target(%dma_start3A_89 : memref<128xf32, #tpu.memory_space<vmem>>) offsets(%dma_start3A_90 : memref<128xi32, #tpu.memory_space<vmem>>) semaphore(%arg23 : memref<!tpu.dma_semaphore, #tpu.memory_space<semaphore_mem>>)
    }
    %scan3A_7 = arith.constant 78 : i32
    %dma_start3A = arith.constant 9984 : i32
    %dma_start3A_8 = tpu.memref_slice %arg10[%dma_start3A] : memref<10000xf32, #tpu.memory_space<vmem>> -> memref<16xf32, #tpu.memory_space<vmem>>
    %dma_start3A_9 = arith.constant 9984 : i32
    %dma_start3A_10 = tpu.memref_slice %arg9[%dma_start3A_9] : memref<10000xi32, #tpu.memory_space<vmem>> -> memref<16xi32, #tpu.memory_space<vmem>>
    %dma_start3A_11 = arith.constant 0 : i32
    %dma_start3A_12 = tpu.memref_slice %arg3[%dma_start3A_11] : memref<10000xf32, #tpu.memory_space<hbm>> -> memref<10000xf32, #tpu.memory_space<hbm>>
    tpu.enqueue_indirect_dma source(%dma_start3A_12 : memref<10000xf32, #tpu.memory_space<hbm>>) target(%dma_start3A_8 : memref<16xf32, #tpu.memory_space<vmem>>) offsets(%dma_start3A_10 : memref<16xi32, #tpu.memory_space<vmem>>) semaphore(%arg23 : memref<!tpu.dma_semaphore, #tpu.memory_space<semaphore_mem>>)
    %scan3A_13 = arith.constant 0 : i32
    %scan3A_14 = arith.constant 0 : i32
    %scan3A_15 = arith.constant 19 : i32
    %scan3A_16 = arith.addi %scan3A_14, %scan3A_15 : i32
    %scan3A_17 = arith.constant 1 : i32
    scf.for %scan3A_86 = %scan3A_14 to %scan3A_16 step %scan3A_17  : i32 {
      %mul3A_87 = arith.constant 4 : i32
      %mul3A_88 = arith.muli %scan3A_86, %mul3A_87 : i32
      %add3A_89 = arith.constant 0 : i32
      %add3A_90 = arith.addi %mul3A_88, %add3A_89 : i32
      %gt3A = arith.constant 0 : i32
      %gt3A_91 = arith.cmpi sgt, %scan3A_86, %gt3A : i32
      %convert_element_type3A = arith.extui %gt3A_91 : i1 to i32
      %cond3A = arith.constant 0 : i32
      %cond3A_92 = arith.cmpi ne, %convert_element_type3A, %cond3A : i32
      scf.if %cond3A_92 {
        %sub3A = arith.constant 4 : i32
        %sub3A_212 = arith.subi %add3A_90, %sub3A : i32
        %mul3A_213 = arith.constant 128 : i32
        %mul3A_214 = arith.muli %sub3A_212, %mul3A_213 : i32
        %add3A_215 = arith.addi %mul3A_2, %mul3A_214 : i32
        %dma_wait3A_216 = arith.constant 0 : i32
        %dma_wait3A_217 = tpu.memref_slice %arg6[%add3A_215, %dma_wait3A_216] : memref<320000x128xf32, #tpu.memory_space<hbm>> -> memref<128x128xf32, #tpu.memory_space<hbm>>
        %dma_wait3A_218 = arith.constant 0 : i32
        %dma_wait3A_219 = tpu.memref_slice %arg6[%add3A_215, %dma_wait3A_218] : memref<320000x128xf32, #tpu.memory_space<hbm>> -> memref<128x128xf32, #tpu.memory_space<hbm>>
        tpu.wait_dma2 semaphore(%arg19 : memref<!tpu.dma_semaphore, #tpu.memory_space<semaphore_mem>>) src(%arg11 : memref<128x128xf32, #tpu.memory_space<vmem>>) dst(%dma_wait3A_219 : memref<128x128xf32, #tpu.memory_space<hbm>>)
      } else {
      }
      %mul3A_93 = arith.constant 128 : i32
      %mul3A_94 = arith.muli %add3A_90, %mul3A_93 : i32
      %dma_start3A_95 = tpu.memref_slice %arg8[%mul3A_94] : memref<10000xi32, #tpu.memory_space<vmem>> -> memref<128xi32, #tpu.memory_space<vmem>>
      %dma_start3A_96 = arith.constant 0 : i32
      %dma_start3A_97 = arith.constant 0 : i32
      %dma_start3A_98 = tpu.memref_slice %arg2[%dma_start3A_96, %dma_start3A_97] : memref<10000x128xf32, #tpu.memory_space<hbm>> -> memref<10000x128xf32, #tpu.memory_space<hbm>>
      tpu.enqueue_indirect_dma source(%dma_start3A_98 : memref<10000x128xf32, #tpu.memory_space<hbm>>) target(%arg11 : memref<128x128xf32, #tpu.memory_space<vmem>>) offsets(%dma_start3A_95 : memref<128xi32, #tpu.memory_space<vmem>>) semaphore(%arg15 : memref<!tpu.dma_semaphore, #tpu.memory_space<semaphore_mem>>)
      %mul3A_99 = arith.constant 4 : i32
      %mul3A_100 = arith.muli %scan3A_86, %mul3A_99 : i32
      %add3A_101 = arith.constant 1 : i32
      %add3A_102 = arith.addi %mul3A_100, %add3A_101 : i32
      %gt3A_103 = arith.constant 0 : i32
      %gt3A_104 = arith.cmpi sgt, %scan3A_86, %gt3A_103 : i32
      %convert_element_type3A_105 = arith.extui %gt3A_104 : i1 to i32
      %cond3A_106 = arith.constant 0 : i32
      %cond3A_107 = arith.cmpi ne, %convert_element_type3A_105, %cond3A_106 : i32
      scf.if %cond3A_107 {
        %sub3A = arith.constant 4 : i32
        %sub3A_212 = arith.subi %add3A_102, %sub3A : i32
        %mul3A_213 = arith.constant 128 : i32
        %mul3A_214 = arith.muli %sub3A_212, %mul3A_213 : i32
        %add3A_215 = arith.addi %mul3A_2, %mul3A_214 : i32
        %dma_wait3A_216 = arith.constant 0 : i32
        %dma_wait3A_217 = tpu.memref_slice %arg6[%add3A_215, %dma_wait3A_216] : memref<320000x128xf32, #tpu.memory_space<hbm>> -> memref<128x128xf32, #tpu.memory_space<hbm>>
        %dma_wait3A_218 = arith.constant 0 : i32
        %dma_wait3A_219 = tpu.memref_slice %arg6[%add3A_215, %dma_wait3A_218] : memref<320000x128xf32, #tpu.memory_space<hbm>> -> memref<128x128xf32, #tpu.memory_space<hbm>>
        tpu.wait_dma2 semaphore(%arg20 : memref<!tpu.dma_semaphore, #tpu.memory_space<semaphore_mem>>) src(%arg12 : memref<128x128xf32, #tpu.memory_space<vmem>>) dst(%dma_wait3A_219 : memref<128x128xf32, #tpu.memory_space<hbm>>)
      } else {
      }
      %mul3A_108 = arith.constant 128 : i32
      %mul3A_109 = arith.muli %add3A_102, %mul3A_108 : i32
      %dma_start3A_110 = tpu.memref_slice %arg8[%mul3A_109] : memref<10000xi32, #tpu.memory_space<vmem>> -> memref<128xi32, #tpu.memory_space<vmem>>
      %dma_start3A_111 = arith.constant 0 : i32
      %dma_start3A_112 = arith.constant 0 : i32
      %dma_start3A_113 = tpu.memref_slice %arg2[%dma_start3A_111, %dma_start3A_112] : memref<10000x128xf32, #tpu.memory_space<hbm>> -> memref<10000x128xf32, #tpu.memory_space<hbm>>
      tpu.enqueue_indirect_dma source(%dma_start3A_113 : memref<10000x128xf32, #tpu.memory_space<hbm>>) target(%arg12 : memref<128x128xf32, #tpu.memory_space<vmem>>) offsets(%dma_start3A_110 : memref<128xi32, #tpu.memory_space<vmem>>) semaphore(%arg16 : memref<!tpu.dma_semaphore, #tpu.memory_space<semaphore_mem>>)
      %mul3A_114 = arith.constant 4 : i32
      %mul3A_115 = arith.muli %scan3A_86, %mul3A_114 : i32
      %add3A_116 = arith.constant 2 : i32
      %add3A_117 = arith.addi %mul3A_115, %add3A_116 : i32
      %gt3A_118 = arith.constant 0 : i32
      %gt3A_119 = arith.cmpi sgt, %scan3A_86, %gt3A_118 : i32
      %convert_element_type3A_120 = arith.extui %gt3A_119 : i1 to i32
      %cond3A_121 = arith.constant 0 : i32
      %cond3A_122 = arith.cmpi ne, %convert_element_type3A_120, %cond3A_121 : i32
      scf.if %cond3A_122 {
        %sub3A = arith.constant 4 : i32
        %sub3A_212 = arith.subi %add3A_117, %sub3A : i32
        %mul3A_213 = arith.constant 128 : i32
        %mul3A_214 = arith.muli %sub3A_212, %mul3A_213 : i32
        %add3A_215 = arith.addi %mul3A_2, %mul3A_214 : i32
        %dma_wait3A_216 = arith.constant 0 : i32
        %dma_wait3A_217 = tpu.memref_slice %arg6[%add3A_215, %dma_wait3A_216] : memref<320000x128xf32, #tpu.memory_space<hbm>> -> memref<128x128xf32, #tpu.memory_space<hbm>>
        %dma_wait3A_218 = arith.constant 0 : i32
        %dma_wait3A_219 = tpu.memref_slice %arg6[%add3A_215, %dma_wait3A_218] : memref<320000x128xf32, #tpu.memory_space<hbm>> -> memref<128x128xf32, #tpu.memory_space<hbm>>
        tpu.wait_dma2 semaphore(%arg21 : memref<!tpu.dma_semaphore, #tpu.memory_space<semaphore_mem>>) src(%arg13 : memref<128x128xf32, #tpu.memory_space<vmem>>) dst(%dma_wait3A_219 : memref<128x128xf32, #tpu.memory_space<hbm>>)
      } else {
      }
      %mul3A_123 = arith.constant 128 : i32
      %mul3A_124 = arith.muli %add3A_117, %mul3A_123 : i32
      %dma_start3A_125 = tpu.memref_slice %arg8[%mul3A_124] : memref<10000xi32, #tpu.memory_space<vmem>> -> memref<128xi32, #tpu.memory_space<vmem>>
      %dma_start3A_126 = arith.constant 0 : i32
      %dma_start3A_127 = arith.constant 0 : i32
      %dma_start3A_128 = tpu.memref_slice %arg2[%dma_start3A_126, %dma_start3A_127] : memref<10000x128xf32, #tpu.memory_space<hbm>> -> memref<10000x128xf32, #tpu.memory_space<hbm>>
      tpu.enqueue_indirect_dma source(%dma_start3A_128 : memref<10000x128xf32, #tpu.memory_space<hbm>>) target(%arg13 : memref<128x128xf32, #tpu.memory_space<vmem>>) offsets(%dma_start3A_125 : memref<128xi32, #tpu.memory_space<vmem>>) semaphore(%arg17 : memref<!tpu.dma_semaphore, #tpu.memory_space<semaphore_mem>>)
      %mul3A_129 = arith.constant 4 : i32
      %mul3A_130 = arith.muli %scan3A_86, %mul3A_129 : i32
      %add3A_131 = arith.constant 3 : i32
      %add3A_132 = arith.addi %mul3A_130, %add3A_131 : i32
      %gt3A_133 = arith.constant 0 : i32
      %gt3A_134 = arith.cmpi sgt, %scan3A_86, %gt3A_133 : i32
      %convert_element_type3A_135 = arith.extui %gt3A_134 : i1 to i32
      %cond3A_136 = arith.constant 0 : i32
      %cond3A_137 = arith.cmpi ne, %convert_element_type3A_135, %cond3A_136 : i32
      scf.if %cond3A_137 {
        %sub3A = arith.constant 4 : i32
        %sub3A_212 = arith.subi %add3A_132, %sub3A : i32
        %mul3A_213 = arith.constant 128 : i32
        %mul3A_214 = arith.muli %sub3A_212, %mul3A_213 : i32
        %add3A_215 = arith.addi %mul3A_2, %mul3A_214 : i32
        %dma_wait3A_216 = arith.constant 0 : i32
        %dma_wait3A_217 = tpu.memref_slice %arg6[%add3A_215, %dma_wait3A_216] : memref<320000x128xf32, #tpu.memory_space<hbm>> -> memref<128x128xf32, #tpu.memory_space<hbm>>
        %dma_wait3A_218 = arith.constant 0 : i32
        %dma_wait3A_219 = tpu.memref_slice %arg6[%add3A_215, %dma_wait3A_218] : memref<320000x128xf32, #tpu.memory_space<hbm>> -> memref<128x128xf32, #tpu.memory_space<hbm>>
        tpu.wait_dma2 semaphore(%arg22 : memref<!tpu.dma_semaphore, #tpu.memory_space<semaphore_mem>>) src(%arg14 : memref<128x128xf32, #tpu.memory_space<vmem>>) dst(%dma_wait3A_219 : memref<128x128xf32, #tpu.memory_space<hbm>>)
      } else {
      }
      %mul3A_138 = arith.constant 128 : i32
      %mul3A_139 = arith.muli %add3A_132, %mul3A_138 : i32
      %dma_start3A_140 = tpu.memref_slice %arg8[%mul3A_139] : memref<10000xi32, #tpu.memory_space<vmem>> -> memref<128xi32, #tpu.memory_space<vmem>>
      %dma_start3A_141 = arith.constant 0 : i32
      %dma_start3A_142 = arith.constant 0 : i32
      %dma_start3A_143 = tpu.memref_slice %arg2[%dma_start3A_141, %dma_start3A_142] : memref<10000x128xf32, #tpu.memory_space<hbm>> -> memref<10000x128xf32, #tpu.memory_space<hbm>>
      tpu.enqueue_indirect_dma source(%dma_start3A_143 : memref<10000x128xf32, #tpu.memory_space<hbm>>) target(%arg14 : memref<128x128xf32, #tpu.memory_space<vmem>>) offsets(%dma_start3A_140 : memref<128xi32, #tpu.memory_space<vmem>>) semaphore(%arg18 : memref<!tpu.dma_semaphore, #tpu.memory_space<semaphore_mem>>)
      %mul3A_144 = arith.constant 4 : i32
      %mul3A_145 = arith.muli %scan3A_86, %mul3A_144 : i32
      %add3A_146 = arith.constant 0 : i32
      %add3A_147 = arith.addi %mul3A_145, %add3A_146 : i32
      %mul3A_148 = arith.constant 128 : i32
      %mul3A_149 = arith.muli %add3A_147, %mul3A_148 : i32
      %dma_wait3A_150 = tpu.memref_slice %arg8[%mul3A_149] : memref<10000xi32, #tpu.memory_space<vmem>> -> memref<128xi32, #tpu.memory_space<vmem>>
      %dma_wait3A_151 = arith.constant 0 : i32
      %dma_wait3A_152 = arith.constant 0 : i32
      %dma_wait3A_153 = tpu.memref_slice %arg2[%dma_wait3A_151, %dma_wait3A_152] : memref<10000x128xf32, #tpu.memory_space<hbm>> -> memref<10000x128xf32, #tpu.memory_space<hbm>>
      tpu.wait_indirect_dma semaphore(%arg15 : memref<!tpu.dma_semaphore, #tpu.memory_space<semaphore_mem>>) src(%dma_wait3A_153 : memref<10000x128xf32, #tpu.memory_space<hbm>>) dst(%arg11 : memref<128x128xf32, #tpu.memory_space<vmem>>)
      %mul3A_154 = arith.constant 128 : i32
      %mul3A_155 = arith.muli %add3A_147, %mul3A_154 : i32
      %add3A_156 = arith.addi %mul3A_2, %mul3A_155 : i32
      %dma_start3A_157 = arith.constant 0 : i32
      %dma_start3A_158 = tpu.memref_slice %arg6[%add3A_156, %dma_start3A_157] : memref<320000x128xf32, #tpu.memory_space<hbm>> -> memref<128x128xf32, #tpu.memory_space<hbm>>
      %dma_start3A_159 = arith.constant 0 : i32
      %dma_start3A_160 = tpu.memref_slice %arg6[%add3A_156, %dma_start3A_159] : memref<320000x128xf32, #tpu.memory_space<hbm>> -> memref<128x128xf32, #tpu.memory_space<hbm>>
      tpu.enqueue_dma source(%arg11 : memref<128x128xf32, #tpu.memory_space<vmem>>) target(%dma_start3A_160 : memref<128x128xf32, #tpu.memory_space<hbm>>) target_semaphore(%arg19 : memref<!tpu.dma_semaphore, #tpu.memory_space<semaphore_mem>>)
      %mul3A_161 = arith.constant 4 : i32
      %mul3A_162 = arith.muli %scan3A_86, %mul3A_161 : i32
      %add3A_163 = arith.constant 1 : i32
      %add3A_164 = arith.addi %mul3A_162, %add3A_163 : i32
      %mul3A_165 = arith.constant 128 : i32
      %mul3A_166 = arith.muli %add3A_164, %mul3A_165 : i32
      %dma_wait3A_167 = tpu.memref_slice %arg8[%mul3A_166] : memref<10000xi32, #tpu.memory_space<vmem>> -> memref<128xi32, #tpu.memory_space<vmem>>
      %dma_wait3A_168 = arith.constant 0 : i32
      %dma_wait3A_169 = arith.constant 0 : i32
      %dma_wait3A_170 = tpu.memref_slice %arg2[%dma_wait3A_168, %dma_wait3A_169] : memref<10000x128xf32, #tpu.memory_space<hbm>> -> memref<10000x128xf32, #tpu.memory_space<hbm>>
      tpu.wait_indirect_dma semaphore(%arg16 : memref<!tpu.dma_semaphore, #tpu.memory_space<semaphore_mem>>) src(%dma_wait3A_170 : memref<10000x128xf32, #tpu.memory_space<hbm>>) dst(%arg12 : memref<128x128xf32, #tpu.memory_space<vmem>>)
      %mul3A_171 = arith.constant 128 : i32
      %mul3A_172 = arith.muli %add3A_164, %mul3A_171 : i32
      %add3A_173 = arith.addi %mul3A_2, %mul3A_172 : i32
      %dma_start3A_174 = arith.constant 0 : i32
      %dma_start3A_175 = tpu.memref_slice %arg6[%add3A_173, %dma_start3A_174] : memref<320000x128xf32, #tpu.memory_space<hbm>> -> memref<128x128xf32, #tpu.memory_space<hbm>>
      %dma_start3A_176 = arith.constant 0 : i32
      %dma_start3A_177 = tpu.memref_slice %arg6[%add3A_173, %dma_start3A_176] : memref<320000x128xf32, #tpu.memory_space<hbm>> -> memref<128x128xf32, #tpu.memory_space<hbm>>
      tpu.enqueue_dma source(%arg12 : memref<128x128xf32, #tpu.memory_space<vmem>>) target(%dma_start3A_177 : memref<128x128xf32, #tpu.memory_space<hbm>>) target_semaphore(%arg20 : memref<!tpu.dma_semaphore, #tpu.memory_space<semaphore_mem>>)
      %mul3A_178 = arith.constant 4 : i32
      %mul3A_179 = arith.muli %scan3A_86, %mul3A_178 : i32
      %add3A_180 = arith.constant 2 : i32
      %add3A_181 = arith.addi %mul3A_179, %add3A_180 : i32
      %mul3A_182 = arith.constant 128 : i32
      %mul3A_183 = arith.muli %add3A_181, %mul3A_182 : i32
      %dma_wait3A_184 = tpu.memref_slice %arg8[%mul3A_183] : memref<10000xi32, #tpu.memory_space<vmem>> -> memref<128xi32, #tpu.memory_space<vmem>>
      %dma_wait3A_185 = arith.constant 0 : i32
      %dma_wait3A_186 = arith.constant 0 : i32
      %dma_wait3A_187 = tpu.memref_slice %arg2[%dma_wait3A_185, %dma_wait3A_186] : memref<10000x128xf32, #tpu.memory_space<hbm>> -> memref<10000x128xf32, #tpu.memory_space<hbm>>
      tpu.wait_indirect_dma semaphore(%arg17 : memref<!tpu.dma_semaphore, #tpu.memory_space<semaphore_mem>>) src(%dma_wait3A_187 : memref<10000x128xf32, #tpu.memory_space<hbm>>) dst(%arg13 : memref<128x128xf32, #tpu.memory_space<vmem>>)
      %mul3A_188 = arith.constant 128 : i32
      %mul3A_189 = arith.muli %add3A_181, %mul3A_188 : i32
      %add3A_190 = arith.addi %mul3A_2, %mul3A_189 : i32
      %dma_start3A_191 = arith.constant 0 : i32
      %dma_start3A_192 = tpu.memref_slice %arg6[%add3A_190, %dma_start3A_191] : memref<320000x128xf32, #tpu.memory_space<hbm>> -> memref<128x128xf32, #tpu.memory_space<hbm>>
      %dma_start3A_193 = arith.constant 0 : i32
      %dma_start3A_194 = tpu.memref_slice %arg6[%add3A_190, %dma_start3A_193] : memref<320000x128xf32, #tpu.memory_space<hbm>> -> memref<128x128xf32, #tpu.memory_space<hbm>>
      tpu.enqueue_dma source(%arg13 : memref<128x128xf32, #tpu.memory_space<vmem>>) target(%dma_start3A_194 : memref<128x128xf32, #tpu.memory_space<hbm>>) target_semaphore(%arg21 : memref<!tpu.dma_semaphore, #tpu.memory_space<semaphore_mem>>)
      %mul3A_195 = arith.constant 4 : i32
      %mul3A_196 = arith.muli %scan3A_86, %mul3A_195 : i32
      %add3A_197 = arith.constant 3 : i32
      %add3A_198 = arith.addi %mul3A_196, %add3A_197 : i32
      %mul3A_199 = arith.constant 128 : i32
      %mul3A_200 = arith.muli %add3A_198, %mul3A_199 : i32
      %dma_wait3A_201 = tpu.memref_slice %arg8[%mul3A_200] : memref<10000xi32, #tpu.memory_space<vmem>> -> memref<128xi32, #tpu.memory_space<vmem>>
      %dma_wait3A_202 = arith.constant 0 : i32
      %dma_wait3A_203 = arith.constant 0 : i32
      %dma_wait3A_204 = tpu.memref_slice %arg2[%dma_wait3A_202, %dma_wait3A_203] : memref<10000x128xf32, #tpu.memory_space<hbm>> -> memref<10000x128xf32, #tpu.memory_space<hbm>>
      tpu.wait_indirect_dma semaphore(%arg18 : memref<!tpu.dma_semaphore, #tpu.memory_space<semaphore_mem>>) src(%dma_wait3A_204 : memref<10000x128xf32, #tpu.memory_space<hbm>>) dst(%arg14 : memref<128x128xf32, #tpu.memory_space<vmem>>)
      %mul3A_205 = arith.constant 128 : i32
      %mul3A_206 = arith.muli %add3A_198, %mul3A_205 : i32
      %add3A_207 = arith.addi %mul3A_2, %mul3A_206 : i32
      %dma_start3A_208 = arith.constant 0 : i32
      %dma_start3A_209 = tpu.memref_slice %arg6[%add3A_207, %dma_start3A_208] : memref<320000x128xf32, #tpu.memory_space<hbm>> -> memref<128x128xf32, #tpu.memory_space<hbm>>
      %dma_start3A_210 = arith.constant 0 : i32
      %dma_start3A_211 = tpu.memref_slice %arg6[%add3A_207, %dma_start3A_210] : memref<320000x128xf32, #tpu.memory_space<hbm>> -> memref<128x128xf32, #tpu.memory_space<hbm>>
      tpu.enqueue_dma source(%arg14 : memref<128x128xf32, #tpu.memory_space<vmem>>) target(%dma_start3A_211 : memref<128x128xf32, #tpu.memory_space<hbm>>) target_semaphore(%arg22 : memref<!tpu.dma_semaphore, #tpu.memory_space<semaphore_mem>>)
    }
    %scan3A_18 = arith.constant 19 : i32
    %add3A_19 = arith.constant 9216 : i32
    %add3A_20 = arith.addi %mul3A_2, %add3A_19 : i32
    %dma_wait3A = arith.constant 0 : i32
    %dma_wait3A_21 = tpu.memref_slice %arg6[%add3A_20, %dma_wait3A] : memref<320000x128xf32, #tpu.memory_space<hbm>> -> memref<128x128xf32, #tpu.memory_space<hbm>>
    %dma_wait3A_22 = arith.constant 0 : i32
    %dma_wait3A_23 = tpu.memref_slice %arg6[%add3A_20, %dma_wait3A_22] : memref<320000x128xf32, #tpu.memory_space<hbm>> -> memref<128x128xf32, #tpu.memory_space<hbm>>
    tpu.wait_dma2 semaphore(%arg19 : memref<!tpu.dma_semaphore, #tpu.memory_space<semaphore_mem>>) src(%arg11 : memref<128x128xf32, #tpu.memory_space<vmem>>) dst(%dma_wait3A_23 : memref<128x128xf32, #tpu.memory_space<hbm>>)
    %add3A_24 = arith.constant 9344 : i32
    %add3A_25 = arith.addi %mul3A_2, %add3A_24 : i32
    %dma_wait3A_26 = arith.constant 0 : i32
    %dma_wait3A_27 = tpu.memref_slice %arg6[%add3A_25, %dma_wait3A_26] : memref<320000x128xf32, #tpu.memory_space<hbm>> -> memref<128x128xf32, #tpu.memory_space<hbm>>
    %dma_wait3A_28 = arith.constant 0 : i32
    %dma_wait3A_29 = tpu.memref_slice %arg6[%add3A_25, %dma_wait3A_28] : memref<320000x128xf32, #tpu.memory_space<hbm>> -> memref<128x128xf32, #tpu.memory_space<hbm>>
    tpu.wait_dma2 semaphore(%arg20 : memref<!tpu.dma_semaphore, #tpu.memory_space<semaphore_mem>>) src(%arg12 : memref<128x128xf32, #tpu.memory_space<vmem>>) dst(%dma_wait3A_29 : memref<128x128xf32, #tpu.memory_space<hbm>>)
    %add3A_30 = arith.constant 9472 : i32
    %add3A_31 = arith.addi %mul3A_2, %add3A_30 : i32
    %dma_wait3A_32 = arith.constant 0 : i32
    %dma_wait3A_33 = tpu.memref_slice %arg6[%add3A_31, %dma_wait3A_32] : memref<320000x128xf32, #tpu.memory_space<hbm>> -> memref<128x128xf32, #tpu.memory_space<hbm>>
    %dma_wait3A_34 = arith.constant 0 : i32
    %dma_wait3A_35 = tpu.memref_slice %arg6[%add3A_31, %dma_wait3A_34] : memref<320000x128xf32, #tpu.memory_space<hbm>> -> memref<128x128xf32, #tpu.memory_space<hbm>>
    tpu.wait_dma2 semaphore(%arg21 : memref<!tpu.dma_semaphore, #tpu.memory_space<semaphore_mem>>) src(%arg13 : memref<128x128xf32, #tpu.memory_space<vmem>>) dst(%dma_wait3A_35 : memref<128x128xf32, #tpu.memory_space<hbm>>)
    %add3A_36 = arith.constant 9600 : i32
    %add3A_37 = arith.addi %mul3A_2, %add3A_36 : i32
    %dma_wait3A_38 = arith.constant 0 : i32
    %dma_wait3A_39 = tpu.memref_slice %arg6[%add3A_37, %dma_wait3A_38] : memref<320000x128xf32, #tpu.memory_space<hbm>> -> memref<128x128xf32, #tpu.memory_space<hbm>>
    %dma_wait3A_40 = arith.constant 0 : i32
    %dma_wait3A_41 = tpu.memref_slice %arg6[%add3A_37, %dma_wait3A_40] : memref<320000x128xf32, #tpu.memory_space<hbm>> -> memref<128x128xf32, #tpu.memory_space<hbm>>
    tpu.wait_dma2 semaphore(%arg22 : memref<!tpu.dma_semaphore, #tpu.memory_space<semaphore_mem>>) src(%arg14 : memref<128x128xf32, #tpu.memory_space<vmem>>) dst(%dma_wait3A_41 : memref<128x128xf32, #tpu.memory_space<hbm>>)
    %dma_start3A_42 = arith.constant 9728 : i32
    %dma_start3A_43 = tpu.memref_slice %arg8[%dma_start3A_42] : memref<10000xi32, #tpu.memory_space<vmem>> -> memref<128xi32, #tpu.memory_space<vmem>>
    %dma_start3A_44 = arith.constant 0 : i32
    %dma_start3A_45 = arith.constant 0 : i32
    %dma_start3A_46 = tpu.memref_slice %arg2[%dma_start3A_44, %dma_start3A_45] : memref<10000x128xf32, #tpu.memory_space<hbm>> -> memref<10000x128xf32, #tpu.memory_space<hbm>>
    tpu.enqueue_indirect_dma source(%dma_start3A_46 : memref<10000x128xf32, #tpu.memory_space<hbm>>) target(%arg11 : memref<128x128xf32, #tpu.memory_space<vmem>>) offsets(%dma_start3A_43 : memref<128xi32, #tpu.memory_space<vmem>>) semaphore(%arg15 : memref<!tpu.dma_semaphore, #tpu.memory_space<semaphore_mem>>)
    %dma_start3A_47 = arith.constant 9856 : i32
    %dma_start3A_48 = tpu.memref_slice %arg8[%dma_start3A_47] : memref<10000xi32, #tpu.memory_space<vmem>> -> memref<128xi32, #tpu.memory_space<vmem>>
    %dma_start3A_49 = arith.constant 0 : i32
    %dma_start3A_50 = arith.constant 0 : i32
    %dma_start3A_51 = tpu.memref_slice %arg2[%dma_start3A_49, %dma_start3A_50] : memref<10000x128xf32, #tpu.memory_space<hbm>> -> memref<10000x128xf32, #tpu.memory_space<hbm>>
    tpu.enqueue_indirect_dma source(%dma_start3A_51 : memref<10000x128xf32, #tpu.memory_space<hbm>>) target(%arg12 : memref<128x128xf32, #tpu.memory_space<vmem>>) offsets(%dma_start3A_48 : memref<128xi32, #tpu.memory_space<vmem>>) semaphore(%arg16 : memref<!tpu.dma_semaphore, #tpu.memory_space<semaphore_mem>>)
    %dma_wait3A_52 = arith.constant 9728 : i32
    %dma_wait3A_53 = tpu.memref_slice %arg8[%dma_wait3A_52] : memref<10000xi32, #tpu.memory_space<vmem>> -> memref<128xi32, #tpu.memory_space<vmem>>
    %dma_wait3A_54 = arith.constant 0 : i32
    %dma_wait3A_55 = arith.constant 0 : i32
    %dma_wait3A_56 = tpu.memref_slice %arg2[%dma_wait3A_54, %dma_wait3A_55] : memref<10000x128xf32, #tpu.memory_space<hbm>> -> memref<10000x128xf32, #tpu.memory_space<hbm>>
    tpu.wait_indirect_dma semaphore(%arg15 : memref<!tpu.dma_semaphore, #tpu.memory_space<semaphore_mem>>) src(%dma_wait3A_56 : memref<10000x128xf32, #tpu.memory_space<hbm>>) dst(%arg11 : memref<128x128xf32, #tpu.memory_space<vmem>>)
    %add3A_57 = arith.constant 9728 : i32
    %add3A_58 = arith.addi %mul3A_2, %add3A_57 : i32
    "tpu.region"() ({
      %run_scoped3A = tpu.sem_alloc : memref<!tpu.dma_semaphore, #tpu.memory_space<semaphore_mem>>
      %dma_start3A_86 = arith.constant 0 : i32
      %dma_start3A_87 = tpu.memref_slice %arg6[%add3A_58, %dma_start3A_86] : memref<320000x128xf32, #tpu.memory_space<hbm>> -> memref<128x128xf32, #tpu.memory_space<hbm>>
      %dma_start3A_88 = arith.constant 0 : i32
      %dma_start3A_89 = tpu.memref_slice %arg6[%add3A_58, %dma_start3A_88] : memref<320000x128xf32, #tpu.memory_space<hbm>> -> memref<128x128xf32, #tpu.memory_space<hbm>>
      tpu.enqueue_dma source(%arg11 : memref<128x128xf32, #tpu.memory_space<vmem>>) target(%dma_start3A_89 : memref<128x128xf32, #tpu.memory_space<hbm>>) target_semaphore(%run_scoped3A : memref<!tpu.dma_semaphore, #tpu.memory_space<semaphore_mem>>)
      %dma_wait3A_90 = arith.constant 0 : i32
      %dma_wait3A_91 = tpu.memref_slice %arg6[%add3A_58, %dma_wait3A_90] : memref<320000x128xf32, #tpu.memory_space<hbm>> -> memref<128x128xf32, #tpu.memory_space<hbm>>
      %dma_wait3A_92 = arith.constant 0 : i32
      %dma_wait3A_93 = tpu.memref_slice %arg6[%add3A_58, %dma_wait3A_92] : memref<320000x128xf32, #tpu.memory_space<hbm>> -> memref<128x128xf32, #tpu.memory_space<hbm>>
      tpu.wait_dma2 semaphore(%run_scoped3A : memref<!tpu.dma_semaphore, #tpu.memory_space<semaphore_mem>>) src(%arg11 : memref<128x128xf32, #tpu.memory_space<vmem>>) dst(%dma_wait3A_93 : memref<128x128xf32, #tpu.memory_space<hbm>>)
      tpu.yield
    }) : () -> ()
    %dma_wait3A_59 = arith.constant 9856 : i32
    %dma_wait3A_60 = tpu.memref_slice %arg8[%dma_wait3A_59] : memref<10000xi32, #tpu.memory_space<vmem>> -> memref<128xi32, #tpu.memory_space<vmem>>
    %dma_wait3A_61 = arith.constant 0 : i32
    %dma_wait3A_62 = arith.constant 0 : i32
    %dma_wait3A_63 = tpu.memref_slice %arg2[%dma_wait3A_61, %dma_wait3A_62] : memref<10000x128xf32, #tpu.memory_space<hbm>> -> memref<10000x128xf32, #tpu.memory_space<hbm>>
    tpu.wait_indirect_dma semaphore(%arg16 : memref<!tpu.dma_semaphore, #tpu.memory_space<semaphore_mem>>) src(%dma_wait3A_63 : memref<10000x128xf32, #tpu.memory_space<hbm>>) dst(%arg12 : memref<128x128xf32, #tpu.memory_space<vmem>>)
    %add3A_64 = arith.constant 9856 : i32
    %add3A_65 = arith.addi %mul3A_2, %add3A_64 : i32
    "tpu.region"() ({
      %run_scoped3A = tpu.sem_alloc : memref<!tpu.dma_semaphore, #tpu.memory_space<semaphore_mem>>
      %dma_start3A_86 = arith.constant 0 : i32
      %dma_start3A_87 = tpu.memref_slice %arg6[%add3A_65, %dma_start3A_86] : memref<320000x128xf32, #tpu.memory_space<hbm>> -> memref<128x128xf32, #tpu.memory_space<hbm>>
      %dma_start3A_88 = arith.constant 0 : i32
      %dma_start3A_89 = tpu.memref_slice %arg6[%add3A_65, %dma_start3A_88] : memref<320000x128xf32, #tpu.memory_space<hbm>> -> memref<128x128xf32, #tpu.memory_space<hbm>>
      tpu.enqueue_dma source(%arg12 : memref<128x128xf32, #tpu.memory_space<vmem>>) target(%dma_start3A_89 : memref<128x128xf32, #tpu.memory_space<hbm>>) target_semaphore(%run_scoped3A : memref<!tpu.dma_semaphore, #tpu.memory_space<semaphore_mem>>)
      %dma_wait3A_90 = arith.constant 0 : i32
      %dma_wait3A_91 = tpu.memref_slice %arg6[%add3A_65, %dma_wait3A_90] : memref<320000x128xf32, #tpu.memory_space<hbm>> -> memref<128x128xf32, #tpu.memory_space<hbm>>
      %dma_wait3A_92 = arith.constant 0 : i32
      %dma_wait3A_93 = tpu.memref_slice %arg6[%add3A_65, %dma_wait3A_92] : memref<320000x128xf32, #tpu.memory_space<hbm>> -> memref<128x128xf32, #tpu.memory_space<hbm>>
      tpu.wait_dma2 semaphore(%run_scoped3A : memref<!tpu.dma_semaphore, #tpu.memory_space<semaphore_mem>>) src(%arg12 : memref<128x128xf32, #tpu.memory_space<vmem>>) dst(%dma_wait3A_93 : memref<128x128xf32, #tpu.memory_space<hbm>>)
      tpu.yield
    }) : () -> ()
    %dma_start3A_66 = arith.constant 0 : i32
    %dma_start3A_67 = arith.constant 0 : i32
    %dma_start3A_68 = tpu.memref_slice %arg11[%dma_start3A_66, %dma_start3A_67] : memref<128x128xf32, #tpu.memory_space<vmem>> -> memref<16x128xf32, #tpu.memory_space<vmem>>
    %dma_start3A_69 = arith.constant 9984 : i32
    %dma_start3A_70 = tpu.memref_slice %arg8[%dma_start3A_69] : memref<10000xi32, #tpu.memory_space<vmem>> -> memref<16xi32, #tpu.memory_space<vmem>>
    %dma_start3A_71 = arith.constant 0 : i32
    %dma_start3A_72 = arith.constant 0 : i32
    %dma_start3A_73 = tpu.memref_slice %arg2[%dma_start3A_71, %dma_start3A_72] : memref<10000x128xf32, #tpu.memory_space<hbm>> -> memref<10000x128xf32, #tpu.memory_space<hbm>>
    tpu.enqueue_indirect_dma source(%dma_start3A_73 : memref<10000x128xf32, #tpu.memory_space<hbm>>) target(%dma_start3A_68 : memref<16x128xf32, #tpu.memory_space<vmem>>) offsets(%dma_start3A_70 : memref<16xi32, #tpu.memory_space<vmem>>) semaphore(%arg15 : memref<!tpu.dma_semaphore, #tpu.memory_space<semaphore_mem>>)
    %dma_wait3A_74 = arith.constant 0 : i32
    %dma_wait3A_75 = arith.constant 0 : i32
    %dma_wait3A_76 = tpu.memref_slice %arg11[%dma_wait3A_74, %dma_wait3A_75] : memref<128x128xf32, #tpu.memory_space<vmem>> -> memref<16x128xf32, #tpu.memory_space<vmem>>
    %dma_wait3A_77 = arith.constant 9984 : i32
    %dma_wait3A_78 = tpu.memref_slice %arg8[%dma_wait3A_77] : memref<10000xi32, #tpu.memory_space<vmem>> -> memref<16xi32, #tpu.memory_space<vmem>>
    %dma_wait3A_79 = arith.constant 0 : i32
    %dma_wait3A_80 = arith.constant 0 : i32
    %dma_wait3A_81 = tpu.memref_slice %arg2[%dma_wait3A_79, %dma_wait3A_80] : memref<10000x128xf32, #tpu.memory_space<hbm>> -> memref<10000x128xf32, #tpu.memory_space<hbm>>
    tpu.wait_indirect_dma semaphore(%arg15 : memref<!tpu.dma_semaphore, #tpu.memory_space<semaphore_mem>>) src(%dma_wait3A_81 : memref<10000x128xf32, #tpu.memory_space<hbm>>) dst(%dma_wait3A_76 : memref<16x128xf32, #tpu.memory_space<vmem>>)
    %add3A_82 = arith.constant 9984 : i32
    %add3A_83 = arith.addi %mul3A_2, %add3A_82 : i32
    "tpu.region"() ({
      %run_scoped3A = tpu.sem_alloc : memref<!tpu.dma_semaphore, #tpu.memory_space<semaphore_mem>>
      %dma_start3A_86 = arith.constant 0 : i32
      %dma_start3A_87 = arith.constant 0 : i32
      %dma_start3A_88 = tpu.memref_slice %arg11[%dma_start3A_86, %dma_start3A_87] : memref<128x128xf32, #tpu.memory_space<vmem>> -> memref<16x128xf32, #tpu.memory_space<vmem>>
      %dma_start3A_89 = arith.constant 0 : i32
      %dma_start3A_90 = tpu.memref_slice %arg6[%add3A_83, %dma_start3A_89] : memref<320000x128xf32, #tpu.memory_space<hbm>> -> memref<16x128xf32, #tpu.memory_space<hbm>>
      %dma_start3A_91 = arith.constant 0 : i32
      %dma_start3A_92 = tpu.memref_slice %arg6[%add3A_83, %dma_start3A_91] : memref<320000x128xf32, #tpu.memory_space<hbm>> -> memref<16x128xf32, #tpu.memory_space<hbm>>
      %dma_start3A_93 = arith.constant 0 : i32
      %dma_start3A_94 = arith.constant 0 : i32
      %dma_start3A_95 = tpu.memref_slice %arg11[%dma_start3A_93, %dma_start3A_94] : memref<128x128xf32, #tpu.memory_space<vmem>> -> memref<16x128xf32, #tpu.memory_space<vmem>>
      tpu.enqueue_dma source(%dma_start3A_95 : memref<16x128xf32, #tpu.memory_space<vmem>>) target(%dma_start3A_92 : memref<16x128xf32, #tpu.memory_space<hbm>>) target_semaphore(%run_scoped3A : memref<!tpu.dma_semaphore, #tpu.memory_space<semaphore_mem>>)
      %dma_wait3A_96 = arith.constant 0 : i32
      %dma_wait3A_97 = arith.constant 0 : i32
      %dma_wait3A_98 = tpu.memref_slice %arg11[%dma_wait3A_96, %dma_wait3A_97] : memref<128x128xf32, #tpu.memory_space<vmem>> -> memref<16x128xf32, #tpu.memory_space<vmem>>
      %dma_wait3A_99 = arith.constant 0 : i32
      %dma_wait3A_100 = tpu.memref_slice %arg6[%add3A_83, %dma_wait3A_99] : memref<320000x128xf32, #tpu.memory_space<hbm>> -> memref<16x128xf32, #tpu.memory_space<hbm>>
      %dma_wait3A_101 = arith.constant 0 : i32
      %dma_wait3A_102 = tpu.memref_slice %arg6[%add3A_83, %dma_wait3A_101] : memref<320000x128xf32, #tpu.memory_space<hbm>> -> memref<16x128xf32, #tpu.memory_space<hbm>>
      %dma_wait3A_103 = arith.constant 0 : i32
      %dma_wait3A_104 = arith.constant 0 : i32
      %dma_wait3A_105 = tpu.memref_slice %arg11[%dma_wait3A_103, %dma_wait3A_104] : memref<128x128xf32, #tpu.memory_space<vmem>> -> memref<16x128xf32, #tpu.memory_space<vmem>>
      tpu.wait_dma2 semaphore(%run_scoped3A : memref<!tpu.dma_semaphore, #tpu.memory_space<semaphore_mem>>) src(%dma_wait3A_105 : memref<16x128xf32, #tpu.memory_space<vmem>>) dst(%dma_wait3A_102 : memref<16x128xf32, #tpu.memory_space<hbm>>)
      tpu.yield
    }) : () -> ()
    %dma_wait3A_84 = arith.constant 0 : i32
    %dma_wait3A_85 = tpu.memref_slice %arg3[%dma_wait3A_84] : memref<10000xf32, #tpu.memory_space<hbm>> -> memref<10000xf32, #tpu.memory_space<hbm>>
    tpu.wait_indirect_dma semaphore(%arg23 : memref<!tpu.dma_semaphore, #tpu.memory_space<semaphore_mem>>) src(%dma_wait3A_85 : memref<10000xf32, #tpu.memory_space<hbm>>) dst(%arg10 : memref<10000xf32, #tpu.memory_space<vmem>>)
    "tpu.region"() ({
      %run_scoped3A = tpu.sem_alloc : memref<!tpu.dma_semaphore, #tpu.memory_space<semaphore_mem>>
      %dma_start3A_86 = tpu.memref_slice %arg7[%mul3A_2] : memref<320000xf32, #tpu.memory_space<hbm>> -> memref<10000xf32, #tpu.memory_space<hbm>>
      %dma_start3A_87 = tpu.memref_slice %arg7[%mul3A_2] : memref<320000xf32, #tpu.memory_space<hbm>> -> memref<10000xf32, #tpu.memory_space<hbm>>
      tpu.enqueue_dma source(%arg10 : memref<10000xf32, #tpu.memory_space<vmem>>) target(%dma_start3A_87 : memref<10000xf32, #tpu.memory_space<hbm>>) target_semaphore(%run_scoped3A : memref<!tpu.dma_semaphore, #tpu.memory_space<semaphore_mem>>)
      %dma_wait3A_88 = tpu.memref_slice %arg7[%mul3A_2] : memref<320000xf32, #tpu.memory_space<hbm>> -> memref<10000xf32, #tpu.memory_space<hbm>>
      %dma_wait3A_89 = tpu.memref_slice %arg7[%mul3A_2] : memref<320000xf32, #tpu.memory_space<hbm>> -> memref<10000xf32, #tpu.memory_space<hbm>>
      tpu.wait_dma2 semaphore(%run_scoped3A : memref<!tpu.dma_semaphore, #tpu.memory_space<semaphore_mem>>) src(%arg10 : memref<10000xf32, #tpu.memory_space<vmem>>) dst(%dma_wait3A_89 : memref<10000xf32, #tpu.memory_space<hbm>>)
      tpu.yield
    }) : () -> ()
    return
  }
}

module attributes {stable_mosaic.version = 14 : i64} {
  func.func @_node_body(%arg0: i32, %arg1: memref<1000x128xf32, #tpu.memory_space<vmem>>, %arg2: memref<128x128xf32, #tpu.memory_space<vmem>>, %arg3: memref<1x128xf32, #tpu.memory_space<vmem>>, %arg4: memref<1000x128xf32, #tpu.memory_space<vmem>>, %arg5: memref<1x1x1000xf32, #tpu.memory_space<vmem>>) attributes {dimension_semantics = [#tpu.dimension_semantics<arbitrary>], iteration_bounds = array<i64: 10>, scalar_prefetch = 0 : i64, scratch_operands = 0 : i64, tpu.core_type = #tpu.core_type<tc>, window_params = [{transform_indices = @transform_0, window_bounds = array<i64: 1000, 128>}, {pipeline_mode = #tpu.pipeline_mode<synchronous>, transform_indices = @transform_1, window_bounds = array<i64: 128, 128>}, {pipeline_mode = #tpu.pipeline_mode<synchronous>, transform_indices = @transform_2, window_bounds = array<i64: 1, 128>}, {transform_indices = @transform_3, window_bounds = array<i64: 1000, 128>}, {transform_indices = @transform_4, window_bounds = array<i64: 1, 1, 1000>}]} {
    %get3A = arith.constant 0 : index
    %get3A_0 = arith.constant 0 : index
    %get3A_1 = vector.load %arg1[%get3A, %get3A_0] : memref<1000x128xf32, #tpu.memory_space<vmem>>, vector<1000x128xf32>
    %get3A_2 = arith.constant 0 : index
    %get3A_3 = arith.constant 0 : index
    %get3A_4 = vector.load %arg2[%get3A_2, %get3A_3] : memref<128x128xf32, #tpu.memory_space<vmem>>, vector<128x128xf32>
    %dot_general3A = arith.constant dense<0.000000e+00> : vector<1000x128xf32>
    %dot_general3A_5 = tpu.matmul %get3A_1, %get3A_4, %dot_general3A {dimension_numbers = #tpu.dot_dimension_numbers<[1], [0], [0], [1], [0, 0, 1, 1], [], []>, transpose_lhs_hint = false} : vector<1000x128xf32>, vector<128x128xf32>, vector<1000x128xf32> -> vector<1000x128xf32>
    %swap3A = arith.constant 0 : index
    %swap3A_6 = arith.constant 0 : index
    %swap3A_7 = vector.load %arg4[%swap3A, %swap3A_6] : memref<1000x128xf32, #tpu.memory_space<vmem>>, vector<1000x128xf32>
    tpu.vector_store %arg4[%swap3A, %swap3A_6], %dot_general3A_5 {strides = array<i32>} : memref<1000x128xf32, #tpu.memory_space<vmem>>, vector<1000x128xf32>,
    %get3A_8 = arith.constant 0 : index
    %get3A_9 = arith.constant 0 : index
    %get3A_10 = vector.load %arg3[%get3A_8, %get3A_9] : memref<1x128xf32, #tpu.memory_space<vmem>>, vector<1x128xf32>
    %mul3A = vector.broadcast %get3A_10 : vector<1x128xf32> to vector<1000x128xf32>
    %mul3A_11 = arith.mulf %get3A_1, %mul3A : vector<1000x128xf32>
    %reduce_sum3A = arith.constant dense<0.000000e+00> : vector<1000xf32>
    %reduce_sum3A_12 = vector.multi_reduction <add>, %mul3A_11, %reduce_sum3A [1] : vector<1000x128xf32> to vector<1000xf32>
    %swap3A_13 = arith.constant 0 : index
    %swap3A_14 = arith.constant 0 : index
    %swap3A_15 = arith.constant 0 : index
    %swap3A_16 = vector.load %arg5[%swap3A_13, %swap3A_14, %swap3A_15] : memref<1x1x1000xf32, #tpu.memory_space<vmem>>, vector<1x1x1000xf32>
    %swap3A_17 = vector.shape_cast %swap3A_16 : vector<1x1x1000xf32> to vector<1000xf32>
    %swap3A_18 = vector.shape_cast %reduce_sum3A_12 : vector<1000xf32> to vector<1x1x1000xf32>
    tpu.vector_store %arg5[%swap3A_13, %swap3A_14, %swap3A_15], %swap3A_18 {strides = array<i32>} : memref<1x1x1000xf32, #tpu.memory_space<vmem>>, vector<1x1x1000xf32>,
    return
  }
  func.func @transform_0(%arg0: i32) -> (i32, i32) {
    %c0_i32 = arith.constant 0 : i32
    %c0_i32_0 = arith.constant 0 : i32
    return %arg0, %c0_i32 : i32, i32
  }
  func.func @transform_1(%arg0: i32) -> (i32, i32) {
    %c0_i32 = arith.constant 0 : i32
    %c0_i32_0 = arith.constant 0 : i32
    %c0_i32_1 = arith.constant 0 : i32
    return %c0_i32, %c0_i32_0 : i32, i32
  }
  func.func @transform_2(%arg0: i32) -> (i32, i32) {
    %c0_i32 = arith.constant 0 : i32
    %c0_i32_0 = arith.constant 0 : i32
    %c0_i32_1 = arith.constant 0 : i32
    return %c0_i32, %c0_i32_0 : i32, i32
  }
  func.func @transform_3(%arg0: i32) -> (i32, i32) {
    %c0_i32 = arith.constant 0 : i32
    %c0_i32_0 = arith.constant 0 : i32
    return %arg0, %c0_i32 : i32, i32
  }
  func.func @transform_4(%arg0: i32) -> (i32, i32, i32) {
    %c0_i32 = arith.constant 0 : i32
    %c0_i32_0 = arith.constant 0 : i32
    %c0_i32_1 = arith.constant 0 : i32
    return %arg0, %c0_i32, %c0_i32_0 : i32, i32, i32
  }
}

module attributes {stable_mosaic.version = 14 : i64} {
  func.func @_edge_body(%arg0: i32, %arg1: memref<6400x128xf32, #tpu.memory_space<vmem>>, %arg2: memref<16x6400xf32, #tpu.memory_space<vmem>>, %arg3: memref<1x1x6400xf32, #tpu.memory_space<vmem>>, %arg4: memref<16x128xf32, #tpu.memory_space<vmem>>, %arg5: memref<1x128xf32, #tpu.memory_space<vmem>>, %arg6: memref<6400x128xf32, #tpu.memory_space<vmem>>, %arg7: memref<1x1x6400xf32, #tpu.memory_space<vmem>>) attributes {dimension_semantics = [#tpu.dimension_semantics<arbitrary>], iteration_bounds = array<i64: 50>, scalar_prefetch = 0 : i64, scratch_operands = 0 : i64, tpu.core_type = #tpu.core_type<tc>, window_params = [{transform_indices = @transform_0, window_bounds = array<i64: 6400, 128>}, {transform_indices = @transform_1, window_bounds = array<i64: 16, 6400>}, {transform_indices = @transform_2, window_bounds = array<i64: 1, 1, 6400>}, {pipeline_mode = #tpu.pipeline_mode<synchronous>, transform_indices = @transform_3, window_bounds = array<i64: 16, 128>}, {pipeline_mode = #tpu.pipeline_mode<synchronous>, transform_indices = @transform_4, window_bounds = array<i64: 1, 128>}, {transform_indices = @transform_5, window_bounds = array<i64: 6400, 128>}, {transform_indices = @transform_6, window_bounds = array<i64: 1, 1, 6400>}]} {
    %get3A = arith.constant 0 : index
    %get3A_0 = arith.constant 0 : index
    %get3A_1 = vector.load %arg2[%get3A, %get3A_0] : memref<16x6400xf32, #tpu.memory_space<vmem>>, vector<16x6400xf32>
    %get3A_2 = arith.constant 0 : index
    %get3A_3 = arith.constant 0 : index
    %get3A_4 = vector.load %arg4[%get3A_2, %get3A_3] : memref<16x128xf32, #tpu.memory_space<vmem>>, vector<16x128xf32>
    %dot_general3A = arith.constant dense<0.000000e+00> : vector<6400x128xf32>
    %dot_general3A_5 = tpu.matmul %get3A_1, %get3A_4, %dot_general3A {dimension_numbers = #tpu.dot_dimension_numbers<[0], [0], [1], [1], [0, 1, 1, 1], [], []>, transpose_lhs_hint = false} : vector<16x6400xf32>, vector<16x128xf32>, vector<6400x128xf32> -> vector<6400x128xf32>
    %get3A_6 = arith.constant 0 : index
    %get3A_7 = arith.constant 0 : index
    %get3A_8 = vector.load %arg1[%get3A_6, %get3A_7] : memref<6400x128xf32, #tpu.memory_space<vmem>>, vector<6400x128xf32>
    %add3A = arith.addf %get3A_8, %dot_general3A_5 : vector<6400x128xf32>
    %ge3A = arith.constant 0.000000e+00 : f32
    %ge3A_9 = vector.broadcast %ge3A : f32 to vector<6400x128xf32>
    %ge3A_10 = arith.cmpf oge, %add3A, %ge3A_9 : vector<6400x128xf32>
    %mul3A = arith.constant 0.00999999977 : f32
    %mul3A_11 = vector.broadcast %mul3A : f32 to vector<6400x128xf32>
    %mul3A_12 = arith.mulf %mul3A_11, %add3A : vector<6400x128xf32>
    %select_n3A = arith.select %ge3A_10, %add3A, %mul3A_12 : vector<6400x128xi1>, vector<6400x128xf32>
    %get3A_13 = arith.constant 0 : index
    %get3A_14 = arith.constant 0 : index
    %get3A_15 = vector.load %arg5[%get3A_13, %get3A_14] : memref<1x128xf32, #tpu.memory_space<vmem>>, vector<1x128xf32>
    %dot_general3A_16 = arith.constant dense<0.000000e+00> : vector<1x6400xf32>
    %dot_general3A_17 = tpu.matmul %get3A_15, %select_n3A, %dot_general3A_16 {dimension_numbers = #tpu.dot_dimension_numbers<[1], [1], [0], [0], [0, 0, 1, 0], [], []>, transpose_lhs_hint = false} : vector<1x128xf32>, vector<6400x128xf32>, vector<1x6400xf32> -> vector<1x6400xf32>
    %squeeze3A = vector.shape_cast %dot_general3A_17 : vector<1x6400xf32> to vector<6400xf32>
    %get3A_18 = arith.constant 0 : index
    %get3A_19 = arith.constant 0 : index
    %get3A_20 = arith.constant 0 : index
    %get3A_21 = vector.load %arg3[%get3A_18, %get3A_19, %get3A_20] : memref<1x1x6400xf32, #tpu.memory_space<vmem>>, vector<1x1x6400xf32>
    %get3A_22 = vector.shape_cast %get3A_21 : vector<1x1x6400xf32> to vector<6400xf32>
    %add3A_23 = arith.addf %squeeze3A, %get3A_22 : vector<6400xf32>
    %ge3A_24 = arith.constant 0.000000e+00 : f32
    %ge3A_25 = vector.broadcast %ge3A_24 : f32 to vector<6400xf32>
    %ge3A_26 = arith.cmpf oge, %add3A_23, %ge3A_25 : vector<6400xf32>
    %mul3A_27 = arith.constant 0.00999999977 : f32
    %mul3A_28 = vector.broadcast %mul3A_27 : f32 to vector<6400xf32>
    %mul3A_29 = arith.mulf %mul3A_28, %add3A_23 : vector<6400xf32>
    %select_n3A_30 = arith.select %ge3A_26, %add3A_23, %mul3A_29 : vector<6400xi1>, vector<6400xf32>
    %exp3A = math.exp %select_n3A_30 : vector<6400xf32>
    %swap3A = arith.constant 0 : index
    %swap3A_31 = arith.constant 0 : index
    %swap3A_32 = arith.constant 0 : index
    %swap3A_33 = vector.load %arg7[%swap3A, %swap3A_31, %swap3A_32] : memref<1x1x6400xf32, #tpu.memory_space<vmem>>, vector<1x1x6400xf32>
    %swap3A_34 = vector.shape_cast %swap3A_33 : vector<1x1x6400xf32> to vector<6400xf32>
    %swap3A_35 = vector.shape_cast %exp3A : vector<6400xf32> to vector<1x1x6400xf32>
    tpu.vector_store %arg7[%swap3A, %swap3A_31, %swap3A_32], %swap3A_35 {strides = array<i32>} : memref<1x1x6400xf32, #tpu.memory_space<vmem>>, vector<1x1x6400xf32>,
    %broadcast_in_dim3A = vector.shape_cast %exp3A : vector<6400xf32> to vector<6400x1xf32>
    %mul3A_36 = vector.broadcast %broadcast_in_dim3A : vector<6400x1xf32> to vector<6400x128xf32>
    %mul3A_37 = arith.mulf %select_n3A, %mul3A_36 : vector<6400x128xf32>
    %swap3A_38 = arith.constant 0 : index
    %swap3A_39 = arith.constant 0 : index
    %swap3A_40 = vector.load %arg6[%swap3A_38, %swap3A_39] : memref<6400x128xf32, #tpu.memory_space<vmem>>, vector<6400x128xf32>
    tpu.vector_store %arg6[%swap3A_38, %swap3A_39], %mul3A_37 {strides = array<i32>} : memref<6400x128xf32, #tpu.memory_space<vmem>>, vector<6400x128xf32>,
    return
  }
  func.func @transform_0(%arg0: i32) -> (i32, i32) {
    %c0_i32 = arith.constant 0 : i32
    %c0_i32_0 = arith.constant 0 : i32
    return %arg0, %c0_i32 : i32, i32
  }
  func.func @transform_1(%arg0: i32) -> (i32, i32) {
    %c0_i32 = arith.constant 0 : i32
    %c0_i32_0 = arith.constant 0 : i32
    return %c0_i32, %arg0 : i32, i32
  }
  func.func @transform_2(%arg0: i32) -> (i32, i32, i32) {
    %c0_i32 = arith.constant 0 : i32
    %c0_i32_0 = arith.constant 0 : i32
    %c0_i32_1 = arith.constant 0 : i32
    return %arg0, %c0_i32, %c0_i32_0 : i32, i32, i32
  }
  func.func @transform_3(%arg0: i32) -> (i32, i32) {
    %c0_i32 = arith.constant 0 : i32
    %c0_i32_0 = arith.constant 0 : i32
    %c0_i32_1 = arith.constant 0 : i32
    return %c0_i32, %c0_i32_0 : i32, i32
  }
  func.func @transform_4(%arg0: i32) -> (i32, i32) {
    %c0_i32 = arith.constant 0 : i32
    %c0_i32_0 = arith.constant 0 : i32
    %c0_i32_1 = arith.constant 0 : i32
    return %c0_i32, %c0_i32_0 : i32, i32
  }
  func.func @transform_5(%arg0: i32) -> (i32, i32) {
    %c0_i32 = arith.constant 0 : i32
    %c0_i32_0 = arith.constant 0 : i32
    return %arg0, %c0_i32 : i32, i32
  }
  func.func @transform_6(%arg0: i32) -> (i32, i32, i32) {
    %c0_i32 = arith.constant 0 : i32
    %c0_i32_0 = arith.constant 0 : i32
    %c0_i32_1 = arith.constant 0 : i32
    return %arg0, %c0_i32, %c0_i32_0 : i32, i32, i32
  }
}

module attributes {stable_mosaic.version = 14 : i64} {
  func.func @_final_body(%arg0: i32, %arg1: memref<2x1280x128xf32, #tpu.memory_space<vmem>>, %arg2: memref<2x1x1x1280xf32, #tpu.memory_space<vmem>>, %arg3: memref<128x128xf32, #tpu.memory_space<vmem>>, %arg4: memref<1x128xf32, #tpu.memory_space<vmem>>, %arg5: memref<1280x128xf32, #tpu.memory_space<vmem>>) attributes {dimension_semantics = [#tpu.dimension_semantics<arbitrary>], iteration_bounds = array<i64: 8>, scalar_prefetch = 0 : i64, scratch_operands = 0 : i64, tpu.core_type = #tpu.core_type<tc>, window_params = [{transform_indices = @transform_0, window_bounds = array<i64: 2, 1280, 128>}, {transform_indices = @transform_1, window_bounds = array<i64: 2, 1, 1, 1280>}, {pipeline_mode = #tpu.pipeline_mode<synchronous>, transform_indices = @transform_2, window_bounds = array<i64: 128, 128>}, {pipeline_mode = #tpu.pipeline_mode<synchronous>, transform_indices = @transform_3, window_bounds = array<i64: 1, 128>}, {transform_indices = @transform_4, window_bounds = array<i64: 1280, 128>}]} {
    %get3A = arith.constant 0 : index
    %get3A_0 = arith.constant 0 : index
    %get3A_1 = arith.constant 0 : index
    %get3A_2 = vector.load %arg1[%get3A, %get3A_0, %get3A_1] : memref<2x1280x128xf32, #tpu.memory_space<vmem>>, vector<1x1280x128xf32>
    %get3A_3 = vector.shape_cast %get3A_2 : vector<1x1280x128xf32> to vector<1280x128xf32>
    %get3A_4 = arith.constant 1 : index
    %get3A_5 = arith.constant 0 : index
    %get3A_6 = arith.constant 0 : index
    %get3A_7 = vector.load %arg1[%get3A_4, %get3A_5, %get3A_6] : memref<2x1280x128xf32, #tpu.memory_space<vmem>>, vector<1x1280x128xf32>
    %get3A_8 = vector.shape_cast %get3A_7 : vector<1x1280x128xf32> to vector<1280x128xf32>
    %add3A = arith.addf %get3A_3, %get3A_8 : vector<1280x128xf32>
    %get3A_9 = arith.constant 0 : index
    %get3A_10 = arith.constant 0 : index
    %get3A_11 = arith.constant 0 : index
    %get3A_12 = arith.constant 0 : index
    %get3A_13 = vector.load %arg2[%get3A_9, %get3A_10, %get3A_11, %get3A_12] : memref<2x1x1x1280xf32, #tpu.memory_space<vmem>>, vector<1x1x1x1280xf32>
    %get3A_14 = vector.shape_cast %get3A_13 : vector<1x1x1x1280xf32> to vector<1280xf32>
    %get3A_15 = arith.constant 1 : index
    %get3A_16 = arith.constant 0 : index
    %get3A_17 = arith.constant 0 : index
    %get3A_18 = arith.constant 0 : index
    %get3A_19 = vector.load %arg2[%get3A_15, %get3A_16, %get3A_17, %get3A_18] : memref<2x1x1x1280xf32, #tpu.memory_space<vmem>>, vector<1x1x1x1280xf32>
    %get3A_20 = vector.shape_cast %get3A_19 : vector<1x1x1x1280xf32> to vector<1280xf32>
    %add3A_21 = arith.addf %get3A_14, %get3A_20 : vector<1280xf32>
    %add3A_22 = arith.constant 1.000000e-16 : f32
    %add3A_23 = vector.broadcast %add3A_22 : f32 to vector<1280xf32>
    %add3A_24 = arith.addf %add3A_21, %add3A_23 : vector<1280xf32>
    %broadcast_in_dim3A = vector.shape_cast %add3A_24 : vector<1280xf32> to vector<1280x1xf32>
    %div3A = vector.broadcast %broadcast_in_dim3A : vector<1280x1xf32> to vector<1280x128xf32>
    %div3A_25 = arith.divf %add3A, %div3A : vector<1280x128xf32>
    %get3A_26 = arith.constant 0 : index
    %get3A_27 = arith.constant 0 : index
    %get3A_28 = vector.load %arg3[%get3A_26, %get3A_27] : memref<128x128xf32, #tpu.memory_space<vmem>>, vector<128x128xf32>
    %dot_general3A = arith.constant dense<0.000000e+00> : vector<1280x128xf32>
    %dot_general3A_29 = tpu.matmul %div3A_25, %get3A_28, %dot_general3A {dimension_numbers = #tpu.dot_dimension_numbers<[1], [0], [0], [1], [0, 0, 1, 1], [], []>, transpose_lhs_hint = false} : vector<1280x128xf32>, vector<128x128xf32>, vector<1280x128xf32> -> vector<1280x128xf32>
    %get3A_30 = arith.constant 0 : index
    %get3A_31 = arith.constant 0 : index
    %get3A_32 = vector.load %arg4[%get3A_30, %get3A_31] : memref<1x128xf32, #tpu.memory_space<vmem>>, vector<1x128xf32>
    %add3A_33 = vector.broadcast %get3A_32 : vector<1x128xf32> to vector<1280x128xf32>
    %add3A_34 = arith.addf %dot_general3A_29, %add3A_33 : vector<1280x128xf32>
    %swap3A = arith.constant 0 : index
    %swap3A_35 = arith.constant 0 : index
    %swap3A_36 = vector.load %arg5[%swap3A, %swap3A_35] : memref<1280x128xf32, #tpu.memory_space<vmem>>, vector<1280x128xf32>
    tpu.vector_store %arg5[%swap3A, %swap3A_35], %add3A_34 {strides = array<i32>} : memref<1280x128xf32, #tpu.memory_space<vmem>>, vector<1280x128xf32>,
    return
  }
  func.func @transform_0(%arg0: i32) -> (i32, i32, i32) {
    %c0_i32 = arith.constant 0 : i32
    %c0_i32_0 = arith.constant 0 : i32
    %c0_i32_1 = arith.constant 0 : i32
    return %c0_i32, %arg0, %c0_i32_0 : i32, i32, i32
  }
  func.func @transform_1(%arg0: i32) -> (i32, i32, i32, i32) {
    %c0_i32 = arith.constant 0 : i32
    %c0_i32_0 = arith.constant 0 : i32
    %c0_i32_1 = arith.constant 0 : i32
    %c0_i32_2 = arith.constant 0 : i32
    return %c0_i32, %arg0, %c0_i32_0, %c0_i32_1 : i32, i32, i32, i32
  }
  func.func @transform_2(%arg0: i32) -> (i32, i32) {
    %c0_i32 = arith.constant 0 : i32
    %c0_i32_0 = arith.constant 0 : i32
    %c0_i32_1 = arith.constant 0 : i32
    return %c0_i32, %c0_i32_0 : i32, i32
  }
  func.func @transform_3(%arg0: i32) -> (i32, i32) {
    %c0_i32 = arith.constant 0 : i32
    %c0_i32_0 = arith.constant 0 : i32
    %c0_i32_1 = arith.constant 0 : i32
    return %c0_i32, %c0_i32_0 : i32, i32
  }
  func.func @transform_4(%arg0: i32) -> (i32, i32) {
    %c0_i32 = arith.constant 0 : i32
    %c0_i32_0 = arith.constant 0 : i32
    return %arg0, %c0_i32 : i32, i32
  }
}

</mosaic_0001>

<sc_bundles>
// kernel: kernel.10.cloned.1.call-start
scs
__scs_entry_jumppad:
0x0: {  	(pc) =	sbr.rel $0x88, $3  }
0x1: {  	(tag) =	ssettag $0x0;
	lr =	simm.s32 $0x1  }
0x2: {  	[smem:$0x3F99] =	sst lr;
	_ =	strace $0xD0000000  }
0x3: {  	_ = 	snop  }
0x4: {  	_ = 	snop  }
0x5: {  	_ = 	snop  }
0x6: {  	_ = 	snop  }
0x7: {  	_ = 	snop  }
__scs_overlays_trampoline_lowered:
0x8: {  	[smem:$0x3FA8] =	sst s0  }
0x9: {  	[smem:$0x3FA9] =	sst s1  }
0xa: {  	[smem:$0x3FAA] =	sst s2  }
0xb: {  	[smem:$0x3FAB] =	sst s3  }
0xc: {  	[smem:$0x3FAC] =	sst s4  }
0xd: {  	[smem:$0x3FAD] =	sst s5  }
0xe: {  	[smem:$0x3FAE] =	sst s6  }
0xf: {  	[smem:$0x3FAF] =	sst s7  }
0x10: {  	[smem:$0x3FB0] =	sst s8  }
0x11: {  	[smem:$0x3FB1] =	sst s9;
	s0 =	simm.s32 @!p0 $0x0  }
0x12: {  	s1 =	sld [smem:$0x3F97];
	s0 =	simm.s32 @p0 $0x1  }
0x13: {  	[smem:$0x3FB2] =	sst s0;
	s0 =	simm.s32 @!p1 $0x0  }
0x14: {  	s2 =	sld [smem:$0x3F96];
	s0 =	simm.s32 @p1 $0x1  }
0x15: {  	[smem:$0x3FB3] =	sst s0;
	s0 =	simm.s32 @!p2 $0x0  }
0x16: {  	s3 =	sld [smem:$0x3FDB];
	s0 =	simm.s32 @p2 $0x1  }
0x17: {  	s4 =	simm.s32 $0x1BF5;
	[smem:$0x3FB5] =	sst s0  }
0x18: {  	s0 =	sld [smem:$0x3F98];
	_ =	swait.ge [sflag:s4], $0x0  }
0x19: {  	s7 =	sld [smem:$0x3F99]  }
0x1a: {  	s8 =	sadd.s32 $0xFFFFE003, lr  }
0x1b: {  	s9 =	sadd.s32 $0xFFFFFEF7, lr;
	s5 =	simm.s32 $0xFFFFFFFF;
	p2 =	slt.u32 s8, $0xFFFFF086  }
0x1c: {  	p1 =	slt.u32 s9, $0xF7A;
	s5 =	simm.s32 @!p2 $0x0  }
0x1d: {  	s5 =	simm.s32 @p1 $0x1;
	p0 =	seq.s32 s7, s2  }
0x1e: {  	s7 =	smul.u32 @!p0 $0xF7A, s2;
	p2 =	seq.s32 @!p0 s5, $0x0  }
0x1f: {  	s9 =	smul.u32 $0xF7A, s1;
	s8 =	simm.s32 @!p0 $0x1BF5;
	p2 =	por !p2, p0  }
0x20: {  	[sflag:s8] =	ssyncset.s32 @!p0 $0xFFFFF086;
	s6 =	sadd.s32 @!p0 s3, s7;
	s7 =	simm.s32 @!p0 $0x108  }
0x21: {  	s3 =	sadd.s32 s3, s9;
	s6 =	sadd.s32 @!p0 $0x88, s6;
	s7 =	simm.s32 @p2 $0x1082  }
0x22: {  	[simem:s7], [sflag:s8] =	dma.local @!p0 [hbm:s6], $0xF7A  }
0x23: {  	s9 =	sor.u32 $0xD0000000, s2;
	s6 =	simm.s32 $0x108;
	_ =	swait.ge @!p0 [sflag:s8], $0x0  }
0x24: {  	s3 =	sadd.s32 $0x88, s3;
	s6 =	simm.s32 @!p1 $0x1082;
	[sflag:s4] =	ssyncset.s32 $0xFFFFF086  }
0x25: {  	[simem:s6], [sflag:s4] =	dma.local [hbm:s3], $0xF7A  }
0x26: {  	[smem:$0x3F99] =	sst s1;
	(tag) =	ssettag s2;
	_ =	strace s9  }
0x27: {  	s1 =	sld [smem:$0x3FA9]  }
0x28: {  	s2 =	sld [smem:$0x3FAA]  }
0x29: {  	s4 =	sld [smem:$0x3FAC]  }
0x2a: {  	p0 =	seq.s32 s5, $0x0;
	s5 =	sld [smem:$0x3FAD]  }
0x2b: {  	s6 =	sld [smem:$0x3FAE]  }
0x2c: {  	s7 =	sld [smem:$0x3FAF]  }
0x2d: {  	s3 =	simm.s32 $0x108;
	s8 =	sld [smem:$0x3FB0]  }
0x2e: {  	s3 =	simm.s32 @!p0 $0x1082;
	s9 =	sld [smem:$0x3FB1]  }
0x2f: {  	lr =	sadd.s32 s0, s3;
	s0 =	sld [smem:$0x3FA8]  }
0x30: {  	s3 =	sld [smem:$0x3FAB]  }
0x31: {  	[smem:$0x3FB4] =	sst s10  }
0x32: {  	s10 =	sld [smem:$0x3FB2];
	_ =	sdelay $0x3  }
0x33: {  	p0 =	seq.s32 s10, $0x1;
	s10 =	sld [smem:$0x3FB4];
	_ =	sdelay $0x3  }
0x34: {  	[smem:$0x3FB4] =	sst s10  }
0x35: {  	s10 =	sld [smem:$0x3FB3];
	_ =	sdelay $0x3  }
0x36: {  	p1 =	seq.s32 s10, $0x1;
	s10 =	sld [smem:$0x3FB4];
	_ =	sdelay $0x3  }
0x37: {  	[smem:$0x3FB4] =	sst s10  }
0x38: {  	s10 =	sld [smem:$0x3FB5]  }
0x39: {  	_ = 	snop;
	(pc) =	sbr.ind lr, $3  }
0x3a: {  	_ = 	snop  }
0x3b: {  	_ = 	snop  }
0x3c: {  	p2 =	seq.s32 s10, $0x1;
	s10 =	sld [smem:$0x3FB4]  }
0x3d: {  	_ =	shalt  }
0x3e: {  	_ =	shalt  }
0x3f: {  	_ =	shalt  }
0x40: {  	_ =	shalt  }
0x41: {  	_ =	shalt  }
0x42: {  	_ =	shalt  }
0x43: {  	_ =	shalt  }
0x44: {  	_ =	shalt  }
0x45: {  	_ =	shalt  }
0x46: {  	_ =	shalt  }
0x47: {  	_ =	shalt  }
0x48: {  	_ =	shalt  }
0x49: {  	_ =	shalt  }
0x4a: {  	_ =	shalt  }
0x4b: {  	_ =	shalt  }
0x4c: {  	_ =	shalt  }
0x4d: {  	_ =	shalt  }
0x4e: {  	_ =	shalt  }
0x4f: {  	_ =	shalt  }
0x50: {  	_ =	shalt  }
0x51: {  	_ =	shalt  }
0x52: {  	_ =	shalt  }
0x53: {  	_ =	shalt  }
0x54: {  	_ =	shalt  }
0x55: {  	_ =	shalt  }
0x56: {  	_ =	shalt  }
0x57: {  	_ =	shalt  }
0x58: {  	_ =	shalt  }
0x59: {  	_ =	shalt  }
0x5a: {  	_ =	shalt  }
0x5b: {  	_ =	shalt  }
0x5c: {  	_ =	shalt  }
0x5d: {  	_ =	shalt  }
0x5e: {  	_ =	shalt  }
0x5f: {  	_ =	shalt  }
0x60: {  	_ =	shalt  }
0x61: {  	_ =	shalt  }
0x62: {  	_ =	shalt  }
0x63: {  	_ =	shalt  }
0x64: {  	_ =	shalt  }
0x65: {  	_ =	shalt  }
0x66: {  	_ =	shalt  }
0x67: {  	_ =	shalt  }
0x68: {  	_ =	shalt  }
0x69: {  	_ =	shalt  }
0x6a: {  	_ =	shalt  }
0x6b: {  	_ =	shalt  }
0x6c: {  	_ =	shalt  }
0x6d: {  	_ =	shalt  }
0x6e: {  	_ =	shalt  }
0x6f: {  	_ =	shalt  }
0x70: {  	_ =	shalt  }
0x71: {  	_ =	shalt  }
0x72: {  	_ =	shalt  }
0x73: {  	_ =	shalt  }
0x74: {  	_ =	shalt  }
0x75: {  	_ =	shalt  }
0x76: {  	_ =	shalt  }
0x77: {  	_ =	shalt  }
0x78: {  	_ =	shalt  }
0x79: {  	_ =	shalt  }
0x7a: {  	_ =	shalt  }
0x7b: {  	_ =	shalt  }
0x7c: {  	_ =	shalt  }
0x7d: {  	_ =	shalt  }
0x7e: {  	_ =	shalt  }
0x7f: {  	_ =	shalt  }
0x80: {  	_ =	shalt  }
0x81: {  	_ =	shalt  }
0x82: {  	_ =	shalt  }
0x83: {  	_ =	shalt  }
0x84: {  	_ =	shalt  }
0x85: {  	_ =	shalt  }
0x86: {  	_ =	shalt  }
0x87: {  	_ =	shalt  }
.Lfunc_end0:
.L_simem_size_0:
called_computation.1_lowered:
.L_overlay_start_0:
0x88: {  	s2 =	sld [smem:$0x3FD9]  }
0x89: {  	s3 =	sld [smem:$0x3FFE];
	_ =	sdelay $0x1  }
0x8a: {  	s1 =	srdreg.scid  }
0x8b: {  	s0 =	sand.u32 $0x1, s1  }
0x8c: {  	s17 =	sshll.u32 s0, $0xA;
	s2 =	sadd.s32 s3, s2  }
0x8d: {  	s2 =	sadd.s32 s2, s17  }
0x8e: {  	[smem:$0x3FC0] =	sst s2  }
0x8f: {  	_ = 	snop  }
0x90: {  	s2 =	sld [smem:$0x3FD0];
	(tm) =	ssettm $0x1  }
0x91: {  	s18 =	sld [smem:$0x3FFB];
	_ =	sdelay $0x3  }
0x92: {  	_ =	strace s18  }
0x93: {  	s3 =	sld [smem:$0x3FFC];
	_ =	sdelay $0x3  }
0x94: {  	_ =	strace s3  }
0x95: {  	s3 =	sld [smem:$0x3FFD];
	_ =	sdelay $0x3  }
0x96: {  	_ =	strace s3  }
0x97: {  	_ =	strace $0x8FFFFFFF  }
0x98: {  	s19 =	sld [smem:$0x3FDB];
	_ =	sdelay $0x1  }
0x99: {  	s4 =	simm.s32 $_scs_section_size  }
0x9a: {  	s5 =	simm.s32 $_size__tile_overlayer_lowered;
	s6 =	simm.s32 $_tile_overlayer_lowered  }
0x9b: {  	s22 =	simm.s32 $0x1BFF;
	s21 =	sshll.u32 s6, $0x1;
	s3 =	sadd.s32 s4, s19  }
0x9c: {  	s7 =	simm.s32 $0x0;
	s20 =	sshll.u32 s5, $0x1;
	s5 =	sadd.s32 s21, s3  }
0x9d: {  	[timem:s7], [sflag:s22] =	dma.local [hbm:s5], s20  }
0x9e: {  	_ =	swait.ge [sflag:s22], s20  }
0x9f: {  	s4 =	ssub.s32 $0x0, s20;
	[sflag:s22] =	ssyncset.done $0x0  }
0xa0: {  	[sflag:s22] =	ssyncadd.s32 s4;
	_ =	sdelay $0x1  }
0xa1: {  	s23 =	simm.s32 $0x1B8B  }
0xa2: {  	_ =	swait.ge [sflag:s23], $0x1  }
0xa3: {  	[sflag:s23] =	ssyncset.done $0x0  }
0xa4: {  	s25 =	simm.s32 $0x1B8E;
	s24 =	sld [smem:$0x3FFE];
	[sflag:s23] =	ssyncadd.s32 $0xFFFFFFFF  }
0xa5: {  	s26 =	simm.s32 $execute0_lowered;
	[smem:$0x3FD2] =	sst s25  }
0xa6: {  	s5 =	sshll.u32 s26, $0x1;
	_ =	strace $0x80000049;
	[dreg:$0x1] =	wrdreg $0xFFFFFFFF  }
0xa7: {  	s28 =	simm.s32 $_size_execute0_lowered;
	s3 =	sadd.s32 s3, s5;
	[dreg:$0x0] =	wrdreg $0x0  }
0xa8: {  	s5 =	sshll.u32 s28, $0x1;
	[dreg:$0x2] =	wrdreg s3  }
0xa9: {  	[dreg:$0x3] =	wrdreg s5  }
0xaa: {  	[dreg:$0x4] =	wrdreg $0xC0  }
0xab: {  	_ =	task [dreg:s7], $0x5FFFF  }
0xac: {  	[dreg:$0x1] =	wrdreg $0xFFFFFFFF  }
0xad: {  	[dreg:$0x0] =	wrdreg $0x60  }
0xae: {  	[dreg:$0x2] =	wrdreg s24  }
0xaf: {  	[dreg:$0x3] =	wrdreg s2  }
0xb0: {  	[dreg:$0x4] =	wrdreg $0x25800  }
0xb1: {  	[dreg:$0x5] =	wrdreg $0x165800  }
0xb2: {  	[dreg:$0x6] =	wrdreg $0x9  }
0xb3: {  	_ =	task.clear_ibuf [dreg:s7], $0x7FFFF;
	_ =	strace $0x90000049  }
0xb4: {  	s29 =	simm.s32 $0x9;
	_ =	strace $0x8000004B  }
0xb5: {  	_ =	swait.ge [sflag:s29], $0x1  }
0xb6: {  	[sflag:s29] =	ssyncadd.s32 $0xFFFFFFFF  }
0xb7: {  	_ =	strace $0x9000004B  }
0xb8: {  	_ =	sfence  }
0xb9: {  	s30 =	sld [smem:$0x0];
	_ =	sdelay $0x2  }
0xba: {  	s31 =	sshll.u32 s1, $0xD;
	s1 =	sshrl.u32 s1, $0x2  }
0xbb: {  	s3 =	sand.u32 $0x4000, s31;
	s1 =	sadd.s32 s1, s30  }
0xbc: {  	s0 =	sor.u32 s3, s0;
	s1 =	sshll.u32 s1, $0x11  }
0xbd: {  	s0 =	sor.u32 s1, s0  }
0xbe: {  	s0 =	sadd.s32 $0x8F2B, s0  }
0xbf: {  	[sflag:s0] =	ssyncadd.remote.s32 $0x1  }
0xc0: {  	_ =	sfence.sel $0xFFFF  }
0xc1: {  	[dreg:$0x0] =	wrdreg $0xFFFFFFFF;
	(pc) =	sbr.abs _section_cstart, $3  }
0xc2: {  	[dreg:$0x1] =	wrdreg $0xFFFFFFFF  }
0xc3: {  	_ =	task.clear_ibuf [dreg:s7], $0x2FFFF;
	_ =	strace $0x9FFFFFFF  }
0xc4: {  	(tm) =	ssettm $0x7FFFFFFF  }
0xc5: {  	_ =	shalt  }
tec
execute0_lowered:
.L_overlay_start_1:
0x0: {  	(tag) =	ssettag $0x1  }
0x1: {  	s0 =	rddreg [dreg:$0x0]  }
0x2: {  	s4 =	rddreg [dreg:$0x1]  }
0x3: {  	s1 =	rddreg [dreg:$0x2]  }
0x4: {  	s2 =	rddreg [dreg:$0x3];
	s5 =	srdreg.scid  }
0x5: {  	s3 =	simm.s32 $0x0;
	s6 =	sand.u32 $0x1, s5;
	s5 =	stileid.u32  }
0x6: {  	[smem:$0x7FF] =	sst s3;
	s14 =	smul.u32 $0x14000, s5  }
0x7: {  	s13 =	sadd.s32 $0x14A00, s0;
	_ =	strace $0x8000004A;
	s15 =	smul.u32 $0x140000, s6  }
0x8: {  	s7 =	ssub.s32 $0x2, s6;
	s8 =	sshll.u32 s5, $0x1;
	s11 =	smul.u32 $0x4E20, s5  }
0x9: {  	s12 =	smul.u32 $0x2710, s6;
	s9 =	sshrl.u32 s7, $0x1;
	s8 =	sor.u32 s6, s8  }
0xa: {  	s7 =	ssub.s32 s7, s9;
	s16 =	smul.u32 $0x2710, s8;
	s8 =	sor.u32 $0x2000, s14  }
0xb: {  	s21 =	sadd.s32 s15, s14;
	s18 =	sadd.s32 s12, s11;
	s12 =	sadd.s32 $0xA000, s14  }
0xc: {  	s10 =	sadd.s32 s15, s8;
	s9 =	sshrl.u32 s21, $0x3;
	s7 =	smax.u32 s7, $0x1  }
0xd: {  	s25 =	sadd.s32 $0x80, s18;
	s8 =	sadd.s32 s8, s1;
	[dreg:$0x1d] =	wrdreg s7  }
0xe: {  	s10 =	sshrl.u32 s10, $0x3;
	s9 =	sadd.s32 s13, s9;
	[dreg:$0x1e] =	wrdreg s8  }
0xf: {  	s26 =	sadd.s32 s15, s12;
	[dreg:$0xd] =	wrdreg s9;
	s22 =	sadd.s32 s13, s10  }
0x10: {  	s9 =	sadd.s32 $0x4000, s14;
	s10 =	sadd.s32 $0x6000, s14;
	[dreg:$0xe] =	wrdreg s22  }
0x11: {  	s17 =	sadd.s32 s15, s9;
	s24 =	sadd.s32 s15, s10;
	s9 =	sadd.s32 s9, s1  }
0x12: {  	s23 =	sshrl.u32 s17, $0x3;
	s19 =	sshrl.u32 s24, $0x3;
	s17 =	sshrl.u32 s25, $0x3  }
0x13: {  	[dreg:$0x1f] =	wrdreg s9;
	s11 =	sadd.s32 s13, s23;
	s20 =	sadd.s32 s17, s4  }
0x14: {  	s19 =	sadd.s32 s13, s19;
	[dreg:$0xf] =	wrdreg s11;
	s11 =	sadd.s32 $0x8000, s14  }
0x15: {  	[dreg:$0x5] =	wrdreg s20;
	s20 =	sshrl.u32 s26, $0x3;
	s21 =	sadd.s32 s15, s11  }
0x16: {  	[dreg:$0x10] =	wrdreg s19;
	s23 =	sadd.s32 s13, s20;
	s22 =	sshrl.u32 s21, $0x3  }
0x17: {  	[dreg:$0x12] =	wrdreg s23;
	s21 =	sadd.s32 $0xE000, s14;
	s19 =	sadd.s32 s13, s22  }
0x18: {  	s23 =	sadd.s32 s15, s21;
	[dreg:$0x11] =	wrdreg s19;
	s19 =	sadd.s32 $0xC000, s14  }
0x19: {  	s22 =	sadd.s32 $0x10000, s14;
	s25 =	sshrl.u32 s23, $0x3;
	s24 =	sadd.s32 s15, s19  }
0x1a: {  	s14 =	sadd.s32 $0x12000, s14;
	s20 =	sshrl.u32 s24, $0x3;
	s24 =	sadd.s32 s15, s22  }
0x1b: {  	s15 =	sadd.s32 s15, s14;
	s20 =	sadd.s32 s13, s20;
	s26 =	sshrl.u32 s24, $0x3  }
0x1c: {  	s24 =	sadd.s32 $0x40, s18;
	s15 =	sshrl.u32 s15, $0x3;
	[dreg:$0x13] =	wrdreg s20  }
0x1d: {  	s20 =	sadd.s32 s13, s25;
	s23 =	sadd.s32 s13, s26;
	s13 =	sadd.s32 s13, s15  }
0x1e: {  	s15 =	sadd.s32 $0x500E00, s0;
	s26 =	sadd.s32 $0xC0, s18;
	[dreg:$0x14] =	wrdreg s20  }
0x1f: {  	[dreg:$0x15] =	wrdreg s23;
	s20 =	sadd.s32 $0xAC00, s0;
	s23 =	sshrl.u32 s24, $0x3  }
0x20: {  	[dreg:$0x16] =	wrdreg s13;
	s13 =	sadd.s32 $0x2700, s16;
	s17 =	sadd.s32 s17, s20  }
0x21: {  	s26 =	sshrl.u32 s26, $0x3;
	s25 =	sadd.s32 s23, s4;
	[dreg:$0x6] =	wrdreg s17  }
0x22: {  	s16 =	sshll.u32 s13, $0x4;
	s24 =	sadd.s32 s26, s20;
	[dreg:$0x7] =	wrdreg s25  }
0x23: {  	s16 =	sadd.s32 s15, s16;
	[dreg:$0xa] =	wrdreg s24  }
0x24: {  	s17 =	smul.u32 $0x4E200, s5;
	s25 =	sadd.s32 s23, s20;
	[dreg:$0x17] =	wrdreg s16  }
0x25: {  	[dreg:$0x8] =	wrdreg s25;
	s25 =	sshrl.u32 s18, $0x3;
	s16 =	sadd.s32 s12, s1  }
0x26: {  	s15 =	sadd.s32 s17, s15;
	s17 =	sadd.s32 s26, s4;
	[smem:$0x7E0] =	sst s16  }
0x27: {  	s13 =	sshrl.u32 s13, $0x3;
	s26 =	sadd.s32 s25, s4;
	[dreg:$0x9] =	wrdreg s17  }
0x28: {  	s4 =	sadd.s32 s4, s13;
	[dreg:$0xb] =	wrdreg s26  }
0x29: {  	p0 =	sne.s32 s5, $0x0;
	s13 =	sadd.s32 s20, s13;
	[dreg:$0x18] =	wrdreg s4  }
0x2a: {  	s24 =	smul.u32 $0x50000, s5;
	s23 =	sadd.s32 s25, s20;
	[dreg:$0x19] =	wrdreg s13  }
0x2b: {  	s18 =	smul.u32 $0x27100, s6;
	s20 =	sadd.s32 s22, s1;
	[dreg:$0xc] =	wrdreg s23  }
0x2c: {  	s6 =	sshll.u32 s6, $0x4;
	s26 =	sadd.s32 $0xE00, s0;
	[smem:$0x7E3] =	sst s20  }
0x2d: {  	s5 =	sadd.s32 s6, s0;
	s0 =	sadd.s32 $0x1200, s0;
	[dreg:$0x1a] =	wrdreg s26  }
0x2e: {  	s13 =	sadd.s32 s10, s1;
	[dreg:$0x1b] =	wrdreg s0  }
0x2f: {  	s4 =	sadd.s32 s18, s15;
	s15 =	sadd.s32 s11, s1;
	[smem:$0x7DE] =	sst s13  }
0x30: {  	s18 =	sadd.s32 s19, s1;
	[smem:$0x7DF] =	sst s15  }
0x31: {  	s19 =	sadd.s32 s21, s1;
	[smem:$0x7E1] =	sst s18  }
0x32: {  	s21 =	sadd.s32 s14, s1;
	[smem:$0x7E2] =	sst s19  }
0x33: {  	s22 =	sadd.s32 $0x1400, s5;
	[smem:$0x7E4] =	sst s21  }
0x34: {  	s23 =	sadd.s32 $0x1540, s5;
	[smem:$0x7E5] =	sst s22  }
0x35: {  	s25 =	sshrl.u32 s24, $0x2;
	s24 =	sadd.s32 $0x1680, s5;
	[smem:$0x7E6] =	sst s23  }
0x36: {  	s17 =	sadd.s32 s25, s1;
	s25 =	sadd.s32 $0x17C0, s5;
	[smem:$0x7E7] =	sst s24  }
0x37: {  	s6 =	sadd.s32 $0x1A40, s5;
	[smem:$0x7E8] =	sst s25  }
0x38: {  	s7 =	sadd.s32 $0x1B80, s5;
	[smem:$0x7EA] =	sst s6  }
0x39: {  	s8 =	sadd.s32 $0x1CC0, s5;
	[smem:$0x7EB] =	sst s7  }
0x3a: {  	s20 =	sadd.s32 $0x500, s2;
	[smem:$0x7EC] =	sst s8  }
0x3b: {  	[smem:$0x7F7] =	sst s20  }
0x3c: {  	s26 =	sadd.s32 $0x1900, s5;
	[dreg:$0x1c] =	wrdreg s17  }
0x3d: {  	s9 =	sadd.s32 $0x800, s4;
	[smem:$0x7E9] =	sst s26  }
0x3e: {  	s10 =	sadd.s32 $0x2000, s17;
	[smem:$0x7ED] =	sst s9  }
0x3f: {  	s11 =	sadd.s32 $0x4000, s17;
	[smem:$0x7EE] =	sst s10  }
0x40: {  	s12 =	sadd.s32 $0x6000, s17;
	[smem:$0x7EF] =	sst s11  }
0x41: {  	s13 =	sadd.s32 $0x8000, s17;
	[smem:$0x7F0] =	sst s12  }
0x42: {  	s28 =	simm.s32 $0x1EA80;
	s14 =	sadd.s32 $0xA000, s17;
	[smem:$0x7F1] =	sst s13  }
0x43: {  	s29 =	simm.s32 $0x1E900;
	s15 =	sadd.s32 $0xC000, s17;
	[smem:$0x7F2] =	sst s14  }
0x44: {  	s30 =	simm.s32 $0x1A800;
	s16 =	sadd.s32 $0xE000, s17;
	[smem:$0x7F3] =	sst s15  }
0x45: {  	s31 =	simm.s32 $0x0;
	s18 =	sadd.s32 $0x10000, s17;
	[smem:$0x7F4] =	sst s16  }
0x46: {  	s19 =	sadd.s32 $0x12000, s17;
	s21 =	sadd.s32 $0xA00, s2;
	[smem:$0x7F5] =	sst s18  }
0x47: {  	s22 =	sadd.s32 $0xF00, s2;
	s23 =	sadd.s32 $0x1400, s2;
	[smem:$0x7F6] =	sst s19  }
0x48: {  	s24 =	sadd.s32 $0x1900, s2;
	s25 =	sadd.s32 $0x1E00, s2;
	[smem:$0x7F8] =	sst s21  }
0x49: {  	s0 =	simm.s32 $0x1EB00;
	s4 =	simm.s32 $0x1E980;
	[smem:$0x7F9] =	sst s22  }
0x4a: {  	s5 =	simm.s32 $0x1C800;
	s6 =	simm.s32 $0x1EB80;
	[smem:$0x7FA] =	sst s23  }
0x4b: {  	s7 =	simm.s32 $0x5;
	s8 =	simm.s32 $0x1;
	[smem:$0x7FB] =	sst s24  }
0x4c: {  	[smem:$0x7FC] =	sst s25;
	s26 =	sadd.s32 $0x2300, s2;
	s18 =	simm.s32 $0x80  }
.Ltmp0:
0x4d: {  	s21 =	simm.s32 $0xD;
	s22 =	simm.s32 $0x1E800;
	(pc) =	sbr.rel .LBB2_1-.Ltmp0, $4  }
0x4e: {  	s23 =	simm.s32 $0x16800;
	s24 =	simm.s32 $0x1EA00;
	s25 =	simm.s32 $0x1E880  }
0x4f: {  	s9 =	simm.s32 $0x40;
	s10 =	simm.s32 $0x6;
	s11 =	simm.s32 $0x2  }
0x50: {  	s12 =	simm.s32 $0x7;
	s13 =	simm.s32 $0x3;
	s14 =	simm.s32 $0x8  }
0x51: {  	s15 =	simm.s32 $0x4;
	[smem:$0x7FD] =	sst s26;
	s26 =	simm.s32 $0x18800  }
.LBB2_5:
0x52: {  	s31 =	sadd.s32 $0x1, s31;
	s16 =	rddreg [dreg:$0x1d]  }
0x53: {  	p1 =	sne.s32 s31, s16  }
.Ltmp1:
0x54: {  	_ = 	snop;
	(pc) =	sbr.rel @!p1 .LBB2_6-.Ltmp1, $1  }
0x55: {  	_ =	sdelay $0x3  }
.LBB2_1:
0x56: {  	[smem:$0x7DD] =	sst s31  }
0x57: {  	s16 =	rddreg [dreg:$0x1a]  }
0x58: {  	[tilespmem:s18], [sflag:$0xD] =	stream.linear.gather [hbm4b:s16+s3], $0x2000, $0x38;
	[tilespmem:$0x1EC00] =	vst v63  }
0x59: {  	_ =	swait.ge [sflag:s21], $0x2000  }
0x5a: {  	[sflag:s21] =	ssyncset.done $0x0  }
0x5b: {  	[sflag:s21] =	ssyncadd.s32 $0xFFFFE000  }
0x5c: {  	[spmem:s17] =	stream.linear.scatter [tilespmem:s18], [sflag:$0xD], $0x2000, $0x38;
	[tilespmem:$0x1EC00] =	vst v63  }
0x5d: {  	_ =	swait.ge [sflag:s21], $0x2000  }
0x5e: {  	s17 =	sld [smem:$0x7EE]  }
0x5f: {  	[sflag:s21] =	ssyncset.done $0x0  }
0x60: {  	[sflag:s21] =	ssyncadd.s32 $0xFFFFE000  }
0x61: {  	[spmem:s17] =	stream.linear.scatter [tilespmem:s18], [sflag:$0xD], $0x2000, $0x38;
	[tilespmem:$0x1EC00] =	vst v63  }
0x62: {  	_ =	swait.ge [sflag:s21], $0x2000  }
0x63: {  	s19 =	sld [smem:$0x7EF]  }
0x64: {  	[sflag:s21] =	ssyncset.done $0x0  }
0x65: {  	[sflag:s21] =	ssyncadd.s32 $0xFFFFE000  }
0x66: {  	[spmem:s19] =	stream.linear.scatter [tilespmem:s18], [sflag:$0xD], $0x2000, $0x38;
	[tilespmem:$0x1EC00] =	vst v63  }
0x67: {  	_ =	swait.ge [sflag:s21], $0x2000  }
0x68: {  	s20 =	sld [smem:$0x7F0]  }
0x69: {  	[sflag:s21] =	ssyncset.done $0x0  }
0x6a: {  	[sflag:s21] =	ssyncadd.s32 $0xFFFFE000  }
0x6b: {  	[spmem:s20] =	stream.linear.scatter [tilespmem:s18], [sflag:$0xD], $0x2000, $0x38;
	[tilespmem:$0x1EC00] =	vst v63  }
0x6c: {  	_ =	swait.ge [sflag:s21], $0x2000  }
0x6d: {  	s17 =	sld [smem:$0x7F1]  }
0x6e: {  	[sflag:s21] =	ssyncset.done $0x0  }
0x6f: {  	[sflag:s21] =	ssyncadd.s32 $0xFFFFE000  }
0x70: {  	[spmem:s17] =	stream.linear.scatter [tilespmem:s18], [sflag:$0xD], $0x2000, $0x38;
	[tilespmem:$0x1EC00] =	vst v63  }
0x71: {  	_ =	swait.ge [sflag:s21], $0x2000  }
0x72: {  	s19 =	sld [smem:$0x7F2]  }
0x73: {  	[sflag:s21] =	ssyncset.done $0x0  }
0x74: {  	[sflag:s21] =	ssyncadd.s32 $0xFFFFE000  }
0x75: {  	[spmem:s19] =	stream.linear.scatter [tilespmem:s18], [sflag:$0xD], $0x2000, $0x38;
	[tilespmem:$0x1EC00] =	vst v63  }
0x76: {  	_ =	swait.ge [sflag:s21], $0x2000  }
0x77: {  	s20 =	sld [smem:$0x7F3]  }
0x78: {  	[sflag:s21] =	ssyncset.done $0x0  }
0x79: {  	[sflag:s21] =	ssyncadd.s32 $0xFFFFE000  }
0x7a: {  	[spmem:s20] =	stream.linear.scatter [tilespmem:s18], [sflag:$0xD], $0x2000, $0x38;
	[tilespmem:$0x1EC00] =	vst v63  }
0x7b: {  	_ =	swait.ge [sflag:s21], $0x2000  }
0x7c: {  	s17 =	sld [smem:$0x7F4]  }
0x7d: {  	[sflag:s21] =	ssyncset.done $0x0  }
0x7e: {  	[sflag:s21] =	ssyncadd.s32 $0xFFFFE000  }
0x7f: {  	[spmem:s17] =	stream.linear.scatter [tilespmem:s18], [sflag:$0xD], $0x2000, $0x38;
	[tilespmem:$0x1EC00] =	vst v63  }
0x80: {  	_ =	swait.ge [sflag:s21], $0x2000  }
0x81: {  	s19 =	sld [smem:$0x7F5]  }
0x82: {  	[sflag:s21] =	ssyncset.done $0x0  }
0x83: {  	[sflag:s21] =	ssyncadd.s32 $0xFFFFE000  }
0x84: {  	[spmem:s19] =	stream.linear.scatter [tilespmem:s18], [sflag:$0xD], $0x2000, $0x38;
	[tilespmem:$0x1EC00] =	vst v63  }
0x85: {  	_ =	swait.ge [sflag:s21], $0x2000  }
0x86: {  	s20 =	sld [smem:$0x7F6]  }
0x87: {  	[sflag:s21] =	ssyncset.done $0x0  }
0x88: {  	[sflag:s21] =	ssyncadd.s32 $0xFFFFE000  }
0x89: {  	[spmem:s20] =	stream.linear.scatter [tilespmem:s18], [sflag:$0xD], $0x2000, $0x38;
	[tilespmem:$0x1EC00] =	vst v63  }
0x8a: {  	_ =	swait.ge [sflag:s21], $0x2000  }
0x8b: {  	s16 =	simm.s32 @!p0 $0x0;
	[sflag:s21] =	ssyncset.done $0x0  }
0x8c: {  	s18 =	simm.s32 @!p0 $0x2080;
	s17 =	rddreg [dreg:$0x1b];
	[sflag:s21] =	ssyncadd.s32 $0xFFFFE000  }
0x8d: {  	[tilespmem:s18], [sflag:$0xD] =	stream.linear.gather @!p0 [hbm4b:s17+s16], $0x500, $0x38;
	[tilespmem:$0x1EC00] =	vst v63  }
0x8e: {  	s16 =	simm.s32 @!p0 $0xD  }
0x8f: {  	_ =	swait.ge @!p0 [sflag:s16], $0x500  }
0x90: {  	[sflag:s16] =	ssyncset.done @!p0 $0x0  }
0x91: {  	[sflag:s16] =	ssyncadd.s32 @!p0 $0xFFFFFB00  }
0x92: {  	[spmem:s2] =	stream.linear.scatter @!p0 [tilespmem:s18], [sflag:$0xD], $0x500, $0x38;
	[tilespmem:$0x1EC00] =	vst v63  }
0x93: {  	_ =	swait.ge @!p0 [sflag:s16], $0x500  }
0x94: {  	s17 =	sld [smem:$0x7F7]  }
0x95: {  	[sflag:s16] =	ssyncset.done @!p0 $0x0  }
0x96: {  	[sflag:s16] =	ssyncadd.s32 @!p0 $0xFFFFFB00  }
0x97: {  	[spmem:s17] =	stream.linear.scatter @!p0 [tilespmem:s18], [sflag:$0xD], $0x500, $0x38;
	[tilespmem:$0x1EC00] =	vst v63  }
0x98: {  	_ =	swait.ge @!p0 [sflag:s16], $0x500  }
0x99: {  	s17 =	sld [smem:$0x7F8]  }
0x9a: {  	[sflag:s16] =	ssyncset.done @!p0 $0x0  }
0x9b: {  	[sflag:s16] =	ssyncadd.s32 @!p0 $0xFFFFFB00  }
0x9c: {  	[spmem:s17] =	stream.linear.scatter @!p0 [tilespmem:s18], [sflag:$0xD], $0x500, $0x38;
	[tilespmem:$0x1EC00] =	vst v63  }
0x9d: {  	_ =	swait.ge @!p0 [sflag:s16], $0x500  }
0x9e: {  	s17 =	sld [smem:$0x7F9]  }
0x9f: {  	[sflag:s16] =	ssyncset.done @!p0 $0x0  }
0xa0: {  	[sflag:s16] =	ssyncadd.s32 @!p0 $0xFFFFFB00  }
0xa1: {  	[spmem:s17] =	stream.linear.scatter @!p0 [tilespmem:s18], [sflag:$0xD], $0x500, $0x38;
	[tilespmem:$0x1EC00] =	vst v63  }
0xa2: {  	_ =	swait.ge @!p0 [sflag:s16], $0x500  }
0xa3: {  	s17 =	sld [smem:$0x7FA]  }
0xa4: {  	[sflag:s16] =	ssyncset.done @!p0 $0x0  }
0xa5: {  	[sflag:s16] =	ssyncadd.s32 @!p0 $0xFFFFFB00  }
0xa6: {  	[spmem:s17] =	stream.linear.scatter @!p0 [tilespmem:s18], [sflag:$0xD], $0x500, $0x38;
	[tilespmem:$0x1EC00] =	vst v63  }
0xa7: {  	_ =	swait.ge @!p0 [sflag:s16], $0x500  }
0xa8: {  	s17 =	sld [smem:$0x7FB]  }
0xa9: {  	[sflag:s16] =	ssyncset.done @!p0 $0x0  }
0xaa: {  	[sflag:s16] =	ssyncadd.s32 @!p0 $0xFFFFFB00  }
0xab: {  	[spmem:s17] =	stream.linear.scatter @!p0 [tilespmem:s18], [sflag:$0xD], $0x500, $0x38;
	[tilespmem:$0x1EC00] =	vst v63  }
0xac: {  	_ =	swait.ge @!p0 [sflag:s16], $0x500  }
0xad: {  	s17 =	sld [smem:$0x7FC]  }
0xae: {  	[sflag:s16] =	ssyncset.done @!p0 $0x0  }
0xaf: {  	[sflag:s16] =	ssyncadd.s32 @!p0 $0xFFFFFB00  }
0xb0: {  	[spmem:s17] =	stream.linear.scatter @!p0 [tilespmem:s18], [sflag:$0xD], $0x500, $0x38;
	[tilespmem:$0x1EC00] =	vst v63  }
0xb1: {  	_ =	swait.ge @!p0 [sflag:s16], $0x500  }
0xb2: {  	s17 =	sld [smem:$0x7FD]  }
0xb3: {  	[sflag:s16] =	ssyncset.done @!p0 $0x0  }
0xb4: {  	[sflag:s16] =	ssyncadd.s32 @!p0 $0xFFFFFB00  }
0xb5: {  	[spmem:s17] =	stream.linear.scatter @!p0 [tilespmem:s18], [sflag:$0xD], $0x500, $0x38;
	[tilespmem:$0x1EC00] =	vst v63  }
0xb6: {  	_ =	swait.ge @!p0 [sflag:s16], $0x500  }
0xb7: {  	[sflag:s16] =	ssyncset.done @!p0 $0x0  }
0xb8: {  	p1 =	por $0x1, $0x1;
	[sflag:s16] =	ssyncadd.s32 @!p0 $0xFFFFFB00  }
0xb9: {  	s16 =	simm.s32 @!p1 $0x9;
	[bflag:$0x0] =	sbarrier.arrive $0xFFFF  }
0xba: {  	_ =	swait.ge @!p1 [sflag:s16], $0x2000  }
0xbb: {  	[sflag:s16] =	ssyncset.done @!p1 $0x0  }
0xbc: {  	[sflag:s16] =	ssyncadd.s32 @!p1 $0xFFFFE000  }
0xbd: {  	_ =	swait.ge @!p1 [sflag:s16], $0x40  }
0xbe: {  	s17 =	rddreg [dreg:$0xc]  }
0xbf: {  	[sflag:s16] =	ssyncset.done @!p1 $0x0;
	s31 =	sld [smem:$0x7ED]  }
0xc0: {  	[sflag:s16] =	ssyncadd.s32 @!p1 $0xFFFFFFC0;
	s18 =	sadd.s32 $0x0, s17  }
0xc1: {  	[tilespmem:s22], [sflag:$0x5] =	stream.linear.gather [hbm4b:s18+s3], $0x40, $0x38;
	[tilespmem:$0x1EC00] =	vst v63  }
0xc2: {  	s19 =	rddreg [dreg:$0xb];
	s20 =	sadd.s32 $0xFFFFF800, s31  }
0xc3: {  	[tilespmem:s23], [sflag:$0x1] =	stream.linear.gather [hbm4b:s20+s3], $0x2000, $0x38;
	[tilespmem:$0x1EC00] =	vst v63  }
0xc4: {  	s17 =	sadd.s32 $0x0, s19;
	s18 =	simm.s32 @!p1 $0xA  }
0xc5: {  	[tilespmem:s24], [sflag:$0x1] =	stream.linear.gather [hbm4b:s17+s3], $0x40, $0x38;
	[tilespmem:$0x1EC00] =	vst v63  }
0xc6: {  	_ =	swait.ge @!p1 [sflag:s18], $0x2000  }
0xc7: {  	[sflag:s18] =	ssyncset.done @!p1 $0x0  }
0xc8: {  	[sflag:s18] =	ssyncadd.s32 @!p1 $0xFFFFE000  }
0xc9: {  	_ =	swait.ge @!p1 [sflag:s18], $0x40  }
0xca: {  	s19 =	rddreg [dreg:$0x8];
	[sflag:s18] =	ssyncset.done @!p1 $0x0  }
0xcb: {  	[sflag:s18] =	ssyncadd.s32 @!p1 $0xFFFFFFC0;
	s16 =	sadd.s32 $0x0, s19  }
0xcc: {  	[tilespmem:s25], [sflag:$0x6] =	stream.linear.gather [hbm4b:s16+s3], $0x40, $0x38;
	[tilespmem:$0x1EC00] =	vst v63  }
0xcd: {  	s17 =	sadd.s32 $0xFFFFFC00, s31;
	s20 =	rddreg [dreg:$0x7]  }
0xce: {  	[tilespmem:s26], [sflag:$0x2] =	stream.linear.gather [hbm4b:s17+s3], $0x2000, $0x38;
	[tilespmem:$0x1EC00] =	vst v63  }
0xcf: {  	s19 =	sadd.s32 $0x0, s20;
	s18 =	simm.s32 @!p1 $0xB  }
0xd0: {  	[tilespmem:s28], [sflag:$0x2] =	stream.linear.gather [hbm4b:s19+s3], $0x40, $0x38;
	[tilespmem:$0x1EC00] =	vst v63  }
0xd1: {  	_ =	swait.ge @!p1 [sflag:s18], $0x2000  }
0xd2: {  	[sflag:s18] =	ssyncset.done @!p1 $0x0  }
0xd3: {  	[sflag:s18] =	ssyncadd.s32 @!p1 $0xFFFFE000  }
0xd4: {  	_ =	swait.ge @!p1 [sflag:s18], $0x40  }
0xd5: {  	s20 =	rddreg [dreg:$0x6];
	[sflag:s18] =	ssyncset.done @!p1 $0x0  }
0xd6: {  	[sflag:s18] =	ssyncadd.s32 @!p1 $0xFFFFFFC0;
	s16 =	sadd.s32 $0x0, s20  }
0xd7: {  	[tilespmem:s29], [sflag:$0x7] =	stream.linear.gather [hbm4b:s16+s3], $0x40, $0x38;
	[tilespmem:$0x1EC00] =	vst v63  }
0xd8: {  	s17 =	rddreg [dreg:$0x5]  }
0xd9: {  	[tilespmem:s30], [sflag:$0x3] =	stream.linear.gather [hbm4b:s31+s3], $0x2000, $0x38;
	[tilespmem:$0x1EC00] =	vst v63  }
0xda: {  	s19 =	sadd.s32 $0x0, s17;
	s18 =	simm.s32 @!p1 $0xC  }
0xdb: {  	[tilespmem:s0], [sflag:$0x3] =	stream.linear.gather [hbm4b:s19+s3], $0x40, $0x38;
	[tilespmem:$0x1EC00] =	vst v63  }
0xdc: {  	_ =	swait.ge @!p1 [sflag:s18], $0x2000  }
0xdd: {  	[sflag:s18] =	ssyncset.done @!p1 $0x0  }
0xde: {  	[sflag:s18] =	ssyncadd.s32 @!p1 $0xFFFFE000  }
0xdf: {  	_ =	swait.ge @!p1 [sflag:s18], $0x40  }
0xe0: {  	s20 =	rddreg [dreg:$0xa];
	[sflag:s18] =	ssyncset.done @!p1 $0x0  }
0xe1: {  	[sflag:s18] =	ssyncadd.s32 @!p1 $0xFFFFFFC0;
	s16 =	sadd.s32 $0x0, s20  }
0xe2: {  	[tilespmem:s4], [sflag:$0x8] =	stream.linear.gather [hbm4b:s16+s3], $0x40, $0x38;
	[tilespmem:$0x1EC00] =	vst v63  }
0xe3: {  	s19 =	sadd.s32 $0x400, s31;
	s17 =	rddreg [dreg:$0x9]  }
0xe4: {  	[tilespmem:s5], [sflag:$0x4] =	stream.linear.gather [hbm4b:s19+s3], $0x2000, $0x38;
	[tilespmem:$0x1EC00] =	vst v63  }
0xe5: {  	s20 =	sadd.s32 $0x0, s17  }
0xe6: {  	[tilespmem:s6], [sflag:$0x4] =	stream.linear.gather [hbm4b:s20+s3], $0x40, $0x38;
	[tilespmem:$0x1EC00] =	vst v63  }
0xe7: {  	_ =	swait.ge [sflag:s7], $0x40  }
0xe8: {  	[sflag:s7] =	ssyncset.done $0x0  }
0xe9: {  	[sflag:s7] =	ssyncadd.s32 $0xFFFFFFC0  }
0xea: {  	_ =	swait.ge [sflag:s8], $0x2000  }
0xeb: {  	[sflag:s8] =	ssyncset.done $0x0  }
0xec: {  	[sflag:s8] =	ssyncadd.s32 $0xFFFFE000  }
0xed: {  	_ =	swait.ge [sflag:s8], $0x40  }
0xee: {  	[sflag:s8] =	ssyncset.done $0x0  }
0xef: {  	[sflag:s8] =	ssyncadd.s32 $0xFFFFFFC0  }
0xf0: {  	[spmem:s1] =	stream.indirect.scatter.add.f32 [tilespmem:s23], [sflag:$0x9], $0x80, s22, s9, $0xb8;
	[tilespmem:$0x1EC00] =	vst v63  }
0xf1: {  	_ = 	snop  }
0xf2: {  	[spmem:s2] =	stream.indirect.scatter.add.f32 [tilespmem:s24], [sflag:$0x9], $0x1, s22, s9, $0xb8;
	[tilespmem:$0x1EC00] =	vst v63  }
0xf3: {  	_ =	swait.ge [sflag:s10], $0x40  }
0xf4: {  	[sflag:s10] =	ssyncset.done $0x0  }
0xf5: {  	[sflag:s10] =	ssyncadd.s32 $0xFFFFFFC0  }
0xf6: {  	_ =	swait.ge [sflag:s11], $0x2000  }
0xf7: {  	[sflag:s11] =	ssyncset.done $0x0  }
0xf8: {  	[sflag:s11] =	ssyncadd.s32 $0xFFFFE000  }
0xf9: {  	_ =	swait.ge [sflag:s11], $0x40  }
0xfa: {  	[sflag:s11] =	ssyncset.done $0x0  }
0xfb: {  	[sflag:s11] =	ssyncadd.s32 $0xFFFFFFC0  }
0xfc: {  	[spmem:s1] =	stream.indirect.scatter.add.f32 [tilespmem:s26], [sflag:$0xA], $0x80, s25, s9, $0xb8;
	[tilespmem:$0x1EC00] =	vst v63  }
0xfd: {  	_ = 	snop  }
0xfe: {  	[spmem:s2] =	stream.indirect.scatter.add.f32 [tilespmem:s28], [sflag:$0xA], $0x1, s25, s9, $0xb8;
	[tilespmem:$0x1EC00] =	vst v63  }
0xff: {  	_ =	swait.ge [sflag:s12], $0x40  }
0x100: {  	[sflag:s12] =	ssyncset.done $0x0  }
0x101: {  	[sflag:s12] =	ssyncadd.s32 $0xFFFFFFC0  }
0x102: {  	_ =	swait.ge [sflag:s13], $0x2000  }
0x103: {  	[sflag:s13] =	ssyncset.done $0x0  }
0x104: {  	[sflag:s13] =	ssyncadd.s32 $0xFFFFE000  }
0x105: {  	_ =	swait.ge [sflag:s13], $0x40  }
0x106: {  	[sflag:s13] =	ssyncset.done $0x0  }
0x107: {  	[sflag:s13] =	ssyncadd.s32 $0xFFFFFFC0  }
0x108: {  	[spmem:s1] =	stream.indirect.scatter.add.f32 [tilespmem:s30], [sflag:$0xB], $0x80, s29, s9, $0xb8;
	[tilespmem:$0x1EC00] =	vst v63  }
0x109: {  	_ = 	snop  }
0x10a: {  	[spmem:s2] =	stream.indirect.scatter.add.f32 [tilespmem:s0], [sflag:$0xB], $0x1, s29, s9, $0xb8;
	[tilespmem:$0x1EC00] =	vst v63  }
0x10b: {  	_ =	swait.ge [sflag:s14], $0x40  }
0x10c: {  	[sflag:s14] =	ssyncset.done $0x0  }
0x10d: {  	[sflag:s14] =	ssyncadd.s32 $0xFFFFFFC0  }
0x10e: {  	_ =	swait.ge [sflag:s15], $0x2000  }
0x10f: {  	[sflag:s15] =	ssyncset.done $0x0  }
0x110: {  	[sflag:s15] =	ssyncadd.s32 $0xFFFFE000  }
0x111: {  	_ =	swait.ge [sflag:s15], $0x40  }
0x112: {  	p2 =	por $0x0, $0x0;
	[sflag:s15] =	ssyncset.done $0x0  }
0x113: {  	s18 =	simm.s32 $0x20;
	s16 =	simm.s32 $0x40;
	[sflag:s15] =	ssyncadd.s32 $0xFFFFFFC0  }
0x114: {  	[spmem:s1] =	stream.indirect.scatter.add.f32 [tilespmem:s5], [sflag:$0xC], $0x80, s4, s9, $0xb8;
	[tilespmem:$0x1EC00] =	vst v63  }
.LBB2_2:
0x115: {  	s17 =	simm.s32 @!p2 $0x9  }
0x116: {  	[spmem:s2] =	stream.indirect.scatter.add.f32 [tilespmem:s6], [sflag:$0xC], $0x1, s4, s9, $0xb8;
	[tilespmem:$0x1EC00] =	vst v63  }
0x117: {  	_ =	swait.ge @!p2 [sflag:s17], $0x2000  }
0x118: {  	[sflag:s17] =	ssyncset.done @!p2 $0x0  }
0x119: {  	[sflag:s17] =	ssyncadd.s32 @!p2 $0xFFFFE000  }
0x11a: {  	_ =	swait.ge @!p2 [sflag:s17], $0x40  }
0x11b: {  	s20 =	rddreg [dreg:$0xc];
	[sflag:s17] =	ssyncset.done @!p2 $0x0  }
0x11c: {  	s31 =	sadd.s32 $0x1000, s31;
	[sflag:s17] =	ssyncadd.s32 @!p2 $0xFFFFFFC0;
	s17 =	sadd.s32 s18, s20  }
0x11d: {  	[tilespmem:s22], [sflag:$0x5] =	stream.linear.gather [hbm4b:s17+s3], $0x40, $0x38;
	[tilespmem:$0x1EC00] =	vst v63  }
0x11e: {  	s20 =	rddreg [dreg:$0xb];
	s17 =	sadd.s32 $0xFFFFF800, s31  }
0x11f: {  	[tilespmem:s23], [sflag:$0x1] =	stream.linear.gather [hbm4b:s17+s3], $0x2000, $0x38;
	[tilespmem:$0x1EC00] =	vst v63  }
0x120: {  	s17 =	sadd.s32 s18, s20;
	s20 =	simm.s32 @!p2 $0xA  }
0x121: {  	[tilespmem:s24], [sflag:$0x1] =	stream.linear.gather [hbm4b:s17+s3], $0x40, $0x38;
	[tilespmem:$0x1EC00] =	vst v63  }
0x122: {  	_ =	swait.ge @!p2 [sflag:s20], $0x2000  }
0x123: {  	[sflag:s20] =	ssyncset.done @!p2 $0x0  }
0x124: {  	[sflag:s20] =	ssyncadd.s32 @!p2 $0xFFFFE000  }
0x125: {  	_ =	swait.ge @!p2 [sflag:s20], $0x40  }
0x126: {  	s17 =	rddreg [dreg:$0x8];
	[sflag:s20] =	ssyncset.done @!p2 $0x0  }
0x127: {  	[sflag:s20] =	ssyncadd.s32 @!p2 $0xFFFFFFC0;
	s17 =	sadd.s32 s18, s17  }
0x128: {  	[tilespmem:s25], [sflag:$0x6] =	stream.linear.gather [hbm4b:s17+s3], $0x40, $0x38;
	[tilespmem:$0x1EC00] =	vst v63  }
0x129: {  	s20 =	rddreg [dreg:$0x7];
	s17 =	sadd.s32 $0xFFFFFC00, s31  }
0x12a: {  	[tilespmem:s26], [sflag:$0x2] =	stream.linear.gather [hbm4b:s17+s3], $0x2000, $0x38;
	[tilespmem:$0x1EC00] =	vst v63  }
0x12b: {  	s17 =	sadd.s32 s18, s20;
	s20 =	simm.s32 @!p2 $0xB  }
0x12c: {  	[tilespmem:s28], [sflag:$0x2] =	stream.linear.gather [hbm4b:s17+s3], $0x40, $0x38;
	[tilespmem:$0x1EC00] =	vst v63  }
0x12d: {  	_ =	swait.ge @!p2 [sflag:s20], $0x2000  }
0x12e: {  	[sflag:s20] =	ssyncset.done @!p2 $0x0  }
0x12f: {  	[sflag:s20] =	ssyncadd.s32 @!p2 $0xFFFFE000  }
0x130: {  	_ =	swait.ge @!p2 [sflag:s20], $0x40  }
0x131: {  	s17 =	rddreg [dreg:$0x6];
	[sflag:s20] =	ssyncset.done @!p2 $0x0  }
0x132: {  	[sflag:s20] =	ssyncadd.s32 @!p2 $0xFFFFFFC0;
	s17 =	sadd.s32 s18, s17  }
0x133: {  	[tilespmem:s29], [sflag:$0x7] =	stream.linear.gather [hbm4b:s17+s3], $0x40, $0x38;
	[tilespmem:$0x1EC00] =	vst v63  }
0x134: {  	s20 =	rddreg [dreg:$0x5]  }
0x135: {  	[tilespmem:s30], [sflag:$0x3] =	stream.linear.gather [hbm4b:s31+s3], $0x2000, $0x38;
	[tilespmem:$0x1EC00] =	vst v63  }
0x136: {  	s17 =	sadd.s32 s18, s20;
	s20 =	simm.s32 @!p2 $0xC  }
0x137: {  	[tilespmem:s0], [sflag:$0x3] =	stream.linear.gather [hbm4b:s17+s3], $0x40, $0x38;
	[tilespmem:$0x1EC00] =	vst v63  }
0x138: {  	_ =	swait.ge @!p2 [sflag:s20], $0x2000  }
0x139: {  	[sflag:s20] =	ssyncset.done @!p2 $0x0  }
0x13a: {  	[sflag:s20] =	ssyncadd.s32 @!p2 $0xFFFFE000  }
0x13b: {  	_ =	swait.ge @!p2 [sflag:s20], $0x40  }
0x13c: {  	s17 =	rddreg [dreg:$0xa];
	[sflag:s20] =	ssyncset.done @!p2 $0x0  }
0x13d: {  	[sflag:s20] =	ssyncadd.s32 @!p2 $0xFFFFFFC0;
	s17 =	sadd.s32 s18, s17  }
0x13e: {  	[tilespmem:s4], [sflag:$0x8] =	stream.linear.gather [hbm4b:s17+s3], $0x40, $0x38;
	[tilespmem:$0x1EC00] =	vst v63  }
0x13f: {  	s20 =	rddreg [dreg:$0x9];
	s17 =	sadd.s32 $0x400, s31  }
0x140: {  	[tilespmem:s5], [sflag:$0x4] =	stream.linear.gather [hbm4b:s17+s3], $0x2000, $0x38;
	[tilespmem:$0x1EC00] =	vst v63  }
0x141: {  	s20 =	sadd.s32 s18, s20  }
0x142: {  	[tilespmem:s6], [sflag:$0x4] =	stream.linear.gather [hbm4b:s20+s3], $0x40, $0x38;
	[tilespmem:$0x1EC00] =	vst v63  }
0x143: {  	_ =	swait.ge [sflag:s7], $0x40  }
0x144: {  	[sflag:s7] =	ssyncset.done $0x0  }
0x145: {  	[sflag:s7] =	ssyncadd.s32 $0xFFFFFFC0  }
0x146: {  	_ =	swait.ge [sflag:s8], $0x2000  }
0x147: {  	[sflag:s8] =	ssyncset.done $0x0  }
0x148: {  	[sflag:s8] =	ssyncadd.s32 $0xFFFFE000  }
0x149: {  	_ =	swait.ge [sflag:s8], $0x40  }
0x14a: {  	[sflag:s8] =	ssyncset.done $0x0  }
0x14b: {  	[sflag:s8] =	ssyncadd.s32 $0xFFFFFFC0  }
0x14c: {  	[spmem:s1] =	stream.indirect.scatter.add.f32 [tilespmem:s23], [sflag:$0x9], $0x80, s22, s9, $0xb8;
	[tilespmem:$0x1EC00] =	vst v63  }
0x14d: {  	_ = 	snop  }
0x14e: {  	[spmem:s2] =	stream.indirect.scatter.add.f32 [tilespmem:s24], [sflag:$0x9], $0x1, s22, s9, $0xb8;
	[tilespmem:$0x1EC00] =	vst v63  }
0x14f: {  	_ =	swait.ge [sflag:s10], $0x40  }
0x150: {  	[sflag:s10] =	ssyncset.done $0x0  }
0x151: {  	[sflag:s10] =	ssyncadd.s32 $0xFFFFFFC0  }
0x152: {  	_ =	swait.ge [sflag:s11], $0x2000  }
0x153: {  	[sflag:s11] =	ssyncset.done $0x0  }
0x154: {  	[sflag:s11] =	ssyncadd.s32 $0xFFFFE000  }
0x155: {  	_ =	swait.ge [sflag:s11], $0x40  }
0x156: {  	[sflag:s11] =	ssyncset.done $0x0  }
0x157: {  	[sflag:s11] =	ssyncadd.s32 $0xFFFFFFC0  }
0x158: {  	[spmem:s1] =	stream.indirect.scatter.add.f32 [tilespmem:s26], [sflag:$0xA], $0x80, s25, s9, $0xb8;
	[tilespmem:$0x1EC00] =	vst v63  }
0x159: {  	_ = 	snop  }
0x15a: {  	[spmem:s2] =	stream.indirect.scatter.add.f32 [tilespmem:s28], [sflag:$0xA], $0x1, s25, s9, $0xb8;
	[tilespmem:$0x1EC00] =	vst v63  }
0x15b: {  	_ =	swait.ge [sflag:s12], $0x40  }
0x15c: {  	[sflag:s12] =	ssyncset.done $0x0  }
0x15d: {  	[sflag:s12] =	ssyncadd.s32 $0xFFFFFFC0  }
0x15e: {  	_ =	swait.ge [sflag:s13], $0x2000  }
0x15f: {  	[sflag:s13] =	ssyncset.done $0x0  }
0x160: {  	[sflag:s13] =	ssyncadd.s32 $0xFFFFE000  }
0x161: {  	_ =	swait.ge [sflag:s13], $0x40  }
0x162: {  	[sflag:s13] =	ssyncset.done $0x0  }
0x163: {  	[sflag:s13] =	ssyncadd.s32 $0xFFFFFFC0  }
0x164: {  	[spmem:s1] =	stream.indirect.scatter.add.f32 [tilespmem:s30], [sflag:$0xB], $0x80, s29, s9, $0xb8;
	[tilespmem:$0x1EC00] =	vst v63  }
0x165: {  	_ = 	snop  }
0x166: {  	[spmem:s2] =	stream.indirect.scatter.add.f32 [tilespmem:s0], [sflag:$0xB], $0x1, s29, s9, $0xb8;
	[tilespmem:$0x1EC00] =	vst v63  }
0x167: {  	_ =	swait.ge [sflag:s14], $0x40  }
0x168: {  	[sflag:s14] =	ssyncset.done $0x0  }
0x169: {  	[sflag:s14] =	ssyncadd.s32 $0xFFFFFFC0  }
0x16a: {  	s19 =	smov.u32 s16;
	s16 =	sadd.s32 $0x20, s16;
	_ =	swait.ge [sflag:s15], $0x2000  }
0x16b: {  	p1 =	sne.s32 s16, $0x4E0;
	[sflag:s15] =	ssyncset.done $0x0  }
.Ltmp2:
0x16c: {  	[sflag:s15] =	ssyncadd.s32 $0xFFFFE000;
	(pc) =	sbr.rel @p1 .LBB2_2-.Ltmp2, $4  }
0x16d: {  	_ =	swait.ge [sflag:s15], $0x40  }
0x16e: {  	s18 =	smov.u32 s19;
	[sflag:s15] =	ssyncset.done $0x0  }
0x16f: {  	p2 =	seq.s32 s18, $0x0;
	[sflag:s15] =	ssyncadd.s32 $0xFFFFFFC0  }
0x170: {  	[spmem:s1] =	stream.indirect.scatter.add.f32 [tilespmem:s5], [sflag:$0xC], $0x80, s4, s9, $0xb8;
	[tilespmem:$0x1EC00] =	vst v63  }
0x171: {  	s16 =	simm.s32 @!p2 $0x9  }
0x172: {  	[spmem:s2] =	stream.indirect.scatter.add.f32 [tilespmem:s6], [sflag:$0xC], $0x1, s4, s9, $0xb8;
	[tilespmem:$0x1EC00] =	vst v63  }
0x173: {  	_ =	swait.ge @!p2 [sflag:s16], $0x2000  }
0x174: {  	[sflag:s16] =	ssyncset.done @!p2 $0x0  }
0x175: {  	[sflag:s16] =	ssyncadd.s32 @!p2 $0xFFFFE000  }
0x176: {  	_ =	swait.ge @!p2 [sflag:s16], $0x40  }
0x177: {  	s17 =	rddreg [dreg:$0xc];
	[sflag:s16] =	ssyncset.done @!p2 $0x0  }
0x178: {  	s19 =	sadd.s32 $0x1000, s31;
	[sflag:s16] =	ssyncadd.s32 @!p2 $0xFFFFFFC0;
	s20 =	sadd.s32 s18, s17  }
0x179: {  	[tilespmem:s22], [sflag:$0x5] =	stream.linear.gather [hbm4b:s20+s3], $0x40, $0x38;
	[tilespmem:$0x1EC00] =	vst v63  }
0x17a: {  	s17 =	rddreg [dreg:$0xb];
	s20 =	sadd.s32 $0xFFFFF800, s19  }
0x17b: {  	[tilespmem:s23], [sflag:$0x1] =	stream.linear.gather [hbm4b:s20+s3], $0x2000, $0x38;
	[tilespmem:$0x1EC00] =	vst v63  }
0x17c: {  	s20 =	sadd.s32 s18, s17;
	s17 =	simm.s32 @!p2 $0xA  }
0x17d: {  	[tilespmem:s24], [sflag:$0x1] =	stream.linear.gather [hbm4b:s20+s3], $0x40, $0x38;
	[tilespmem:$0x1EC00] =	vst v63  }
0x17e: {  	_ =	swait.ge @!p2 [sflag:s17], $0x2000  }
0x17f: {  	[sflag:s17] =	ssyncset.done @!p2 $0x0  }
0x180: {  	[sflag:s17] =	ssyncadd.s32 @!p2 $0xFFFFE000  }
0x181: {  	_ =	swait.ge @!p2 [sflag:s17], $0x40  }
0x182: {  	s20 =	rddreg [dreg:$0x8];
	[sflag:s17] =	ssyncset.done @!p2 $0x0  }
0x183: {  	[sflag:s17] =	ssyncadd.s32 @!p2 $0xFFFFFFC0;
	s16 =	sadd.s32 s18, s20  }
0x184: {  	[tilespmem:s25], [sflag:$0x6] =	stream.linear.gather [hbm4b:s16+s3], $0x40, $0x38;
	[tilespmem:$0x1EC00] =	vst v63  }
0x185: {  	s17 =	rddreg [dreg:$0x7];
	s20 =	sadd.s32 $0xFFFFFC00, s19  }
0x186: {  	[tilespmem:s26], [sflag:$0x2] =	stream.linear.gather [hbm4b:s20+s3], $0x2000, $0x38;
	[tilespmem:$0x1EC00] =	vst v63  }
0x187: {  	s20 =	sadd.s32 s18, s17;
	s17 =	simm.s32 @!p2 $0xB  }
0x188: {  	[tilespmem:s28], [sflag:$0x2] =	stream.linear.gather [hbm4b:s20+s3], $0x40, $0x38;
	[tilespmem:$0x1EC00] =	vst v63  }
0x189: {  	_ =	swait.ge @!p2 [sflag:s17], $0x2000  }
0x18a: {  	[sflag:s17] =	ssyncset.done @!p2 $0x0  }
0x18b: {  	[sflag:s17] =	ssyncadd.s32 @!p2 $0xFFFFE000  }
0x18c: {  	_ =	swait.ge @!p2 [sflag:s17], $0x40  }
0x18d: {  	s20 =	rddreg [dreg:$0x6];
	[sflag:s17] =	ssyncset.done @!p2 $0x0  }
0x18e: {  	[sflag:s17] =	ssyncadd.s32 @!p2 $0xFFFFFFC0;
	s16 =	sadd.s32 s18, s20  }
0x18f: {  	[tilespmem:s29], [sflag:$0x7] =	stream.linear.gather [hbm4b:s16+s3], $0x40, $0x38;
	[tilespmem:$0x1EC00] =	vst v63  }
0x190: {  	s20 =	rddreg [dreg:$0x5]  }
0x191: {  	[tilespmem:s30], [sflag:$0x3] =	stream.linear.gather [hbm4b:s19+s3], $0x2000, $0x38;
	[tilespmem:$0x1EC00] =	vst v63  }
0x192: {  	s17 =	simm.s32 @!p2 $0xC;
	s20 =	sadd.s32 s18, s20  }
0x193: {  	[tilespmem:s0], [sflag:$0x3] =	stream.linear.gather [hbm4b:s20+s3], $0x40, $0x38;
	[tilespmem:$0x1EC00] =	vst v63  }
0x194: {  	_ =	swait.ge @!p2 [sflag:s17], $0x2000  }
0x195: {  	[sflag:s17] =	ssyncset.done @!p2 $0x0  }
0x196: {  	[sflag:s17] =	ssyncadd.s32 @!p2 $0xFFFFE000  }
0x197: {  	_ =	swait.ge @!p2 [sflag:s17], $0x40  }
0x198: {  	s20 =	rddreg [dreg:$0xa];
	[sflag:s17] =	ssyncset.done @!p2 $0x0  }
0x199: {  	[sflag:s17] =	ssyncadd.s32 @!p2 $0xFFFFFFC0;
	s16 =	sadd.s32 s18, s20  }
0x19a: {  	[tilespmem:s4], [sflag:$0x8] =	stream.linear.gather [hbm4b:s16+s3], $0x40, $0x38;
	[tilespmem:$0x1EC00] =	vst v63  }
0x19b: {  	s19 =	sadd.s32 $0x400, s19;
	s20 =	rddreg [dreg:$0x9]  }
0x19c: {  	[tilespmem:s5], [sflag:$0x4] =	stream.linear.gather [hbm4b:s19+s3], $0x2000, $0x38;
	[tilespmem:$0x1EC00] =	vst v63  }
0x19d: {  	s16 =	sadd.s32 s18, s20  }
0x19e: {  	[tilespmem:s6], [sflag:$0x4] =	stream.linear.gather [hbm4b:s16+s3], $0x40, $0x38;
	[tilespmem:$0x1EC00] =	vst v63  }
0x19f: {  	_ =	swait.ge [sflag:s7], $0x40  }
0x1a0: {  	[sflag:s7] =	ssyncset.done $0x0  }
0x1a1: {  	[sflag:s7] =	ssyncadd.s32 $0xFFFFFFC0  }
0x1a2: {  	_ =	swait.ge [sflag:s8], $0x2000  }
0x1a3: {  	[sflag:s8] =	ssyncset.done $0x0  }
0x1a4: {  	[sflag:s8] =	ssyncadd.s32 $0xFFFFE000  }
0x1a5: {  	_ =	swait.ge [sflag:s8], $0x40  }
0x1a6: {  	[sflag:s8] =	ssyncset.done $0x0  }
0x1a7: {  	[sflag:s8] =	ssyncadd.s32 $0xFFFFFFC0  }
0x1a8: {  	[spmem:s1] =	stream.indirect.scatter.add.f32 [tilespmem:s23], [sflag:$0x9], $0x80, s22, s9, $0xb8;
	[tilespmem:$0x1EC00] =	vst v63  }
0x1a9: {  	_ = 	snop  }
0x1aa: {  	[spmem:s2] =	stream.indirect.scatter.add.f32 [tilespmem:s24], [sflag:$0x9], $0x1, s22, s9, $0xb8;
	[tilespmem:$0x1EC00] =	vst v63  }
0x1ab: {  	_ =	swait.ge [sflag:s10], $0x40  }
0x1ac: {  	[sflag:s10] =	ssyncset.done $0x0  }
0x1ad: {  	[sflag:s10] =	ssyncadd.s32 $0xFFFFFFC0  }
0x1ae: {  	_ =	swait.ge [sflag:s11], $0x2000  }
0x1af: {  	[sflag:s11] =	ssyncset.done $0x0  }
0x1b0: {  	[sflag:s11] =	ssyncadd.s32 $0xFFFFE000  }
0x1b1: {  	_ =	swait.ge [sflag:s11], $0x40  }
0x1b2: {  	[sflag:s11] =	ssyncset.done $0x0  }
0x1b3: {  	[sflag:s11] =	ssyncadd.s32 $0xFFFFFFC0  }
0x1b4: {  	[spmem:s1] =	stream.indirect.scatter.add.f32 [tilespmem:s26], [sflag:$0xA], $0x80, s25, s9, $0xb8;
	[tilespmem:$0x1EC00] =	vst v63  }
0x1b5: {  	_ = 	snop  }
0x1b6: {  	[spmem:s2] =	stream.indirect.scatter.add.f32 [tilespmem:s28], [sflag:$0xA], $0x1, s25, s9, $0xb8;
	[tilespmem:$0x1EC00] =	vst v63  }
0x1b7: {  	_ =	swait.ge [sflag:s12], $0x40  }
0x1b8: {  	[sflag:s12] =	ssyncset.done $0x0  }
0x1b9: {  	[sflag:s12] =	ssyncadd.s32 $0xFFFFFFC0  }
0x1ba: {  	_ =	swait.ge [sflag:s13], $0x2000  }
0x1bb: {  	[sflag:s13] =	ssyncset.done $0x0  }
0x1bc: {  	[sflag:s13] =	ssyncadd.s32 $0xFFFFE000  }
0x1bd: {  	_ =	swait.ge [sflag:s13], $0x40  }
0x1be: {  	[sflag:s13] =	ssyncset.done $0x0  }
0x1bf: {  	[sflag:s13] =	ssyncadd.s32 $0xFFFFFFC0  }
0x1c0: {  	[spmem:s1] =	stream.indirect.scatter.add.f32 [tilespmem:s30], [sflag:$0xB], $0x80, s29, s9, $0xb8;
	[tilespmem:$0x1EC00] =	vst v63  }
0x1c1: {  	_ = 	snop  }
0x1c2: {  	[spmem:s2] =	stream.indirect.scatter.add.f32 [tilespmem:s0], [sflag:$0xB], $0x1, s29, s9, $0xb8;
	[tilespmem:$0x1EC00] =	vst v63  }
0x1c3: {  	_ =	swait.ge [sflag:s14], $0x40  }
0x1c4: {  	[sflag:s14] =	ssyncset.done $0x0  }
0x1c5: {  	[sflag:s14] =	ssyncadd.s32 $0xFFFFFFC0  }
0x1c6: {  	_ =	swait.ge [sflag:s15], $0x2000  }
0x1c7: {  	[sflag:s15] =	ssyncset.done $0x0  }
0x1c8: {  	[sflag:s15] =	ssyncadd.s32 $0xFFFFE000  }
0x1c9: {  	_ =	swait.ge [sflag:s15], $0x40  }
0x1ca: {  	[sflag:s15] =	ssyncset.done $0x0  }
0x1cb: {  	[sflag:s15] =	ssyncadd.s32 $0xFFFFFFC0  }
0x1cc: {  	[spmem:s1] =	stream.indirect.scatter.add.f32 [tilespmem:s5], [sflag:$0xC], $0x80, s4, s9, $0xb8;
	[tilespmem:$0x1EC00] =	vst v63  }
0x1cd: {  	s20 =	simm.s32 $0x9  }
0x1ce: {  	[spmem:s2] =	stream.indirect.scatter.add.f32 [tilespmem:s6], [sflag:$0xC], $0x1, s4, s9, $0xb8;
	[tilespmem:$0x1EC00] =	vst v63  }
0x1cf: {  	_ =	swait.ge [sflag:s20], $0x2000  }
0x1d0: {  	[sflag:s20] =	ssyncset.done $0x0  }
0x1d1: {  	[sflag:s20] =	ssyncadd.s32 $0xFFFFE000  }
0x1d2: {  	_ =	swait.ge [sflag:s20], $0x40  }
0x1d3: {  	[sflag:s20] =	ssyncset.done $0x0  }
0x1d4: {  	s17 =	simm.s32 $0xA;
	[sflag:s20] =	ssyncadd.s32 $0xFFFFFFC0  }
0x1d5: {  	_ =	swait.ge [sflag:s17], $0x2000  }
0x1d6: {  	[sflag:s17] =	ssyncset.done $0x0  }
0x1d7: {  	[sflag:s17] =	ssyncadd.s32 $0xFFFFE000  }
0x1d8: {  	_ =	swait.ge [sflag:s17], $0x40  }
0x1d9: {  	[sflag:s17] =	ssyncset.done $0x0  }
0x1da: {  	s18 =	simm.s32 $0xB;
	[sflag:s17] =	ssyncadd.s32 $0xFFFFFFC0  }
0x1db: {  	_ =	swait.ge [sflag:s18], $0x2000  }
0x1dc: {  	[sflag:s18] =	ssyncset.done $0x0  }
0x1dd: {  	[sflag:s18] =	ssyncadd.s32 $0xFFFFE000  }
0x1de: {  	_ =	swait.ge [sflag:s18], $0x40  }
0x1df: {  	[sflag:s18] =	ssyncset.done $0x0  }
0x1e0: {  	s19 =	simm.s32 $0xC;
	[sflag:s18] =	ssyncadd.s32 $0xFFFFFFC0  }
0x1e1: {  	_ =	swait.ge [sflag:s19], $0x2000  }
0x1e2: {  	[sflag:s19] =	ssyncset.done $0x0  }
0x1e3: {  	[sflag:s19] =	ssyncadd.s32 $0xFFFFE000  }
0x1e4: {  	_ =	swait.ge [sflag:s19], $0x40  }
0x1e5: {  	[sflag:s19] =	ssyncset.done $0x0  }
0x1e6: {  	s20 =	rddreg [dreg:$0x19];
	[sflag:s19] =	ssyncadd.s32 $0xFFFFFFC0  }
0x1e7: {  	[tilespmem:s3], [sflag:$0xD] =	stream.linear.gather [hbm4b:s20+s3], $0x10, $0x38;
	[tilespmem:$0x1EC00] =	vst v63  }
0x1e8: {  	_ =	swait.ge [sflag:s21], $0x10  }
0x1e9: {  	[sflag:s21] =	ssyncset.done $0x0  }
0x1ea: {  	s17 =	rddreg [dreg:$0x17];
	[sflag:s21] =	ssyncadd.s32 $0xFFFFFFF0  }
0x1eb: {  	[tilespmem:s23], [sflag:$0xD] =	stream.linear.gather [hbm4b:s17+s3], $0x800, $0x38;
	[tilespmem:$0x1EC00] =	vst v63  }
0x1ec: {  	_ =	swait.ge [sflag:s21], $0x800  }
0x1ed: {  	[sflag:s21] =	ssyncset.done $0x0  }
0x1ee: {  	s18 =	rddreg [dreg:$0x18];
	[sflag:s21] =	ssyncadd.s32 $0xFFFFF800  }
0x1ef: {  	[tilespmem:s24], [sflag:$0xD] =	stream.linear.gather [hbm4b:s18+s3], $0x10, $0x38;
	[tilespmem:$0x1EC00] =	vst v63  }
0x1f0: {  	_ =	swait.ge [sflag:s21], $0x10  }
0x1f1: {  	[sflag:s21] =	ssyncset.done $0x0  }
0x1f2: {  	s19 =	simm.s32 $0x10;
	[sflag:s21] =	ssyncadd.s32 $0xFFFFFFF0  }
0x1f3: {  	[spmem:s1] =	stream.indirect.scatter.add.f32 [tilespmem:s23], [sflag:$0xD], $0x80, s3, s19, $0xb8;
	[tilespmem:$0x1EC00] =	vst v63  }
0x1f4: {  	_ =	swait.ge [sflag:s21], $0x800  }
0x1f5: {  	[sflag:s21] =	ssyncset.done $0x0  }
0x1f6: {  	[sflag:s21] =	ssyncadd.s32 $0xFFFFF800  }
0x1f7: {  	[spmem:s2] =	stream.indirect.scatter.add.f32 [tilespmem:s24], [sflag:$0xD], $0x1, s3, s19, $0xb8;
	[tilespmem:$0x1EC00] =	vst v63  }
0x1f8: {  	_ =	swait.ge [sflag:s21], $0x10  }
0x1f9: {  	[sflag:s21] =	ssyncset.done $0x0  }
0x1fa: {  	[sflag:s21] =	ssyncadd.s32 $0xFFFFFFF0  }
0x1fb: {  	[bflag:$0x0] =	sbarrier.arrive $0xFFFF  }
0x1fc: {  	s18 =	simm.s32 $0x80;
	s17 =	rddreg [dreg:$0x1c]  }
0x1fd: {  	[tilespmem:s18], [sflag:$0xD] =	stream.linear.gather [spmem:s17], $0x2000, $0x38;
	[tilespmem:$0x1EC00] =	vst v63  }
0x1fe: {  	_ =	swait.ge [sflag:s21], $0x2000  }
0x1ff: {  	[sflag:s21] =	ssyncset.done $0x0  }
0x200: {  	s20 =	rddreg [dreg:$0xd];
	[sflag:s21] =	ssyncadd.s32 $0xFFFFE000  }
0x201: {  	[hbm4b:s20+s3] =	stream.linear.scatter [tilespmem:s18], [sflag:$0xD], $0x2000, $0x38;
	[tilespmem:$0x1EC00] =	vst v63  }
0x202: {  	_ =	swait.ge [sflag:s21], $0x2000  }
0x203: {  	[sflag:s21] =	ssyncset.done $0x0  }
0x204: {  	s19 =	rddreg [dreg:$0x1e];
	[sflag:s21] =	ssyncadd.s32 $0xFFFFE000  }
0x205: {  	[tilespmem:s18], [sflag:$0xD] =	stream.linear.gather [spmem:s19], $0x2000, $0x38;
	[tilespmem:$0x1EC00] =	vst v63  }
0x206: {  	_ =	swait.ge [sflag:s21], $0x2000  }
0x207: {  	[sflag:s21] =	ssyncset.done $0x0  }
0x208: {  	s20 =	rddreg [dreg:$0xe];
	[sflag:s21] =	ssyncadd.s32 $0xFFFFE000  }
0x209: {  	[hbm4b:s20+s3] =	stream.linear.scatter [tilespmem:s18], [sflag:$0xD], $0x2000, $0x38;
	[tilespmem:$0x1EC00] =	vst v63  }
0x20a: {  	_ =	swait.ge [sflag:s21], $0x2000  }
0x20b: {  	[sflag:s21] =	ssyncset.done $0x0  }
0x20c: {  	s19 =	rddreg [dreg:$0x1f];
	[sflag:s21] =	ssyncadd.s32 $0xFFFFE000  }
0x20d: {  	[tilespmem:s18], [sflag:$0xD] =	stream.linear.gather [spmem:s19], $0x2000, $0x38;
	[tilespmem:$0x1EC00] =	vst v63  }
0x20e: {  	_ =	swait.ge [sflag:s21], $0x2000  }
0x20f: {  	[sflag:s21] =	ssyncset.done $0x0  }
0x210: {  	s20 =	rddreg [dreg:$0xf];
	[sflag:s21] =	ssyncadd.s32 $0xFFFFE000  }
0x211: {  	[hbm4b:s20+s3] =	stream.linear.scatter [tilespmem:s18], [sflag:$0xD], $0x2000, $0x38;
	[tilespmem:$0x1EC00] =	vst v63  }
0x212: {  	_ =	swait.ge [sflag:s21], $0x2000  }
0x213: {  	s19 =	sld [smem:$0x7DE]  }
0x214: {  	[sflag:s21] =	ssyncset.done $0x0  }
0x215: {  	[sflag:s21] =	ssyncadd.s32 $0xFFFFE000  }
0x216: {  	[tilespmem:s18], [sflag:$0xD] =	stream.linear.gather [spmem:s19], $0x2000, $0x38;
	[tilespmem:$0x1EC00] =	vst v63  }
0x217: {  	_ =	swait.ge [sflag:s21], $0x2000  }
0x218: {  	[sflag:s21] =	ssyncset.done $0x0  }
0x219: {  	s20 =	rddreg [dreg:$0x10];
	[sflag:s21] =	ssyncadd.s32 $0xFFFFE000  }
0x21a: {  	[hbm4b:s20+s3] =	stream.linear.scatter [tilespmem:s18], [sflag:$0xD], $0x2000, $0x38;
	[tilespmem:$0x1EC00] =	vst v63  }
0x21b: {  	_ =	swait.ge [sflag:s21], $0x2000  }
0x21c: {  	s19 =	sld [smem:$0x7DF]  }
0x21d: {  	[sflag:s21] =	ssyncset.done $0x0  }
0x21e: {  	[sflag:s21] =	ssyncadd.s32 $0xFFFFE000  }
0x21f: {  	[tilespmem:s18], [sflag:$0xD] =	stream.linear.gather [spmem:s19], $0x2000, $0x38;
	[tilespmem:$0x1EC00] =	vst v63  }
0x220: {  	_ =	swait.ge [sflag:s21], $0x2000  }
0x221: {  	[sflag:s21] =	ssyncset.done $0x0  }
0x222: {  	s20 =	rddreg [dreg:$0x11];
	[sflag:s21] =	ssyncadd.s32 $0xFFFFE000  }
0x223: {  	[hbm4b:s20+s3] =	stream.linear.scatter [tilespmem:s18], [sflag:$0xD], $0x2000, $0x38;
	[tilespmem:$0x1EC00] =	vst v63  }
0x224: {  	_ =	swait.ge [sflag:s21], $0x2000  }
0x225: {  	s19 =	sld [smem:$0x7E0]  }
0x226: {  	[sflag:s21] =	ssyncset.done $0x0  }
0x227: {  	[sflag:s21] =	ssyncadd.s32 $0xFFFFE000  }
0x228: {  	[tilespmem:s18], [sflag:$0xD] =	stream.linear.gather [spmem:s19], $0x2000, $0x38;
	[tilespmem:$0x1EC00] =	vst v63  }
0x229: {  	_ =	swait.ge [sflag:s21], $0x2000  }
0x22a: {  	[sflag:s21] =	ssyncset.done $0x0  }
0x22b: {  	s20 =	rddreg [dreg:$0x12];
	[sflag:s21] =	ssyncadd.s32 $0xFFFFE000  }
0x22c: {  	[hbm4b:s20+s3] =	stream.linear.scatter [tilespmem:s18], [sflag:$0xD], $0x2000, $0x38;
	[tilespmem:$0x1EC00] =	vst v63  }
0x22d: {  	_ =	swait.ge [sflag:s21], $0x2000  }
0x22e: {  	s19 =	sld [smem:$0x7E1]  }
0x22f: {  	[sflag:s21] =	ssyncset.done $0x0  }
0x230: {  	[sflag:s21] =	ssyncadd.s32 $0xFFFFE000  }
0x231: {  	[tilespmem:s18], [sflag:$0xD] =	stream.linear.gather [spmem:s19], $0x2000, $0x38;
	[tilespmem:$0x1EC00] =	vst v63  }
0x232: {  	_ =	swait.ge [sflag:s21], $0x2000  }
0x233: {  	[sflag:s21] =	ssyncset.done $0x0  }
0x234: {  	s20 =	rddreg [dreg:$0x13];
	[sflag:s21] =	ssyncadd.s32 $0xFFFFE000  }
0x235: {  	[hbm4b:s20+s3] =	stream.linear.scatter [tilespmem:s18], [sflag:$0xD], $0x2000, $0x38;
	[tilespmem:$0x1EC00] =	vst v63  }
0x236: {  	_ =	swait.ge [sflag:s21], $0x2000  }
0x237: {  	s19 =	sld [smem:$0x7E2]  }
0x238: {  	[sflag:s21] =	ssyncset.done $0x0  }
0x239: {  	[sflag:s21] =	ssyncadd.s32 $0xFFFFE000  }
0x23a: {  	[tilespmem:s18], [sflag:$0xD] =	stream.linear.gather [spmem:s19], $0x2000, $0x38;
	[tilespmem:$0x1EC00] =	vst v63  }
0x23b: {  	_ =	swait.ge [sflag:s21], $0x2000  }
0x23c: {  	[sflag:s21] =	ssyncset.done $0x0  }
0x23d: {  	s20 =	rddreg [dreg:$0x14];
	[sflag:s21] =	ssyncadd.s32 $0xFFFFE000  }
0x23e: {  	[hbm4b:s20+s3] =	stream.linear.scatter [tilespmem:s18], [sflag:$0xD], $0x2000, $0x38;
	[tilespmem:$0x1EC00] =	vst v63  }
0x23f: {  	_ =	swait.ge [sflag:s21], $0x2000  }
0x240: {  	s19 =	sld [smem:$0x7E3]  }
0x241: {  	[sflag:s21] =	ssyncset.done $0x0  }
0x242: {  	[sflag:s21] =	ssyncadd.s32 $0xFFFFE000  }
0x243: {  	[tilespmem:s18], [sflag:$0xD] =	stream.linear.gather [spmem:s19], $0x2000, $0x38;
	[tilespmem:$0x1EC00] =	vst v63  }
0x244: {  	_ =	swait.ge [sflag:s21], $0x2000  }
0x245: {  	[sflag:s21] =	ssyncset.done $0x0  }
0x246: {  	s20 =	rddreg [dreg:$0x15];
	[sflag:s21] =	ssyncadd.s32 $0xFFFFE000  }
0x247: {  	[hbm4b:s20+s3] =	stream.linear.scatter [tilespmem:s18], [sflag:$0xD], $0x2000, $0x38;
	[tilespmem:$0x1EC00] =	vst v63  }
0x248: {  	_ =	swait.ge [sflag:s21], $0x2000  }
0x249: {  	s19 =	sld [smem:$0x7E4]  }
0x24a: {  	[sflag:s21] =	ssyncset.done $0x0  }
0x24b: {  	[sflag:s21] =	ssyncadd.s32 $0xFFFFE000  }
0x24c: {  	[tilespmem:s18], [sflag:$0xD] =	stream.linear.gather [spmem:s19], $0x2000, $0x38;
	[tilespmem:$0x1EC00] =	vst v63  }
0x24d: {  	_ =	swait.ge [sflag:s21], $0x2000  }
0x24e: {  	[sflag:s21] =	ssyncset.done $0x0  }
0x24f: {  	s20 =	rddreg [dreg:$0x16];
	[sflag:s21] =	ssyncadd.s32 $0xFFFFE000  }
0x250: {  	[hbm4b:s20+s3] =	stream.linear.scatter [tilespmem:s18], [sflag:$0xD], $0x2000, $0x38;
	[tilespmem:$0x1EC00] =	vst v63  }
.Ltmp3:
0x251: {  	_ = 	snop;
	(pc) =	sbr.rel @p0 .LBB2_5-.Ltmp3, $4  }
0x252: {  	_ =	swait.ge [sflag:s21], $0x2000  }
0x253: {  	s31 =	sld [smem:$0x7DD]  }
0x254: {  	[sflag:s21] =	ssyncset.done $0x0  }
0x255: {  	[sflag:s21] =	ssyncadd.s32 $0xFFFFE000  }
0x256: {  	s19 =	simm.s32 $0x2080  }
0x257: {  	[tilespmem:s19], [sflag:$0xD] =	stream.linear.gather [spmem:s2], $0x500, $0x38;
	[tilespmem:$0x1EC00] =	vst v63  }
0x258: {  	_ =	swait.ge [sflag:s21], $0x500  }
0x259: {  	s16 =	sld [smem:$0x7E5]  }
0x25a: {  	[sflag:s21] =	ssyncset.done $0x0  }
0x25b: {  	s20 =	simm.s32 $0x100;
	[sflag:s21] =	ssyncadd.s32 $0xFFFFFB00  }
0x25c: {  	[hbm4b:s16+s18] =	stream.strided.scatter [tilespmem:s19], [sflag:$0xD], $0x500, s20, s18, $0x38;
	[tilespmem:$0x1EC00] =	vst v63  }
0x25d: {  	_ =	swait.ge [sflag:s21], $0x500  }
0x25e: {  	s16 =	sld [smem:$0x7F7]  }
0x25f: {  	[sflag:s21] =	ssyncset.done $0x0  }
0x260: {  	[sflag:s21] =	ssyncadd.s32 $0xFFFFFB00  }
0x261: {  	[tilespmem:s19], [sflag:$0xD] =	stream.linear.gather [spmem:s16], $0x500, $0x38;
	[tilespmem:$0x1EC00] =	vst v63  }
0x262: {  	_ =	swait.ge [sflag:s21], $0x500  }
0x263: {  	s16 =	sld [smem:$0x7E6]  }
0x264: {  	[sflag:s21] =	ssyncset.done $0x0  }
0x265: {  	[sflag:s21] =	ssyncadd.s32 $0xFFFFFB00  }
0x266: {  	[hbm4b:s16+s18] =	stream.strided.scatter [tilespmem:s19], [sflag:$0xD], $0x500, s20, s18, $0x38;
	[tilespmem:$0x1EC00] =	vst v63  }
0x267: {  	_ =	swait.ge [sflag:s21], $0x500  }
0x268: {  	s16 =	sld [smem:$0x7F8]  }
0x269: {  	[sflag:s21] =	ssyncset.done $0x0  }
0x26a: {  	[sflag:s21] =	ssyncadd.s32 $0xFFFFFB00  }
0x26b: {  	[tilespmem:s19], [sflag:$0xD] =	stream.linear.gather [spmem:s16], $0x500, $0x38;
	[tilespmem:$0x1EC00] =	vst v63  }
0x26c: {  	_ =	swait.ge [sflag:s21], $0x500  }
0x26d: {  	s16 =	sld [smem:$0x7E7]  }
0x26e: {  	[sflag:s21] =	ssyncset.done $0x0  }
0x26f: {  	[sflag:s21] =	ssyncadd.s32 $0xFFFFFB00  }
0x270: {  	[hbm4b:s16+s18] =	stream.strided.scatter [tilespmem:s19], [sflag:$0xD], $0x500, s20, s18, $0x38;
	[tilespmem:$0x1EC00] =	vst v63  }
0x271: {  	_ =	swait.ge [sflag:s21], $0x500  }
0x272: {  	s16 =	sld [smem:$0x7F9]  }
0x273: {  	[sflag:s21] =	ssyncset.done $0x0  }
0x274: {  	[sflag:s21] =	ssyncadd.s32 $0xFFFFFB00  }
0x275: {  	[tilespmem:s19], [sflag:$0xD] =	stream.linear.gather [spmem:s16], $0x500, $0x38;
	[tilespmem:$0x1EC00] =	vst v63  }
0x276: {  	_ =	swait.ge [sflag:s21], $0x500  }
0x277: {  	s16 =	sld [smem:$0x7E8]  }
0x278: {  	[sflag:s21] =	ssyncset.done $0x0  }
0x279: {  	[sflag:s21] =	ssyncadd.s32 $0xFFFFFB00  }
0x27a: {  	[hbm4b:s16+s18] =	stream.strided.scatter [tilespmem:s19], [sflag:$0xD], $0x500, s20, s18, $0x38;
	[tilespmem:$0x1EC00] =	vst v63  }
0x27b: {  	_ =	swait.ge [sflag:s21], $0x500  }
0x27c: {  	s16 =	sld [smem:$0x7FA]  }
0x27d: {  	[sflag:s21] =	ssyncset.done $0x0  }
0x27e: {  	[sflag:s21] =	ssyncadd.s32 $0xFFFFFB00  }
0x27f: {  	[tilespmem:s19], [sflag:$0xD] =	stream.linear.gather [spmem:s16], $0x500, $0x38;
	[tilespmem:$0x1EC00] =	vst v63  }
0x280: {  	_ =	swait.ge [sflag:s21], $0x500  }
0x281: {  	s16 =	sld [smem:$0x7E9]  }
0x282: {  	[sflag:s21] =	ssyncset.done $0x0  }
0x283: {  	[sflag:s21] =	ssyncadd.s32 $0xFFFFFB00  }
0x284: {  	[hbm4b:s16+s18] =	stream.strided.scatter [tilespmem:s19], [sflag:$0xD], $0x500, s20, s18, $0x38;
	[tilespmem:$0x1EC00] =	vst v63  }
0x285: {  	_ =	swait.ge [sflag:s21], $0x500  }
0x286: {  	s16 =	sld [smem:$0x7FB]  }
0x287: {  	[sflag:s21] =	ssyncset.done $0x0  }
0x288: {  	[sflag:s21] =	ssyncadd.s32 $0xFFFFFB00  }
0x289: {  	[tilespmem:s19], [sflag:$0xD] =	stream.linear.gather [spmem:s16], $0x500, $0x38;
	[tilespmem:$0x1EC00] =	vst v63  }
0x28a: {  	_ =	swait.ge [sflag:s21], $0x500  }
0x28b: {  	s16 =	sld [smem:$0x7EA]  }
0x28c: {  	[sflag:s21] =	ssyncset.done $0x0  }
0x28d: {  	[sflag:s21] =	ssyncadd.s32 $0xFFFFFB00  }
0x28e: {  	[hbm4b:s16+s18] =	stream.strided.scatter [tilespmem:s19], [sflag:$0xD], $0x500, s20, s18, $0x38;
	[tilespmem:$0x1EC00] =	vst v63  }
0x28f: {  	_ =	swait.ge [sflag:s21], $0x500  }
0x290: {  	s16 =	sld [smem:$0x7FC]  }
0x291: {  	[sflag:s21] =	ssyncset.done $0x0  }
0x292: {  	[sflag:s21] =	ssyncadd.s32 $0xFFFFFB00  }
0x293: {  	[tilespmem:s19], [sflag:$0xD] =	stream.linear.gather [spmem:s16], $0x500, $0x38;
	[tilespmem:$0x1EC00] =	vst v63  }
0x294: {  	_ =	swait.ge [sflag:s21], $0x500  }
0x295: {  	s16 =	sld [smem:$0x7EB]  }
0x296: {  	[sflag:s21] =	ssyncset.done $0x0  }
0x297: {  	[sflag:s21] =	ssyncadd.s32 $0xFFFFFB00  }
0x298: {  	[hbm4b:s16+s18] =	stream.strided.scatter [tilespmem:s19], [sflag:$0xD], $0x500, s20, s18, $0x38;
	[tilespmem:$0x1EC00] =	vst v63  }
0x299: {  	_ =	swait.ge [sflag:s21], $0x500  }
0x29a: {  	s16 =	sld [smem:$0x7FD]  }
0x29b: {  	[sflag:s21] =	ssyncset.done $0x0  }
0x29c: {  	[sflag:s21] =	ssyncadd.s32 $0xFFFFFB00  }
0x29d: {  	[tilespmem:s19], [sflag:$0xD] =	stream.linear.gather [spmem:s16], $0x500, $0x38;
	[tilespmem:$0x1EC00] =	vst v63  }
0x29e: {  	_ =	swait.ge [sflag:s21], $0x500  }
0x29f: {  	s16 =	sld [smem:$0x7EC]  }
0x2a0: {  	[sflag:s21] =	ssyncset.done $0x0  }
.Ltmp4:
0x2a1: {  	[sflag:s21] =	ssyncadd.s32 $0xFFFFFB00;
	(pc) =	sbr.rel .LBB2_5-.Ltmp4, $4  }
0x2a2: {  	[hbm4b:s16+s18] =	stream.strided.scatter [tilespmem:s19], [sflag:$0xD], $0x500, s20, s18, $0x38;
	[tilespmem:$0x1EC00] =	vst v63  }
0x2a3: {  	_ =	swait.ge [sflag:s21], $0x500  }
0x2a4: {  	[sflag:s21] =	ssyncset.done $0x0  }
0x2a5: {  	[sflag:s21] =	ssyncadd.s32 $0xFFFFFB00  }
.LBB2_6:
0x2a6: {  	_ =	sfence.sel $0x180000  }
0x2a7: {  	[bflag:$0x0] =	sbarrier.arrive $0xFFFF  }
0x2a8: {  	_ =	strace $0x9000004A  }
0x2a9: {  	[bflag:$0x2] =	sbarrier.arrive $0xFFFF  }
0x2aa: {  	s0 =	rddreg [dreg:$0x4]  }
0x2ab: {  	s0 =	sadd.s32 @!p0 $0x100000, s0  }
0x2ac: {  	[sflag:s0] =	ssyncadd.tile.s32 @!p0 $0x1;
	_ =	shalt  }
.Lfunc_end2:
_tile_overlayer_lowered:
.L_overlay_start_2:
0x2ad: {  	(tag) =	ssettag $0x2  }
0x2ae: {  	s0 =	rddreg [dreg:$0x0];
	s2 =	stileid.u32  }
0x2af: {  	s1 =	rddreg [dreg:$0x1];
	p0 =	sne.s32 s2, $0x0  }
0x2b0: {  	s3 =	rddreg [dreg:$0x2];
	[bflag:$0x3] =	sbarrier.arrive $0xFFFF;
	s2 =	simm.s32 @!p0 $0x1C0D  }
0x2b1: {  	[timem:s3], [sflag:s2] =	dma.local @!p0 [hbm:s0], s1  }
0x2b2: {  	s0 =	simm.s32 @!p0 $0xD  }
0x2b3: {  	_ =	swait.ge @!p0 [sflag:s0], s1  }
0x2b4: {  	s1 =	ssub.s32 @!p0 $0x0, s1;
	[sflag:s0] =	ssyncset.done @!p0 $0x0  }
0x2b5: {  	[sflag:s0] =	ssyncadd.s32 @!p0 s1  }
0x2b6: {  	[bflag:$0x3] =	sbarrier.arrive $0xFFFF  }
0x2b7: {  	_ =	shalt  }

// kernel: kernel.7.cloned.1.call-start
scs
__scs_entry_jumppad:
0x0: {  	(pc) =	sbr.rel $0x88, $3  }
0x1: {  	(tag) =	ssettag $0x0;
	lr =	simm.s32 $0x1  }
0x2: {  	[smem:$0x3F99] =	sst lr;
	_ =	strace $0xD0000000  }
0x3: {  	_ = 	snop  }
0x4: {  	_ = 	snop  }
0x5: {  	_ = 	snop  }
0x6: {  	_ = 	snop  }
0x7: {  	_ = 	snop  }
__scs_overlays_trampoline_lowered:
0x8: {  	[smem:$0x3FA8] =	sst s0  }
0x9: {  	[smem:$0x3FA9] =	sst s1  }
0xa: {  	[smem:$0x3FAA] =	sst s2  }
0xb: {  	[smem:$0x3FAB] =	sst s3  }
0xc: {  	[smem:$0x3FAC] =	sst s4  }
0xd: {  	[smem:$0x3FAD] =	sst s5  }
0xe: {  	[smem:$0x3FAE] =	sst s6  }
0xf: {  	[smem:$0x3FAF] =	sst s7  }
0x10: {  	[smem:$0x3FB0] =	sst s8  }
0x11: {  	[smem:$0x3FB1] =	sst s9;
	s0 =	simm.s32 @!p0 $0x0  }
0x12: {  	s1 =	sld [smem:$0x3F97];
	s0 =	simm.s32 @p0 $0x1  }
0x13: {  	[smem:$0x3FB2] =	sst s0;
	s0 =	simm.s32 @!p1 $0x0  }
0x14: {  	s2 =	sld [smem:$0x3F96];
	s0 =	simm.s32 @p1 $0x1  }
0x15: {  	[smem:$0x3FB3] =	sst s0;
	s0 =	simm.s32 @!p2 $0x0  }
0x16: {  	s3 =	sld [smem:$0x3FDB];
	s0 =	simm.s32 @p2 $0x1  }
0x17: {  	s4 =	simm.s32 $0x1BF5;
	[smem:$0x3FB5] =	sst s0  }
0x18: {  	s0 =	sld [smem:$0x3F98];
	_ =	swait.ge [sflag:s4], $0x0  }
0x19: {  	s7 =	sld [smem:$0x3F99]  }
0x1a: {  	s8 =	sadd.s32 $0xFFFFE003, lr  }
0x1b: {  	s9 =	sadd.s32 $0xFFFFFEF7, lr;
	s5 =	simm.s32 $0xFFFFFFFF;
	p2 =	slt.u32 s8, $0xFFFFF086  }
0x1c: {  	p1 =	slt.u32 s9, $0xF7A;
	s5 =	simm.s32 @!p2 $0x0  }
0x1d: {  	s5 =	simm.s32 @p1 $0x1;
	p0 =	seq.s32 s7, s2  }
0x1e: {  	s7 =	smul.u32 @!p0 $0xF7A, s2;
	p2 =	seq.s32 @!p0 s5, $0x0  }
0x1f: {  	s9 =	smul.u32 $0xF7A, s1;
	s8 =	simm.s32 @!p0 $0x1BF5;
	p2 =	por !p2, p0  }
0x20: {  	[sflag:s8] =	ssyncset.s32 @!p0 $0xFFFFF086;
	s6 =	sadd.s32 @!p0 s3, s7;
	s7 =	simm.s32 @!p0 $0x108  }
0x21: {  	s3 =	sadd.s32 s3, s9;
	s6 =	sadd.s32 @!p0 $0x88, s6;
	s7 =	simm.s32 @p2 $0x1082  }
0x22: {  	[simem:s7], [sflag:s8] =	dma.local @!p0 [hbm:s6], $0xF7A  }
0x23: {  	s9 =	sor.u32 $0xD0000000, s2;
	s6 =	simm.s32 $0x108;
	_ =	swait.ge @!p0 [sflag:s8], $0x0  }
0x24: {  	s3 =	sadd.s32 $0x88, s3;
	s6 =	simm.s32 @!p1 $0x1082;
	[sflag:s4] =	ssyncset.s32 $0xFFFFF086  }
0x25: {  	[simem:s6], [sflag:s4] =	dma.local [hbm:s3], $0xF7A  }
0x26: {  	[smem:$0x3F99] =	sst s1;
	(tag) =	ssettag s2;
	_ =	strace s9  }
0x27: {  	s1 =	sld [smem:$0x3FA9]  }
0x28: {  	s2 =	sld [smem:$0x3FAA]  }
0x29: {  	s4 =	sld [smem:$0x3FAC]  }
0x2a: {  	p0 =	seq.s32 s5, $0x0;
	s5 =	sld [smem:$0x3FAD]  }
0x2b: {  	s6 =	sld [smem:$0x3FAE]  }
0x2c: {  	s7 =	sld [smem:$0x3FAF]  }
0x2d: {  	s3 =	simm.s32 $0x108;
	s8 =	sld [smem:$0x3FB0]  }
0x2e: {  	s3 =	simm.s32 @!p0 $0x1082;
	s9 =	sld [smem:$0x3FB1]  }
0x2f: {  	lr =	sadd.s32 s0, s3;
	s0 =	sld [smem:$0x3FA8]  }
0x30: {  	s3 =	sld [smem:$0x3FAB]  }
0x31: {  	[smem:$0x3FB4] =	sst s10  }
0x32: {  	s10 =	sld [smem:$0x3FB2];
	_ =	sdelay $0x3  }
0x33: {  	p0 =	seq.s32 s10, $0x1;
	s10 =	sld [smem:$0x3FB4];
	_ =	sdelay $0x3  }
0x34: {  	[smem:$0x3FB4] =	sst s10  }
0x35: {  	s10 =	sld [smem:$0x3FB3];
	_ =	sdelay $0x3  }
0x36: {  	p1 =	seq.s32 s10, $0x1;
	s10 =	sld [smem:$0x3FB4];
	_ =	sdelay $0x3  }
0x37: {  	[smem:$0x3FB4] =	sst s10  }
0x38: {  	s10 =	sld [smem:$0x3FB5]  }
0x39: {  	_ = 	snop;
	(pc) =	sbr.ind lr, $3  }
0x3a: {  	_ = 	snop  }
0x3b: {  	_ = 	snop  }
0x3c: {  	p2 =	seq.s32 s10, $0x1;
	s10 =	sld [smem:$0x3FB4]  }
0x3d: {  	_ =	shalt  }
0x3e: {  	_ =	shalt  }
0x3f: {  	_ =	shalt  }
0x40: {  	_ =	shalt  }
0x41: {  	_ =	shalt  }
0x42: {  	_ =	shalt  }
0x43: {  	_ =	shalt  }
0x44: {  	_ =	shalt  }
0x45: {  	_ =	shalt  }
0x46: {  	_ =	shalt  }
0x47: {  	_ =	shalt  }
0x48: {  	_ =	shalt  }
0x49: {  	_ =	shalt  }
0x4a: {  	_ =	shalt  }
0x4b: {  	_ =	shalt  }
0x4c: {  	_ =	shalt  }
0x4d: {  	_ =	shalt  }
0x4e: {  	_ =	shalt  }
0x4f: {  	_ =	shalt  }
0x50: {  	_ =	shalt  }
0x51: {  	_ =	shalt  }
0x52: {  	_ =	shalt  }
0x53: {  	_ =	shalt  }
0x54: {  	_ =	shalt  }
0x55: {  	_ =	shalt  }
0x56: {  	_ =	shalt  }
0x57: {  	_ =	shalt  }
0x58: {  	_ =	shalt  }
0x59: {  	_ =	shalt  }
0x5a: {  	_ =	shalt  }
0x5b: {  	_ =	shalt  }
0x5c: {  	_ =	shalt  }
0x5d: {  	_ =	shalt  }
0x5e: {  	_ =	shalt  }
0x5f: {  	_ =	shalt  }
0x60: {  	_ =	shalt  }
0x61: {  	_ =	shalt  }
0x62: {  	_ =	shalt  }
0x63: {  	_ =	shalt  }
0x64: {  	_ =	shalt  }
0x65: {  	_ =	shalt  }
0x66: {  	_ =	shalt  }
0x67: {  	_ =	shalt  }
0x68: {  	_ =	shalt  }
0x69: {  	_ =	shalt  }
0x6a: {  	_ =	shalt  }
0x6b: {  	_ =	shalt  }
0x6c: {  	_ =	shalt  }
0x6d: {  	_ =	shalt  }
0x6e: {  	_ =	shalt  }
0x6f: {  	_ =	shalt  }
0x70: {  	_ =	shalt  }
0x71: {  	_ =	shalt  }
0x72: {  	_ =	shalt  }
0x73: {  	_ =	shalt  }
0x74: {  	_ =	shalt  }
0x75: {  	_ =	shalt  }
0x76: {  	_ =	shalt  }
0x77: {  	_ =	shalt  }
0x78: {  	_ =	shalt  }
0x79: {  	_ =	shalt  }
0x7a: {  	_ =	shalt  }
0x7b: {  	_ =	shalt  }
0x7c: {  	_ =	shalt  }
0x7d: {  	_ =	shalt  }
0x7e: {  	_ =	shalt  }
0x7f: {  	_ =	shalt  }
0x80: {  	_ =	shalt  }
0x81: {  	_ =	shalt  }
0x82: {  	_ =	shalt  }
0x83: {  	_ =	shalt  }
0x84: {  	_ =	shalt  }
0x85: {  	_ =	shalt  }
0x86: {  	_ =	shalt  }
0x87: {  	_ =	shalt  }
.Lfunc_end0:
.L_simem_size_0:
called_computation_lowered:
.L_overlay_start_0:
0x88: {  	s2 =	sld [smem:$0x3FD9]  }
0x89: {  	s3 =	sld [smem:$0x3FFE];
	_ =	sdelay $0x1  }
0x8a: {  	s1 =	srdreg.scid  }
0x8b: {  	s0 =	sand.u32 $0x1, s1  }
0x8c: {  	s17 =	sshll.u32 s0, $0xA;
	s2 =	sadd.s32 s3, s2  }
0x8d: {  	s2 =	sadd.s32 s2, s17  }
0x8e: {  	[smem:$0x3FC0] =	sst s2  }
0x8f: {  	_ = 	snop  }
0x90: {  	s2 =	sld [smem:$0x3FD0];
	(tm) =	ssettm $0x1  }
0x91: {  	s18 =	sld [smem:$0x3FFB];
	_ =	sdelay $0x3  }
0x92: {  	_ =	strace s18  }
0x93: {  	s3 =	sld [smem:$0x3FFC];
	_ =	sdelay $0x3  }
0x94: {  	_ =	strace s3  }
0x95: {  	s3 =	sld [smem:$0x3FFD];
	_ =	sdelay $0x3  }
0x96: {  	_ =	strace s3  }
0x97: {  	_ =	strace $0x8FFFFFFF  }
0x98: {  	s19 =	sld [smem:$0x3FDB];
	_ =	sdelay $0x1  }
0x99: {  	s4 =	simm.s32 $_scs_section_size  }
0x9a: {  	s5 =	simm.s32 $_size__tile_overlayer_lowered;
	s6 =	simm.s32 $_tile_overlayer_lowered  }
0x9b: {  	s22 =	simm.s32 $0x1BFF;
	s21 =	sshll.u32 s6, $0x1;
	s3 =	sadd.s32 s4, s19  }
0x9c: {  	s7 =	simm.s32 $0x0;
	s20 =	sshll.u32 s5, $0x1;
	s5 =	sadd.s32 s21, s3  }
0x9d: {  	[timem:s7], [sflag:s22] =	dma.local [hbm:s5], s20  }
0x9e: {  	_ =	swait.ge [sflag:s22], s20  }
0x9f: {  	s4 =	ssub.s32 $0x0, s20;
	[sflag:s22] =	ssyncset.done $0x0  }
0xa0: {  	[sflag:s22] =	ssyncadd.s32 s4;
	_ =	sdelay $0x1  }
0xa1: {  	s23 =	simm.s32 $0x1B8B  }
0xa2: {  	_ =	swait.ge [sflag:s23], $0x1  }
0xa3: {  	[sflag:s23] =	ssyncset.done $0x0  }
0xa4: {  	s25 =	simm.s32 $0x1B8E;
	s24 =	sld [smem:$0x3FFE];
	[sflag:s23] =	ssyncadd.s32 $0xFFFFFFFF  }
0xa5: {  	s26 =	simm.s32 $execute0_lowered;
	[smem:$0x3FD2] =	sst s25  }
0xa6: {  	s5 =	sshll.u32 s26, $0x1;
	_ =	strace $0x80000046;
	[dreg:$0x1] =	wrdreg $0xFFFFFFFF  }
0xa7: {  	s28 =	simm.s32 $_size_execute0_lowered;
	s3 =	sadd.s32 s3, s5;
	[dreg:$0x0] =	wrdreg $0x0  }
0xa8: {  	s5 =	sshll.u32 s28, $0x1;
	[dreg:$0x2] =	wrdreg s3  }
0xa9: {  	[dreg:$0x3] =	wrdreg s5  }
0xaa: {  	[dreg:$0x4] =	wrdreg $0xC0  }
0xab: {  	_ =	task [dreg:s7], $0x5FFFF  }
0xac: {  	[dreg:$0x1] =	wrdreg $0xFFFFFFFF  }
0xad: {  	[dreg:$0x0] =	wrdreg $0x60  }
0xae: {  	[dreg:$0x2] =	wrdreg s2  }
0xaf: {  	[dreg:$0x3] =	wrdreg s24  }
0xb0: {  	[dreg:$0x4] =	wrdreg $0x9  }
0xb1: {  	_ =	task.clear_ibuf [dreg:s7], $0x5FFFF;
	_ =	strace $0x90000046  }
0xb2: {  	s29 =	simm.s32 $0x9;
	_ =	strace $0x80000048  }
0xb3: {  	_ =	swait.ge [sflag:s29], $0x1  }
0xb4: {  	[sflag:s29] =	ssyncadd.s32 $0xFFFFFFFF  }
0xb5: {  	_ =	strace $0x90000048  }
0xb6: {  	_ =	sfence  }
0xb7: {  	s30 =	sld [smem:$0x0];
	_ =	sdelay $0x2  }
0xb8: {  	s31 =	sshll.u32 s1, $0xD;
	s1 =	sshrl.u32 s1, $0x2  }
0xb9: {  	s3 =	sand.u32 $0x4000, s31;
	s1 =	sadd.s32 s1, s30  }
0xba: {  	s0 =	sor.u32 s3, s0;
	s1 =	sshll.u32 s1, $0x11  }
0xbb: {  	s0 =	sor.u32 s1, s0  }
0xbc: {  	s0 =	sadd.s32 $0x8F2B, s0  }
0xbd: {  	[sflag:s0] =	ssyncadd.remote.s32 $0x1  }
0xbe: {  	_ =	sfence.sel $0xFFFF  }
0xbf: {  	[dreg:$0x0] =	wrdreg $0xFFFFFFFF;
	(pc) =	sbr.abs _section_cstart, $3  }
0xc0: {  	[dreg:$0x1] =	wrdreg $0xFFFFFFFF  }
0xc1: {  	_ =	task.clear_ibuf [dreg:s7], $0x2FFFF;
	_ =	strace $0x9FFFFFFF  }
0xc2: {  	(tm) =	ssettm $0x7FFFFFFF  }
0xc3: {  	_ =	shalt  }
tec
execute0_lowered:
.L_overlay_start_1:
0x0: {  	(tag) =	ssettag $0x1  }
0x1: {  	s2 =	rddreg [dreg:$0x0];
	s0 =	srdreg.scid  }
0x2: {  	s9 =	stileid.u32;
	s1 =	rddreg [dreg:$0x1];
	s3 =	simm.s32 $0x0  }
0x3: {  	s17 =	simm.s32 $0xA;
	s19 =	simm.s32 $0x80;
	s29 =	simm.s32 $0x13680  }
0x4: {  	s30 =	simm.s32 $0x1;
	s0 =	sand.u32 $0x1, s0;
	s4 =	sshll.u32 s9, $0x1  }
0x5: {  	s31 =	simm.s32 $0x2;
	s26 =	smul.u32 $0x4E200, s9;
	s5 =	sor.u32 s0, s4  }
0x6: {  	s18 =	simm.s32 $0x5;
	s28 =	simm.s32 $0x9;
	s6 =	smul.u32 $0x2710, s5  }
0x7: {  	[smem:$0x7FF] =	sst s3;
	s16 =	sadd.s32 $0x1EE00, s1;
	s8 =	smul.u32 $0x138800, s5  }
0x8: {  	_ =	strace $0x80000047;
	s7 =	ssub.s32 $0x2, s0;
	s5 =	smul.u32 $0x27100, s5  }
0x9: {  	s4 =	sadd.s32 $0x14A00, s1;
	s0 =	smul.u32 $0x27100, s0;
	s20 =	sshrl.u32 s7, $0x1  }
0xa: {  	s6 =	sshrl.u32 s6, $0x3;
	s22 =	sshrl.u32 s8, $0x3;
	s11 =	sadd.s32 s16, s5  }
0xb: {  	s5 =	simm.s32 $0x0;
	s1 =	sadd.s32 s6, s1;
	s6 =	ssub.s32 s7, s20  }
0xc: {  	s7 =	sadd.s32 s16, s22;
	s13 =	sadd.s32 $0x800, s11;
	s14 =	sadd.s32 $0x1000, s11  }
0xd: {  	s15 =	sadd.s32 $0x1800, s11;
	s20 =	simm.s32 $0x10;
	s21 =	sadd.s32 $0xE00, s1  }
0xe: {  	s22 =	simm.s32 $0x7;
	s23 =	sadd.s32 $0xAC00, s1;
	[dreg:$0x3] =	wrdreg s21  }
0xf: {  	s24 =	sadd.s32 $0x26000, s7;
	s25 =	sadd.s32 $0x26800, s7;
	[dreg:$0x4] =	wrdreg s23  }
0x10: {  	s7 =	sadd.s32 $0x27000, s7;
	s10 =	sadd.s32 $0x15000, s1;
	[dreg:$0x5] =	wrdreg s24  }
0x11: {  	s12 =	smax.u32 s6, $0x1;
	s1 =	sadd.s32 s26, s16;
	[dreg:$0x6] =	wrdreg s25  }
0x12: {  	s26 =	simm.s32 $0xF680;
	[dreg:$0x7] =	wrdreg s7;
	s16 =	sadd.s32 s0, s1  }
0x13: {  	s23 =	simm.s32 $0x7680;
	s24 =	simm.s32 $0xB680;
	s1 =	simm.s32 $0x3  }
0x14: {  	s0 =	simm.s32 $0x4;
	s21 =	simm.s32 $0x6;
	s25 =	simm.s32 $0x8  }
.LBB2_1:
0x15: {  	s6 =	rddreg [dreg:$0x3]  }
0x16: {  	[tilespmem:s3], [sflag:$0xA] =	stream.linear.gather [hbm4b:s6+s3], $0x2710, $0x38;
	[tilespmem:$0x17680] =	vst v63  }
0x17: {  	_ =	swait.ge [sflag:s17], $0x2710  }
0x18: {  	[sflag:s17] =	ssyncset.done $0x0  }
0x19: {  	s7 =	simm.s32 $0x2780;
	s9 =	rddreg [dreg:$0x4];
	[sflag:s17] =	ssyncadd.s32 $0xFFFFD8F0  }
0x1a: {  	[tilespmem:s7], [sflag:$0xA] =	stream.linear.gather [hbm4b:s9+s3], $0x2710, $0x38;
	[tilespmem:$0x17680] =	vst v63  }
0x1b: {  	_ =	swait.ge [sflag:s17], $0x2710  }
0x1c: {  	s8 =	simm.s32 $0x2780;
	[sflag:s17] =	ssyncset.done $0x0  }
0x1d: {  	s6 =	simm.s32 $0x200;
	s7 =	simm.s32 $0x4F00;
	[sflag:s17] =	ssyncadd.s32 $0xFFFFD8F0  }
.LBB2_2:
0x1e: {  	[tilespmem:s7], [sflag:$0x9] =	stream.indirect.gather [hbm4b:s4+s19], $0x1, s8, s19, $0xb8;
	[tilespmem:$0x17680] =	vst v63  }
0x1f: {  	s7 =	smov.u32 s6;
	p0 =	sne.s32 s6, $0x9A00  }
.Ltmp0:
0x20: {  	s6 =	sadd.s32 $0x200, s6;
	(pc) =	sbr.rel @p0 .LBB2_2-.Ltmp0, $3  }
0x21: {  	_ =	sdelay $0x1  }
0x22: {  	s8 =	sshra.s32 s7, $0x2  }
0x23: {  	s7 =	sadd.s32 $0x4F00, s8;
	s8 =	sadd.s32 $0x2780, s8  }
0x24: {  	[tilespmem:s7], [sflag:$0x9] =	stream.indirect.gather [hbm4b:s4+s19], $0x1, s8, s19, $0xb8;
	[tilespmem:$0x17680] =	vst v63  }
0x25: {  	s6 =	simm.s32 $0x4E80;
	s9 =	simm.s32 $0x7600  }
0x26: {  	[tilespmem:s9], [sflag:$0x9] =	stream.indirect.gather [hbm4b:s4+s20], $0x1, s6, s20, $0xb8;
	[tilespmem:$0x17680] =	vst v63  }
0x27: {  	s6 =	simm.s32 $0x0  }
0x28: {  	[tilespmem:s23], [sflag:$0x1] =	stream.indirect.gather [hbm4b:s2+s19], $0x80, s6, s19, $0xb8;
	[tilespmem:$0x17680] =	vst v63  }
0x29: {  	_ = 	snop  }
0x2a: {  	[tilespmem:s24], [sflag:$0x2] =	stream.indirect.gather [hbm4b:s2+s19], $0x80, s19, s19, $0xb8;
	[tilespmem:$0x17680] =	vst v63  }
0x2b: {  	s8 =	simm.s32 $0x100  }
0x2c: {  	[tilespmem:s26], [sflag:$0x3] =	stream.indirect.gather [hbm4b:s2+s19], $0x80, s8, s19, $0xb8;
	[tilespmem:$0x17680] =	vst v63  }
0x2d: {  	s9 =	simm.s32 $0x180  }
0x2e: {  	[tilespmem:s29], [sflag:$0x4] =	stream.indirect.gather [hbm4b:s2+s19], $0x80, s9, s19, $0xb8;
	[tilespmem:$0x17680] =	vst v63  }
0x2f: {  	_ =	swait.ge [sflag:s30], $0x4000  }
0x30: {  	[sflag:s30] =	ssyncset.done $0x0  }
0x31: {  	[sflag:s30] =	ssyncadd.s32 $0xFFFFC000  }
0x32: {  	[hbm4b:s11+s6] =	stream.linear.scatter [tilespmem:s23], [sflag:$0x5], $0x4000, $0x38;
	[tilespmem:$0x17680] =	vst v63  }
0x33: {  	_ =	swait.ge [sflag:s31], $0x4000  }
0x34: {  	[sflag:s31] =	ssyncset.done $0x0  }
0x35: {  	[sflag:s31] =	ssyncadd.s32 $0xFFFFC000  }
0x36: {  	[hbm4b:s13+s6] =	stream.linear.scatter [tilespmem:s24], [sflag:$0x6], $0x4000, $0x38;
	[tilespmem:$0x17680] =	vst v63  }
0x37: {  	_ =	swait.ge [sflag:s1], $0x4000  }
0x38: {  	[sflag:s1] =	ssyncset.done $0x0  }
0x39: {  	[sflag:s1] =	ssyncadd.s32 $0xFFFFC000  }
0x3a: {  	[hbm4b:s14+s6] =	stream.linear.scatter [tilespmem:s26], [sflag:$0x7], $0x4000, $0x38;
	[tilespmem:$0x17680] =	vst v63  }
0x3b: {  	_ =	swait.ge [sflag:s0], $0x4000  }
0x3c: {  	[sflag:s0] =	ssyncset.done $0x0  }
0x3d: {  	[sflag:s0] =	ssyncadd.s32 $0xFFFFC000  }
0x3e: {  	[hbm4b:s15+s6] =	stream.linear.scatter [tilespmem:s29], [sflag:$0x8], $0x4000, $0x38;
	[tilespmem:$0x17680] =	vst v63  }
0x3f: {  	_ =	swait.ge [sflag:s18], $0x4000  }
0x40: {  	[sflag:s18] =	ssyncset.done $0x0  }
0x41: {  	s8 =	simm.s32 $0x200;
	[sflag:s18] =	ssyncadd.s32 $0xFFFFC000  }
0x42: {  	[tilespmem:s23], [sflag:$0x1] =	stream.indirect.gather [hbm4b:s2+s19], $0x80, s8, s19, $0xb8;
	[tilespmem:$0x17680] =	vst v63  }
0x43: {  	_ =	swait.ge [sflag:s21], $0x4000  }
0x44: {  	[sflag:s21] =	ssyncset.done $0x0  }
0x45: {  	s9 =	simm.s32 $0x280;
	[sflag:s21] =	ssyncadd.s32 $0xFFFFC000  }
0x46: {  	[tilespmem:s24], [sflag:$0x2] =	stream.indirect.gather [hbm4b:s2+s19], $0x80, s9, s19, $0xb8;
	[tilespmem:$0x17680] =	vst v63  }
0x47: {  	_ =	swait.ge [sflag:s22], $0x4000  }
0x48: {  	[sflag:s22] =	ssyncset.done $0x0  }
0x49: {  	s7 =	simm.s32 $0x300;
	[sflag:s22] =	ssyncadd.s32 $0xFFFFC000  }
0x4a: {  	[tilespmem:s26], [sflag:$0x3] =	stream.indirect.gather [hbm4b:s2+s19], $0x80, s7, s19, $0xb8;
	[tilespmem:$0x17680] =	vst v63  }
0x4b: {  	_ =	swait.ge [sflag:s25], $0x4000  }
0x4c: {  	[sflag:s25] =	ssyncset.done $0x0  }
0x4d: {  	s8 =	simm.s32 $0x380;
	[sflag:s25] =	ssyncadd.s32 $0xFFFFC000  }
0x4e: {  	[tilespmem:s29], [sflag:$0x4] =	stream.indirect.gather [hbm4b:s2+s19], $0x80, s8, s19, $0xb8;
	[tilespmem:$0x17680] =	vst v63  }
0x4f: {  	_ =	swait.ge [sflag:s30], $0x4000  }
0x50: {  	s7 =	sadd.s32 $0x0, s16;
	[sflag:s30] =	ssyncset.done $0x0  }
0x51: {  	s9 =	sadd.s32 $0x2000, s7;
	[sflag:s30] =	ssyncadd.s32 $0xFFFFC000  }
0x52: {  	[hbm4b:s9+s3] =	stream.linear.scatter [tilespmem:s23], [sflag:$0x5], $0x4000, $0x38;
	[tilespmem:$0x17680] =	vst v63  }
0x53: {  	_ =	swait.ge [sflag:s31], $0x4000  }
0x54: {  	[sflag:s31] =	ssyncset.done $0x0  }
0x55: {  	s8 =	sadd.s32 $0x2800, s7;
	[sflag:s31] =	ssyncadd.s32 $0xFFFFC000  }
0x56: {  	[hbm4b:s8+s3] =	stream.linear.scatter [tilespmem:s24], [sflag:$0x6], $0x4000, $0x38;
	[tilespmem:$0x17680] =	vst v63  }
0x57: {  	_ =	swait.ge [sflag:s1], $0x4000  }
0x58: {  	[sflag:s1] =	ssyncset.done $0x0  }
0x59: {  	s9 =	sadd.s32 $0x3000, s7;
	[sflag:s1] =	ssyncadd.s32 $0xFFFFC000  }
0x5a: {  	[hbm4b:s9+s3] =	stream.linear.scatter [tilespmem:s26], [sflag:$0x7], $0x4000, $0x38;
	[tilespmem:$0x17680] =	vst v63  }
0x5b: {  	_ =	swait.ge [sflag:s0], $0x4000  }
0x5c: {  	s6 =	simm.s32 $0x2000;
	[sflag:s0] =	ssyncset.done $0x0  }
0x5d: {  	s8 =	sadd.s32 $0x3800, s7;
	s7 =	simm.s32 $0x580;
	[sflag:s0] =	ssyncadd.s32 $0xFFFFC000  }
.LBB2_4:
0x5e: {  	[hbm4b:s8+s3] =	stream.linear.scatter [tilespmem:s29], [sflag:$0x8], $0x4000, $0x38;
	[tilespmem:$0x17680] =	vst v63  }
0x5f: {  	s8 =	smov.u32 s6  }
0x60: {  	p0 =	sne.s32 s6, $0x22000;
	s6 =	sadd.s32 $0x2000, s6;
	_ =	swait.ge [sflag:s18], $0x4000  }
0x61: {  	[sflag:s18] =	ssyncset.done $0x0  }
0x62: {  	s9 =	sadd.s32 $0xFFFFFE80, s7;
	[sflag:s18] =	ssyncadd.s32 $0xFFFFC000  }
0x63: {  	[tilespmem:s23], [sflag:$0x1] =	stream.indirect.gather [hbm4b:s2+s19], $0x80, s9, s19, $0xb8;
	[tilespmem:$0x17680] =	vst v63  }
0x64: {  	_ =	swait.ge [sflag:s21], $0x4000  }
0x65: {  	[sflag:s21] =	ssyncset.done $0x0  }
0x66: {  	s9 =	sadd.s32 $0xFFFFFF00, s7;
	[sflag:s21] =	ssyncadd.s32 $0xFFFFC000  }
0x67: {  	[tilespmem:s24], [sflag:$0x2] =	stream.indirect.gather [hbm4b:s2+s19], $0x80, s9, s19, $0xb8;
	[tilespmem:$0x17680] =	vst v63  }
0x68: {  	_ =	swait.ge [sflag:s22], $0x4000  }
0x69: {  	[sflag:s22] =	ssyncset.done $0x0  }
0x6a: {  	s9 =	sadd.s32 $0xFFFFFF80, s7;
	[sflag:s22] =	ssyncadd.s32 $0xFFFFC000  }
0x6b: {  	[tilespmem:s26], [sflag:$0x3] =	stream.indirect.gather [hbm4b:s2+s19], $0x80, s9, s19, $0xb8;
	[tilespmem:$0x17680] =	vst v63  }
0x6c: {  	_ =	swait.ge [sflag:s25], $0x4000  }
0x6d: {  	[sflag:s25] =	ssyncset.done $0x0  }
0x6e: {  	[sflag:s25] =	ssyncadd.s32 $0xFFFFC000  }
0x6f: {  	[tilespmem:s29], [sflag:$0x4] =	stream.indirect.gather [hbm4b:s2+s19], $0x80, s7, s19, $0xb8;
	[tilespmem:$0x17680] =	vst v63  }
0x70: {  	_ =	swait.ge [sflag:s30], $0x4000  }
0x71: {  	s8 =	sadd.s32 s8, s16;
	[sflag:s30] =	ssyncset.done $0x0  }
0x72: {  	s9 =	sadd.s32 $0x2000, s8;
	[sflag:s30] =	ssyncadd.s32 $0xFFFFC000  }
0x73: {  	[hbm4b:s9+s3] =	stream.linear.scatter [tilespmem:s23], [sflag:$0x5], $0x4000, $0x38;
	[tilespmem:$0x17680] =	vst v63  }
0x74: {  	_ =	swait.ge [sflag:s31], $0x4000  }
0x75: {  	[sflag:s31] =	ssyncset.done $0x0  }
0x76: {  	s9 =	sadd.s32 $0x2800, s8;
	[sflag:s31] =	ssyncadd.s32 $0xFFFFC000  }
0x77: {  	[hbm4b:s9+s3] =	stream.linear.scatter [tilespmem:s24], [sflag:$0x6], $0x4000, $0x38;
	[tilespmem:$0x17680] =	vst v63  }
0x78: {  	_ =	swait.ge [sflag:s1], $0x4000  }
0x79: {  	[sflag:s1] =	ssyncset.done $0x0  }
.Ltmp1:
0x7a: {  	s9 =	sadd.s32 $0x3000, s8;
	[sflag:s1] =	ssyncadd.s32 $0xFFFFC000;
	(pc) =	sbr.rel @p0 .LBB2_4-.Ltmp1, $4  }
0x7b: {  	[hbm4b:s9+s3] =	stream.linear.scatter [tilespmem:s26], [sflag:$0x7], $0x4000, $0x38;
	[tilespmem:$0x17680] =	vst v63  }
0x7c: {  	_ =	swait.ge [sflag:s0], $0x4000  }
0x7d: {  	[sflag:s0] =	ssyncset.done $0x0  }
0x7e: {  	s7 =	sadd.s32 $0x200, s7;
	s8 =	sadd.s32 $0x3800, s8;
	[sflag:s0] =	ssyncadd.s32 $0xFFFFC000  }
0x7f: {  	[hbm4b:s8+s3] =	stream.linear.scatter [tilespmem:s29], [sflag:$0x8], $0x4000, $0x38;
	[tilespmem:$0x17680] =	vst v63  }
0x80: {  	_ =	swait.ge [sflag:s18], $0x4000  }
0x81: {  	[sflag:s18] =	ssyncset.done $0x0  }
0x82: {  	[sflag:s18] =	ssyncadd.s32 $0xFFFFC000  }
0x83: {  	_ =	swait.ge [sflag:s21], $0x4000  }
0x84: {  	[sflag:s21] =	ssyncset.done $0x0  }
0x85: {  	[sflag:s21] =	ssyncadd.s32 $0xFFFFC000  }
0x86: {  	_ =	swait.ge [sflag:s22], $0x4000  }
0x87: {  	[sflag:s22] =	ssyncset.done $0x0  }
0x88: {  	[sflag:s22] =	ssyncadd.s32 $0xFFFFC000  }
0x89: {  	_ =	swait.ge [sflag:s25], $0x4000  }
0x8a: {  	[sflag:s25] =	ssyncset.done $0x0  }
0x8b: {  	s6 =	simm.s32 $0x2600;
	[sflag:s25] =	ssyncadd.s32 $0xFFFFC000  }
0x8c: {  	[tilespmem:s23], [sflag:$0x1] =	stream.indirect.gather [hbm4b:s2+s19], $0x80, s6, s19, $0xb8;
	[tilespmem:$0x17680] =	vst v63  }
0x8d: {  	s7 =	simm.s32 $0x2680  }
0x8e: {  	[tilespmem:s24], [sflag:$0x2] =	stream.indirect.gather [hbm4b:s2+s19], $0x80, s7, s19, $0xb8;
	[tilespmem:$0x17680] =	vst v63  }
0x8f: {  	_ =	swait.ge [sflag:s30], $0x4000  }
0x90: {  	[sflag:s30] =	ssyncset.done $0x0  }
0x91: {  	s8 =	rddreg [dreg:$0x5];
	[sflag:s30] =	ssyncadd.s32 $0xFFFFC000  }
0x92: {  	[hbm4b:s8+s3] =	stream.linear.scatter [tilespmem:s23], [sflag:$0xA], $0x4000, $0x38;
	[tilespmem:$0x17680] =	vst v63  }
0x93: {  	_ =	swait.ge [sflag:s17], $0x4000  }
0x94: {  	[sflag:s17] =	ssyncset.done $0x0  }
0x95: {  	[sflag:s17] =	ssyncadd.s32 $0xFFFFC000  }
0x96: {  	_ =	swait.ge [sflag:s31], $0x4000  }
0x97: {  	[sflag:s31] =	ssyncset.done $0x0  }
0x98: {  	s9 =	rddreg [dreg:$0x6];
	[sflag:s31] =	ssyncadd.s32 $0xFFFFC000  }
0x99: {  	[hbm4b:s9+s3] =	stream.linear.scatter [tilespmem:s24], [sflag:$0xA], $0x4000, $0x38;
	[tilespmem:$0x17680] =	vst v63  }
0x9a: {  	_ =	swait.ge [sflag:s17], $0x4000  }
0x9b: {  	[sflag:s17] =	ssyncset.done $0x0  }
0x9c: {  	s7 =	simm.s32 $0x2700;
	[sflag:s17] =	ssyncadd.s32 $0xFFFFC000  }
0x9d: {  	[tilespmem:s23], [sflag:$0x1] =	stream.indirect.gather [hbm4b:s2+s20], $0x80, s7, s20, $0xb8;
	[tilespmem:$0x17680] =	vst v63  }
0x9e: {  	_ =	swait.ge [sflag:s30], $0x800  }
0x9f: {  	[sflag:s30] =	ssyncset.done $0x0  }
0xa0: {  	s8 =	rddreg [dreg:$0x7];
	[sflag:s30] =	ssyncadd.s32 $0xFFFFF800  }
0xa1: {  	[hbm4b:s8+s3] =	stream.linear.scatter [tilespmem:s23], [sflag:$0xA], $0x800, $0x38;
	[tilespmem:$0x17680] =	vst v63  }
0xa2: {  	_ =	swait.ge [sflag:s17], $0x800  }
0xa3: {  	[sflag:s17] =	ssyncset.done $0x0  }
0xa4: {  	[sflag:s17] =	ssyncadd.s32 $0xFFFFF800  }
0xa5: {  	s5 =	sadd.s32 $0x1, s5;
	_ =	swait.ge [sflag:s28], $0x2710  }
0xa6: {  	p0 =	sne.s32 s5, s12;
	[sflag:s28] =	ssyncset.done $0x0  }
.Ltmp2:
0xa7: {  	s9 =	simm.s32 $0x4F00;
	[sflag:s28] =	ssyncadd.s32 $0xFFFFD8F0;
	(pc) =	sbr.rel @p0 .LBB2_1-.Ltmp2, $4  }
0xa8: {  	[hbm4b:s10+s3] =	stream.linear.scatter [tilespmem:s9], [sflag:$0xA], $0x2710, $0x38;
	[tilespmem:$0x17680] =	vst v63  }
0xa9: {  	_ =	swait.ge [sflag:s17], $0x2710  }
0xaa: {  	[sflag:s17] =	ssyncset.done $0x0  }
0xab: {  	[sflag:s17] =	ssyncadd.s32 $0xFFFFD8F0  }
0xac: {  	_ =	sfence.sel $0x180000  }
0xad: {  	[bflag:$0x0] =	sbarrier.arrive $0xFFFF  }
0xae: {  	_ =	strace $0x90000047  }
0xaf: {  	s0 =	stileid.u32;
	[bflag:$0x2] =	sbarrier.arrive $0xFFFF  }
0xb0: {  	p0 =	sne.s32 s0, $0x0;
	s0 =	rddreg [dreg:$0x2]  }
0xb1: {  	s0 =	sadd.s32 @!p0 $0x100000, s0  }
0xb2: {  	[sflag:s0] =	ssyncadd.tile.s32 @!p0 $0x1;
	_ =	shalt  }
.Lfunc_end2:
_tile_overlayer_lowered:
.L_overlay_start_2:
0xb3: {  	(tag) =	ssettag $0x2  }
0xb4: {  	s0 =	rddreg [dreg:$0x0];
	s2 =	stileid.u32  }
0xb5: {  	s1 =	rddreg [dreg:$0x1];
	p0 =	sne.s32 s2, $0x0  }
0xb6: {  	s3 =	rddreg [dreg:$0x2];
	[bflag:$0x3] =	sbarrier.arrive $0xFFFF;
	s2 =	simm.s32 @!p0 $0x1C0A  }
0xb7: {  	[timem:s3], [sflag:s2] =	dma.local @!p0 [hbm:s0], s1  }
0xb8: {  	s0 =	simm.s32 @!p0 $0xA  }
0xb9: {  	_ =	swait.ge @!p0 [sflag:s0], s1  }
0xba: {  	s1 =	ssub.s32 @!p0 $0x0, s1;
	[sflag:s0] =	ssyncset.done @!p0 $0x0  }
0xbb: {  	[sflag:s0] =	ssyncadd.s32 @!p0 s1  }
0xbc: {  	[bflag:$0x3] =	sbarrier.arrive $0xFFFF  }
0xbd: {  	_ =	shalt  }

</sc_bundles>
